<compile_context>
chip_gen: v7x
topology: tpu7x:2x2x1
jax: 0.10.2.dev20260603
libtpu: 0.0.44.dev20260713+nightly
codegen_flags: <defaults>
</compile_context>

<pallas_src>
import functools

import jax
import jax.numpy as jnp
from jax import lax
from jax.experimental import pallas as pl
from jax.experimental.pallas import tpu as pltpu
from jax.experimental.pallas import tpu_sc as plsc

N_NODES = 10000
N_EDGES = 320000
D_FEAT = 128
D_EDGE = 16
HID = 128
N_TGT = 128

_NC, _NS = 2, 16
_C = 64
_EPT = N_EDGES // (_NC * _NS)
_NQ = 39
_TAIL = _EPT - 4 * _NQ * _C
_CC = 80
_WR = 80
_NWCHUNK = N_NODES // _WR
_EB = 2000
_NB = 1000



def _xw_body(x_ref, w_ref, o_ref):
    o_ref[...] = jnp.dot(x_ref[...], w_ref[...],
                         preferred_element_type=jnp.float32)


def _xw_call(x, w1a_x):
    return pl.pallas_call(
        _xw_body,
        out_shape=jax.ShapeDtypeStruct((N_NODES, HID), jnp.float32),
    )(x, w1a_x)


def _eaw_body(ea_ref, w_ref, b_ref, o_ref):
    o_ref[...] = jnp.dot(ea_ref[...], w_ref[...],
                         preferred_element_type=jnp.float32) + b_ref[...]


def _eaw_call(ea, w1a_e, b1a):
    return pl.pallas_call(
        _eaw_body,
        grid=(N_EDGES // _EB,),
        in_specs=[
            pl.BlockSpec((_EB, D_EDGE), lambda i: (i, 0)),
            pl.BlockSpec((D_EDGE, HID), lambda i: (0, 0)),
            pl.BlockSpec((1, HID), lambda i: (0, 0)),
        ],
        out_specs=pl.BlockSpec((_EB, HID), lambda i: (i, 0)),
        out_shape=jax.ShapeDtypeStruct((N_EDGES, HID), jnp.float32),
    )(ea, w1a_e, b1a.reshape(1, HID))



def _relu_add(gath, eaw, lo, n):
    @pl.loop(lo, lo + n)
    def _row(r):
        for k in range(HID // 16):
            sl = pl.ds(k * 16, 16)
            gath[r, sl] = jnp.maximum(gath[r, sl] + eaw[r, sl], 0.0)


def _sc_edge_body(xw_hbm, eaw_hbm, col_hbm, row_hbm, sums_hbm,
                  idx_c0, idx_r0, idx_c1, idx_r1,
                  idx_c2, idx_r2, idx_c3, idx_r3, idx_tc, idx_tr,
                  eaw_v, gath_a, gath_b, acc_sh,
                  sem_ic0, sem_ir0, sem_ic1, sem_ir1,
                  sem_ic2, sem_ir2, sem_ic3, sem_ir3,
                  sem_ga, sem_gb, sem_e, sem_sa, sem_sb):
    c = lax.axis_index("c")
    s = lax.axis_index("s")
    zero = jnp.zeros((16,), jnp.float32)
    idx_c = [idx_c0, idx_c1, idx_c2, idx_c3]
    idx_r = [idx_r0, idx_r1, idx_r2, idx_r3]
    sem_ic = [sem_ic0, sem_ic1, sem_ic2, sem_ic3]
    sem_ir = [sem_ir0, sem_ir1, sem_ir2, sem_ir3]
    gath = [gath_a, gath_b]
    sem_g = [sem_ga, sem_gb]
    sem_s = [sem_sa, sem_sb]

    @pl.loop(0, _C)
    def _zrow(i):
        for k in range(HID // 16):
            gath_a[i, pl.ds(k * 16, 16)] = zero

    @pl.loop(s, N_NODES // _C, step=_NS)
    def _zinit(t):
        pltpu.sync_copy(gath_a, acc_sh.at[pl.ds(t * _C, _C)])
    plsc.subcore_barrier()

    base = (c * _NS + s) * _EPT

    def idx_issue(off, k):
        pltpu.async_copy(col_hbm.at[pl.ds(off, _C)], idx_c[k], sem_ic[k])
        pltpu.async_copy(row_hbm.at[pl.ds(off, _C)], idx_r[k], sem_ir[k])

    def idx_wait(off, k):
        pltpu.make_async_copy(col_hbm.at[pl.ds(off, _C)], idx_c[k],
                              sem_ic[k]).wait()
        pltpu.make_async_copy(row_hbm.at[pl.ds(off, _C)], idx_r[k],
                              sem_ir[k]).wait()

    def eaw_issue(off):
        pltpu.async_copy(eaw_hbm.at[pl.ds(off, _C)], eaw_v, sem_e)

    def eaw_wait(off):
        pltpu.make_async_copy(eaw_hbm.at[pl.ds(off, _C)], eaw_v,
                              sem_e).wait()

    def g_issue(k, m):
        pltpu.async_copy(xw_hbm.at[idx_c[k]], gath[m], sem_g[m])

    def g_wait(k, m):
        pltpu.make_async_copy(xw_hbm.at[idx_c[k]], gath[m], sem_g[m]).wait()

    def s_issue(k, m):
        pltpu.async_copy(gath[m], acc_sh.at[idx_r[k]], sem_s[m], add=True)

    def s_wait(k, m):
        pltpu.make_async_copy(gath[m], acc_sh.at[idx_r[k]], sem_s[m]).wait()

    for k in range(4):
        idx_issue(base + k * _C, k)
    eaw_issue(base)
    idx_wait(base, 0)
    g_issue(0, 0)

    @pl.loop(0, _NQ)
    def _body(q):
        g0 = base + q * (4 * _C)
        g1, g2, g3 = g0 + _C, g0 + 2 * _C, g0 + 3 * _C

        @pl.when(q > 0)
        def _w0():
            s_wait(3, 1)
            idx_issue(g3, 3)
        idx_wait(g1, 1)
        g_issue(1, 1)
        eaw_wait(g0)
        g_wait(0, 0)
        _relu_add(gath_a, eaw_v, 0, _C)
        s_issue(0, 0)
        eaw_issue(g1)

        s_wait(0, 0)

        @pl.when(q < _NQ - 1)
        def _p0():
            idx_issue(g0 + 4 * _C, 0)
        idx_wait(g2, 2)
        g_issue(2, 0)
        eaw_wait(g1)
        g_wait(1, 1)
        _relu_add(gath_b, eaw_v, 0, _C)
        s_issue(1, 1)
        eaw_issue(g2)

        s_wait(1, 1)

        @pl.when(q < _NQ - 1)
        def _p1():
            idx_issue(g1 + 4 * _C, 1)
        idx_wait(g3, 3)
        g_issue(3, 1)
        eaw_wait(g2)
        g_wait(2, 0)
        _relu_add(gath_a, eaw_v, 0, _C)
        s_issue(2, 0)
        eaw_issue(g3)

        s_wait(2, 0)

        @pl.when(q < _NQ - 1)
        def _p2():
            idx_issue(g2 + 4 * _C, 2)
            idx_wait(g0 + 4 * _C, 0)
            g_issue(0, 0)
        eaw_wait(g3)
        g_wait(3, 1)
        _relu_add(gath_b, eaw_v, 0, _C)
        s_issue(3, 1)

        @pl.when(q < _NQ - 1)
        def _p3():
            eaw_issue(g0 + 4 * _C)

    offt = base + 4 * _NQ * _C
    pltpu.sync_copy(col_hbm.at[pl.ds(offt, _TAIL)], idx_tc)
    pltpu.sync_copy(row_hbm.at[pl.ds(offt, _TAIL)], idx_tr)
    pltpu.sync_copy(eaw_hbm.at[pl.ds(offt, _TAIL)],
                    eaw_v.at[pl.ds(0, _TAIL)])
    pltpu.async_copy(xw_hbm.at[idx_tc], gath_a.at[pl.ds(0, _TAIL)],
                     sem_ga).wait()
    _relu_add(gath_a, eaw_v, 0, _TAIL)
    pltpu.async_copy(gath_a.at[pl.ds(0, _TAIL)], acc_sh.at[idx_tr],
                     sem_sa, add=True)
    s_wait(3, 1)
    pltpu.make_async_copy(gath_a.at[pl.ds(0, _TAIL)], acc_sh.at[idx_tr],
                          sem_sa).wait()

    plsc.subcore_barrier()

    @pl.loop(s, _NWCHUNK, step=_NS)
    def _wout(t):
        off = t * _WR
        pltpu.sync_copy(acc_sh.at[pl.ds(off, _WR)],
                        gath_a.at[pl.ds(0, _WR)])
        pltpu.sync_copy(gath_a.at[pl.ds(0, _WR)],
                        sums_hbm.at[c, pl.ds(off, _WR)])


_sc_edge = functools.partial(
    pl.kernel,
    out_type=jax.ShapeDtypeStruct((_NC, N_NODES, HID), jnp.float32),
    mesh=plsc.VectorSubcoreMesh(core_axis_name="c", subcore_axis_name="s",
                                num_cores=_NC, num_subcores=_NS),
    scratch_types=(
        [pltpu.VMEM((_C,), jnp.int32) for _ in range(8)]
        + [pltpu.VMEM((_TAIL,), jnp.int32) for _ in range(2)]
        + [
            pltpu.VMEM((_C, HID), jnp.float32),
            pltpu.VMEM((_C, HID), jnp.float32),
            pltpu.VMEM((_C, HID), jnp.float32),
            pltpu.VMEM_SHARED((N_NODES, HID), jnp.float32),
        ]
        + [pltpu.SemaphoreType.DMA for _ in range(13)]
    ),
)(_sc_edge_body)



def _sc_cnt_body(row_hbm, cnts_hbm, idx_v, cnt_v):
    c = lax.axis_index("c")
    s = lax.axis_index("s")
    zero = jnp.zeros((16,), jnp.float32)
    one = jnp.ones((16,), jnp.float32)

    @pl.loop(0, N_NODES // 16)
    def _zcnt(i):
        cnt_v[pl.ds(i * 16, 16)] = zero

    base = (c * _NS + s) * _EPT

    @pl.loop(0, _EPT // _CC)
    def _chunk(g):
        pltpu.sync_copy(row_hbm.at[pl.ds(base + g * _CC, _CC)], idx_v)

        @pl.loop(0, _CC // 16)
        def _hist(j):
            iv = idx_v[pl.ds(j * 16, 16)]
            plsc.addupdate_scatter(cnt_v, [iv], one)

    pltpu.sync_copy(cnt_v, cnts_hbm.at[c * _NS + s])


_sc_cnt = functools.partial(
    pl.kernel,
    out_type=jax.ShapeDtypeStruct((_NC * _NS, N_NODES), jnp.float32),
    mesh=plsc.VectorSubcoreMesh(core_axis_name="c", subcore_axis_name="s",
                                num_cores=_NC, num_subcores=_NS),
    compiler_params=pltpu.CompilerParams(needs_layout_passes=False),
    scratch_types=[
        pltpu.VMEM((_CC,), jnp.int32),
        pltpu.VMEM((N_NODES,), jnp.float32),
    ],
)(_sc_cnt_body)



def _node_body(x_ref, s_ref, c_ref, w1b_ref, b1b_ref, w2a_ref, b2a_ref,
               w2b_ref, b2b_ref, o_ref):
    ssum = s_ref[0] + s_ref[1]
    cnt = jnp.sum(c_ref[...], axis=1, keepdims=True)
    m = ssum / jnp.maximum(cnt, 1.0)
    mean = jnp.dot(m, w1b_ref[...], preferred_element_type=jnp.float32)
    mean = jnp.where(cnt > 0.0, mean + b1b_ref[...], 0.0)
    h = jnp.dot(x_ref[...], w2a_ref[:D_FEAT, :],
                preferred_element_type=jnp.float32)
    h = h + jnp.dot(mean, w2a_ref[D_FEAT:, :],
                    preferred_element_type=jnp.float32)
    h = jnp.maximum(h + b2a_ref[...], 0.0)
    o_ref[...] = jnp.dot(h, w2b_ref[...],
                         preferred_element_type=jnp.float32) + b2b_ref[...]


def _node_call(x, sums, cnts, w1b, b1b, w2a, b2a, w2b, b2b):
    nb = _NB
    return pl.pallas_call(
        _node_body,
        grid=(N_NODES // nb,),
        in_specs=[
            pl.BlockSpec((nb, D_FEAT), lambda i: (i, 0)),
            pl.BlockSpec((_NC, nb, HID), lambda i: (0, i, 0)),
            pl.BlockSpec((nb, _NC * _NS), lambda i: (i, 0)),
            pl.BlockSpec((HID, HID), lambda i: (0, 0)),
            pl.BlockSpec((1, HID), lambda i: (0, 0)),
            pl.BlockSpec((HID + D_FEAT, HID), lambda i: (0, 0)),
            pl.BlockSpec((1, HID), lambda i: (0, 0)),
            pl.BlockSpec((HID, N_TGT), lambda i: (0, 0)),
            pl.BlockSpec((1, N_TGT), lambda i: (0, 0)),
        ],
        out_specs=pl.BlockSpec((nb, N_TGT), lambda i: (i, 0)),
        out_shape=jax.ShapeDtypeStruct((N_NODES, N_TGT), jnp.float32),
    )(x, sums, cnts, w1b, b1b.reshape(1, HID), w2a, b2a.reshape(1, HID),
      w2b, b2b.reshape(1, N_TGT))


def kernel(x, edge_index, edge_attr, u, batch,
           W1a, b1a, W1b, b1b, W2a, b2a, W2b, b2b):
    ei = edge_index.astype(jnp.int32)
    row = ei[0]
    col = ei[1]
    cnts = _sc_cnt(row)
    xw = _xw_call(x, W1a[:D_FEAT])
    eaw = _eaw_call(edge_attr, W1a[D_FEAT:], b1a)
    sums = _sc_edge(xw, eaw, col, row)
    cnts_t = jnp.transpose(cnts, (1, 0))
    return _node_call(x, sums, cnts_t, W1b, b1b, W2a, b2a, W2b, b2b)

# --- scband reference (transcript-rebuilt; emitter-appended) ---
"""Pipeline reference for scband-node-model-5695126634531 (READ-ONLY COPY).

The authoritative reference and input builder live on the scoring server;
editing this copy changes nothing except your own understanding.
"""

import jax, jax.numpy as jnp
import numpy as np

N_NODES = 10000
N_EDGES = 320000
D_FEAT = 128
D_EDGE = 16
HID = 128
N_TGT = 128


def setup_inputs(seed: int = 0) -> dict:
    key = jax.random.key(seed)
    ks = jax.random.split(key, 12)
    x = jax.random.normal(ks[0], (N_NODES, D_FEAT), dtype=jnp.float32)
    edge_index = jax.random.randint(ks[1], (2, N_EDGES), 0, N_NODES, dtype=jnp.int64)
    edge_attr = jax.random.normal(ks[2], (N_EDGES, D_EDGE), dtype=jnp.float32)
    u = jax.random.normal(ks[3], (1, D_FEAT), dtype=jnp.float32)
    batch = jnp.zeros((N_NODES,), dtype=jnp.int64)
    s1 = 1.0 / np.sqrt(D_FEAT + D_EDGE)
    s2 = 1.0 / np.sqrt(HID)
    s3 = 1.0 / np.sqrt(HID + D_FEAT)
    W1a = jax.random.uniform(ks[4], (D_FEAT + D_EDGE, HID), minval=-s1, maxval=s1, dtype=jnp.float32)
    b1a = jax.random.uniform(ks[5], (HID,), minval=-s1, maxval=s1, dtype=jnp.float32)
    W1b = jax.random.uniform(ks[6], (HID, HID), minval=-s2, maxval=s2, dtype=jnp.float32)
    b1b = jax.random.uniform(ks[7], (HID,), minval=-s2, maxval=s2, dtype=jnp.float32)
    W2a = jax.random.uniform(ks[8], (HID + D_FEAT, HID), minval=-s3, maxval=s3, dtype=jnp.float32)
    b2a = jax.random.uniform(ks[9], (HID,), minval=-s3, maxval=s3, dtype=jnp.float32)
    W2b = jax.random.uniform(ks[10], (HID, N_TGT), minval=-s2, maxval=s2, dtype=jnp.float32)
    b2b = jax.random.uniform(ks[11], (N_TGT,), minval=-s2, maxval=s2, dtype=jnp.float32)
    return {"x": x, "edge_index": edge_index, "edge_attr": edge_attr, "u": u, "batch": batch,
            "W1a": W1a, "b1a": b1a, "W1b": W1b, "b1b": b1b,
            "W2a": W2a, "b2a": b2a, "W2b": W2b, "b2b": b2b}


def reference(x, edge_index, edge_attr, u, batch, W1a, b1a, W1b, b1b, W2a, b2a, W2b, b2b):
    row = edge_index[0]
    col = edge_index[1]
    out = jnp.concatenate([jnp.take(x, col, axis=0), edge_attr], axis=1)
    out = jnp.maximum(out @ W1a + b1a, 0.0) @ W1b + b1b
    sums = jax.ops.segment_sum(out, row, num_segments=x.shape[0])
    counts = jax.ops.segment_sum(jnp.ones((edge_index.shape[1],), dtype=jnp.float32), row, num_segments=x.shape[0])
    mean = sums / jnp.maximum(counts, 1.0)[:, None]
    out = jnp.concatenate([x, mean], axis=1)
    out = jnp.maximum(out @ W2a + b2a, 0.0) @ W2b + b2b
    return out

if __name__ == "__main__":
    import jax
    _d = setup_inputs()
    print(jax.jit(kernel)(*tuple(_d.values())))

</pallas_src>

<mosaic_0001>
#map = affine_map<(d0, d1) -> (0)>
#map1 = affine_map<(d0, d1) -> (0, 0)>
module attributes {stable_mosaic.version = 14 : i64} {
  func.func @_sc_cnt_body(%arg0: i32, %arg1: i32, %arg2: memref<320000xi32, #tpu.memory_space<hbm>>, %arg3: memref<32x10000xf32, #tpu.memory_space<hbm>>, %arg4: memref<80xi32, #tpu.memory_space<vmem>>, %arg5: memref<10000xf32, #tpu.memory_space<vmem>>) attributes {dimension_semantics = [#tpu.dimension_semantics<core_parallel>, #tpu.dimension_semantics<subcore_parallel>], iteration_bounds = array<i64: 2, 16>, scalar_prefetch = 0 : i64, scratch_operands = 2 : i64, tpu.core_type = #tpu.core_type<sc_vector_subcore>, window_params = [{transform_indices = #map}, {transform_indices = #map1}]} {
    %broadcast_in_dim3A = arith.constant 0.000000e+00 : f32
    %broadcast_in_dim3A_0 = vector.broadcast %broadcast_in_dim3A : f32 to vector<16xf32>
    %broadcast_in_dim3A_1 = arith.constant 1.000000e+00 : f32
    %broadcast_in_dim3A_2 = vector.broadcast %broadcast_in_dim3A_1 : f32 to vector<16xf32>
    %scan3A = arith.constant 0 : i32
    %scan3A_3 = arith.constant 625 : i32
    %scan3A_4 = arith.addi %scan3A, %scan3A_3 : i32
    %scan3A_5 = arith.constant 1 : i32
    scf.for %scan3A_18 = %scan3A to %scan3A_4 step %scan3A_5  : i32 {
      %mul3A_19 = arith.constant 1 : i32
      %mul3A_20 = arith.muli %scan3A_18, %mul3A_19 : i32
      %add3A_21 = arith.constant 0 : i32
      %add3A_22 = arith.addi %add3A_21, %mul3A_20 : i32
      %mul3A_23 = arith.constant 16 : i32
      %mul3A_24 = arith.muli %add3A_22, %mul3A_23 : i32
      %swap3A = arith.index_cast %mul3A_24 : i32 to index
      %swap3A_25 = tpu.vector_load %arg5[%swap3A] {strides = array<i32>} : memref<10000xf32, #tpu.memory_space<vmem>>, vector<16xf32>,
      tpu.vector_store %arg5[%swap3A], %broadcast_in_dim3A_0 {strides = array<i32>} : memref<10000xf32, #tpu.memory_space<vmem>>, vector<16xf32>,
    }
    %scan3A_6 = arith.constant 625 : i32
    %mul3A = arith.constant 16 : i32
    %mul3A_7 = arith.muli %arg0, %mul3A : i32
    %add3A = arith.addi %mul3A_7, %arg1 : i32
    %mul3A_8 = arith.constant 10000 : i32
    %mul3A_9 = arith.muli %add3A, %mul3A_8 : i32
    %scan3A_10 = arith.constant 0 : i32
    %scan3A_11 = arith.constant 125 : i32
    %scan3A_12 = arith.addi %scan3A_10, %scan3A_11 : i32
    %scan3A_13 = arith.constant 1 : i32
    scf.for %scan3A_18 = %scan3A_10 to %scan3A_12 step %scan3A_13  : i32 {
      %mul3A_19 = arith.constant 1 : i32
      %mul3A_20 = arith.muli %scan3A_18, %mul3A_19 : i32
      %add3A_21 = arith.constant 0 : i32
      %add3A_22 = arith.addi %add3A_21, %mul3A_20 : i32
      %mul3A_23 = arith.constant 80 : i32
      %mul3A_24 = arith.muli %add3A_22, %mul3A_23 : i32
      %add3A_25 = arith.addi %mul3A_9, %mul3A_24 : i32
      "tpu.region"() ({
        %run_scoped3A = tpu.sem_alloc : memref<!tpu.dma_semaphore, #tpu.memory_space<semaphore_mem>>
        %dma_start3A = tpu.memref_slice %arg2[%add3A_25] : memref<320000xi32, #tpu.memory_space<hbm>> -> memref<80xi32, #tpu.memory_space<hbm>>
        %dma_start3A_31 = tpu.memref_slice %arg2[%add3A_25] : memref<320000xi32, #tpu.memory_space<hbm>> -> memref<80xi32, #tpu.memory_space<hbm>>
        tpu.enqueue_dma source(%dma_start3A_31 : memref<80xi32, #tpu.memory_space<hbm>>) target(%arg4 : memref<80xi32, #tpu.memory_space<vmem>>) target_semaphore(%run_scoped3A : memref<!tpu.dma_semaphore, #tpu.memory_space<semaphore_mem>>)
        %dma_wait3A = tpu.memref_slice %arg2[%add3A_25] : memref<320000xi32, #tpu.memory_space<hbm>> -> memref<80xi32, #tpu.memory_space<hbm>>
        %dma_wait3A_32 = tpu.memref_slice %arg2[%add3A_25] : memref<320000xi32, #tpu.memory_space<hbm>> -> memref<80xi32, #tpu.memory_space<hbm>>
        tpu.wait_dma2 semaphore(%run_scoped3A : memref<!tpu.dma_semaphore, #tpu.memory_space<semaphore_mem>>) src(%dma_wait3A_32 : memref<80xi32, #tpu.memory_space<hbm>>) dst(%arg4 : memref<80xi32, #tpu.memory_space<vmem>>)
        tpu.yield
      }) : () -> ()
      %scan3A_26 = arith.constant 0 : i32
      %scan3A_27 = arith.constant 5 : i32
      %scan3A_28 = arith.addi %scan3A_26, %scan3A_27 : i32
      %scan3A_29 = arith.constant 1 : i32
      scf.for %scan3A_31 = %scan3A_26 to %scan3A_28 step %scan3A_29  : i32 {
        %mul3A_32 = arith.constant 1 : i32
        %mul3A_33 = arith.muli %scan3A_31, %mul3A_32 : i32
        %add3A_34 = arith.constant 0 : i32
        %add3A_35 = arith.addi %add3A_34, %mul3A_33 : i32
        %mul3A_36 = arith.constant 16 : i32
        %mul3A_37 = arith.muli %add3A_35, %mul3A_36 : i32
        %get3A = arith.index_cast %mul3A_37 : i32 to index
        %get3A_38 = tpu.vector_load %arg4[%get3A] {strides = array<i32>} : memref<80xi32, #tpu.memory_space<vmem>>, vector<16xi32>,
        tpu.vector_store_idx %arg5[%get3A_38], %broadcast_in_dim3A_2 {add = true} : memref<10000xf32, #tpu.memory_space<vmem>>[vector<16xi32>], vector<16xf32>,
      }
      %scan3A_30 = arith.constant 5 : i32
    }
    %scan3A_14 = arith.constant 125 : i32
    %mul3A_15 = arith.constant 16 : i32
    %mul3A_16 = arith.muli %arg0, %mul3A_15 : i32
    %add3A_17 = arith.addi %mul3A_16, %arg1 : i32
    "tpu.region"() ({
      %run_scoped3A = tpu.sem_alloc : memref<!tpu.dma_semaphore, #tpu.memory_space<semaphore_mem>>
      %dma_start3A = arith.constant 0 : i32
      %dma_start3A_18 = tpu.memref_slice %arg3[%add3A_17, %dma_start3A] : memref<32x10000xf32, #tpu.memory_space<hbm>> -> memref<1x10000xf32, #tpu.memory_space<hbm>>
      %dma_start3A_19 = tpu.memref_squeeze %dma_start3A_18 : memref<1x10000xf32, #tpu.memory_space<hbm>> -> memref<10000xf32, #tpu.memory_space<hbm>>
      %dma_start3A_20 = arith.constant 0 : i32
      %dma_start3A_21 = tpu.memref_slice %arg3[%add3A_17, %dma_start3A_20] : memref<32x10000xf32, #tpu.memory_space<hbm>> -> memref<1x10000xf32, #tpu.memory_space<hbm>>
      %dma_start3A_22 = tpu.memref_squeeze %dma_start3A_21 : memref<1x10000xf32, #tpu.memory_space<hbm>> -> memref<10000xf32, #tpu.memory_space<hbm>>
      tpu.enqueue_dma source(%arg5 : memref<10000xf32, #tpu.memory_space<vmem>>) target(%dma_start3A_22 : memref<10000xf32, #tpu.memory_space<hbm>>) target_semaphore(%run_scoped3A : memref<!tpu.dma_semaphore, #tpu.memory_space<semaphore_mem>>)
      %dma_wait3A = arith.constant 0 : i32
      %dma_wait3A_23 = tpu.memref_slice %arg3[%add3A_17, %dma_wait3A] : memref<32x10000xf32, #tpu.memory_space<hbm>> -> memref<1x10000xf32, #tpu.memory_space<hbm>>
      %dma_wait3A_24 = tpu.memref_squeeze %dma_wait3A_23 : memref<1x10000xf32, #tpu.memory_space<hbm>> -> memref<10000xf32, #tpu.memory_space<hbm>>
      %dma_wait3A_25 = arith.constant 0 : i32
      %dma_wait3A_26 = tpu.memref_slice %arg3[%add3A_17, %dma_wait3A_25] : memref<32x10000xf32, #tpu.memory_space<hbm>> -> memref<1x10000xf32, #tpu.memory_space<hbm>>
      %dma_wait3A_27 = tpu.memref_squeeze %dma_wait3A_26 : memref<1x10000xf32, #tpu.memory_space<hbm>> -> memref<10000xf32, #tpu.memory_space<hbm>>
      tpu.wait_dma2 semaphore(%run_scoped3A : memref<!tpu.dma_semaphore, #tpu.memory_space<semaphore_mem>>) src(%arg5 : memref<10000xf32, #tpu.memory_space<vmem>>) dst(%dma_wait3A_27 : memref<10000xf32, #tpu.memory_space<hbm>>)
      tpu.yield
    }) : () -> ()
    return
  }
}

#map = affine_map<(d0, d1) -> (0, 0)>
#map1 = affine_map<(d0, d1) -> (0)>
#map2 = affine_map<(d0, d1) -> (0, 0, 0)>
module attributes {stable_mosaic.version = 14 : i64} {
  func.func @_sc_edge_body(%arg0: i32, %arg1: i32, %arg2: memref<10000x128xf32, #tpu.memory_space<hbm>>, %arg3: memref<320000x128xf32, #tpu.memory_space<hbm>>, %arg4: memref<320000xi32, #tpu.memory_space<hbm>>, %arg5: memref<320000xi32, #tpu.memory_space<hbm>>, %arg6: memref<2x10000x128xf32, #tpu.memory_space<hbm>>, %arg7: memref<64xi32, #tpu.memory_space<vmem>>, %arg8: memref<64xi32, #tpu.memory_space<vmem>>, %arg9: memref<64xi32, #tpu.memory_space<vmem>>, %arg10: memref<64xi32, #tpu.memory_space<vmem>>, %arg11: memref<64xi32, #tpu.memory_space<vmem>>, %arg12: memref<64xi32, #tpu.memory_space<vmem>>, %arg13: memref<64xi32, #tpu.memory_space<vmem>>, %arg14: memref<64xi32, #tpu.memory_space<vmem>>, %arg15: memref<16xi32, #tpu.memory_space<vmem>>, %arg16: memref<16xi32, #tpu.memory_space<vmem>>, %arg17: memref<64x128xf32, #tpu.memory_space<vmem>>, %arg18: memref<64x128xf32, #tpu.memory_space<vmem>>, %arg19: memref<64x128xf32, #tpu.memory_space<vmem>>, %arg20: memref<10000x128xf32, #tpu.memory_space<vmem_shared>>, %arg21: memref<!tpu.dma_semaphore, #tpu.memory_space<semaphore_mem>>, %arg22: memref<!tpu.dma_semaphore, #tpu.memory_space<semaphore_mem>>, %arg23: memref<!tpu.dma_semaphore, #tpu.memory_space<semaphore_mem>>, %arg24: memref<!tpu.dma_semaphore, #tpu.memory_space<semaphore_mem>>, %arg25: memref<!tpu.dma_semaphore, #tpu.memory_space<semaphore_mem>>, %arg26: memref<!tpu.dma_semaphore, #tpu.memory_space<semaphore_mem>>, %arg27: memref<!tpu.dma_semaphore, #tpu.memory_space<semaphore_mem>>, %arg28: memref<!tpu.dma_semaphore, #tpu.memory_space<semaphore_mem>>, %arg29: memref<!tpu.dma_semaphore, #tpu.memory_space<semaphore_mem>>, %arg30: memref<!tpu.dma_semaphore, #tpu.memory_space<semaphore_mem>>, %arg31: memref<!tpu.dma_semaphore, #tpu.memory_space<semaphore_mem>>, %arg32: memref<!tpu.dma_semaphore, #tpu.memory_space<semaphore_mem>>, %arg33: memref<!tpu.dma_semaphore, #tpu.memory_space<semaphore_mem>>) attributes {dimension_semantics = [#tpu.dimension_semantics<core_parallel>, #tpu.dimension_semantics<subcore_parallel>], iteration_bounds = array<i64: 2, 16>, scalar_prefetch = 0 : i64, scratch_operands = 27 : i64, tpu.core_type = #tpu.core_type<sc_vector_subcore>, window_params = [{transform_indices = #map}, {transform_indices = #map}, {transform_indices = #map1}, {transform_indices = #map1}, {transform_indices = #map2}]} {
    %broadcast_in_dim3A = arith.constant 0.000000e+00 : f32
    %broadcast_in_dim3A_0 = vector.broadcast %broadcast_in_dim3A : f32 to vector<16xf32>
    %scan3A = arith.constant 0 : i32
    %scan3A_1 = arith.constant 64 : i32
    %scan3A_2 = arith.addi %scan3A, %scan3A_1 : i32
    %scan3A_3 = arith.constant 1 : i32
    scf.for %scan3A_114 = %scan3A to %scan3A_2 step %scan3A_3  : i32 {
      %mul3A_115 = arith.constant 1 : i32
      %mul3A_116 = arith.muli %scan3A_114, %mul3A_115 : i32
      %add3A_117 = arith.constant 0 : i32
      %add3A_118 = arith.addi %add3A_117, %mul3A_116 : i32
      %swap3A = arith.index_cast %add3A_118 : i32 to index
      %swap3A_119 = arith.constant 0 : index
      %swap3A_120 = tpu.vector_load %arg18[%swap3A, %swap3A_119] {strides = array<i32>} : memref<64x128xf32, #tpu.memory_space<vmem>>, vector<1x16xf32>,
      %swap3A_121 = vector.shape_cast %swap3A_120 : vector<1x16xf32> to vector<16xf32>
      %swap3A_122 = vector.shape_cast %broadcast_in_dim3A_0 : vector<16xf32> to vector<1x16xf32>
      tpu.vector_store %arg18[%swap3A, %swap3A_119], %swap3A_122 {strides = array<i32>} : memref<64x128xf32, #tpu.memory_space<vmem>>, vector<1x16xf32>,
      %swap3A_123 = arith.index_cast %add3A_118 : i32 to index
      %swap3A_124 = arith.constant 16 : index
      %swap3A_125 = tpu.vector_load %arg18[%swap3A_123, %swap3A_124] {strides = array<i32>} : memref<64x128xf32, #tpu.memory_space<vmem>>, vector<1x16xf32>,
      %swap3A_126 = vector.shape_cast %swap3A_125 : vector<1x16xf32> to vector<16xf32>
      %swap3A_127 = vector.shape_cast %broadcast_in_dim3A_0 : vector<16xf32> to vector<1x16xf32>
      tpu.vector_store %arg18[%swap3A_123, %swap3A_124], %swap3A_127 {strides = array<i32>} : memref<64x128xf32, #tpu.memory_space<vmem>>, vector<1x16xf32>,
      %swap3A_128 = arith.index_cast %add3A_118 : i32 to index
      %swap3A_129 = arith.constant 32 : index
      %swap3A_130 = tpu.vector_load %arg18[%swap3A_128, %swap3A_129] {strides = array<i32>} : memref<64x128xf32, #tpu.memory_space<vmem>>, vector<1x16xf32>,
      %swap3A_131 = vector.shape_cast %swap3A_130 : vector<1x16xf32> to vector<16xf32>
      %swap3A_132 = vector.shape_cast %broadcast_in_dim3A_0 : vector<16xf32> to vector<1x16xf32>
      tpu.vector_store %arg18[%swap3A_128, %swap3A_129], %swap3A_132 {strides = array<i32>} : memref<64x128xf32, #tpu.memory_space<vmem>>, vector<1x16xf32>,
      %swap3A_133 = arith.index_cast %add3A_118 : i32 to index
      %swap3A_134 = arith.constant 48 : index
      %swap3A_135 = tpu.vector_load %arg18[%swap3A_133, %swap3A_134] {strides = array<i32>} : memref<64x128xf32, #tpu.memory_space<vmem>>, vector<1x16xf32>,
      %swap3A_136 = vector.shape_cast %swap3A_135 : vector<1x16xf32> to vector<16xf32>
      %swap3A_137 = vector.shape_cast %broadcast_in_dim3A_0 : vector<16xf32> to vector<1x16xf32>
      tpu.vector_store %arg18[%swap3A_133, %swap3A_134], %swap3A_137 {strides = array<i32>} : memref<64x128xf32, #tpu.memory_space<vmem>>, vector<1x16xf32>,
      %swap3A_138 = arith.index_cast %add3A_118 : i32 to index
      %swap3A_139 = arith.constant 64 : index
      %swap3A_140 = tpu.vector_load %arg18[%swap3A_138, %swap3A_139] {strides = array<i32>} : memref<64x128xf32, #tpu.memory_space<vmem>>, vector<1x16xf32>,
      %swap3A_141 = vector.shape_cast %swap3A_140 : vector<1x16xf32> to vector<16xf32>
      %swap3A_142 = vector.shape_cast %broadcast_in_dim3A_0 : vector<16xf32> to vector<1x16xf32>
      tpu.vector_store %arg18[%swap3A_138, %swap3A_139], %swap3A_142 {strides = array<i32>} : memref<64x128xf32, #tpu.memory_space<vmem>>, vector<1x16xf32>,
      %swap3A_143 = arith.index_cast %add3A_118 : i32 to index
      %swap3A_144 = arith.constant 80 : index
      %swap3A_145 = tpu.vector_load %arg18[%swap3A_143, %swap3A_144] {strides = array<i32>} : memref<64x128xf32, #tpu.memory_space<vmem>>, vector<1x16xf32>,
      %swap3A_146 = vector.shape_cast %swap3A_145 : vector<1x16xf32> to vector<16xf32>
      %swap3A_147 = vector.shape_cast %broadcast_in_dim3A_0 : vector<16xf32> to vector<1x16xf32>
      tpu.vector_store %arg18[%swap3A_143, %swap3A_144], %swap3A_147 {strides = array<i32>} : memref<64x128xf32, #tpu.memory_space<vmem>>, vector<1x16xf32>,
      %swap3A_148 = arith.index_cast %add3A_118 : i32 to index
      %swap3A_149 = arith.constant 96 : index
      %swap3A_150 = tpu.vector_load %arg18[%swap3A_148, %swap3A_149] {strides = array<i32>} : memref<64x128xf32, #tpu.memory_space<vmem>>, vector<1x16xf32>,
      %swap3A_151 = vector.shape_cast %swap3A_150 : vector<1x16xf32> to vector<16xf32>
      %swap3A_152 = vector.shape_cast %broadcast_in_dim3A_0 : vector<16xf32> to vector<1x16xf32>
      tpu.vector_store %arg18[%swap3A_148, %swap3A_149], %swap3A_152 {strides = array<i32>} : memref<64x128xf32, #tpu.memory_space<vmem>>, vector<1x16xf32>,
      %swap3A_153 = arith.index_cast %add3A_118 : i32 to index
      %swap3A_154 = arith.constant 112 : index
      %swap3A_155 = tpu.vector_load %arg18[%swap3A_153, %swap3A_154] {strides = array<i32>} : memref<64x128xf32, #tpu.memory_space<vmem>>, vector<1x16xf32>,
      %swap3A_156 = vector.shape_cast %swap3A_155 : vector<1x16xf32> to vector<16xf32>
      %swap3A_157 = vector.shape_cast %broadcast_in_dim3A_0 : vector<16xf32> to vector<1x16xf32>
      tpu.vector_store %arg18[%swap3A_153, %swap3A_154], %swap3A_157 {strides = array<i32>} : memref<64x128xf32, #tpu.memory_space<vmem>>, vector<1x16xf32>,
    }
    %scan3A_4 = arith.constant 64 : i32
    %sub3A = arith.constant 156 : i32
    %sub3A_5 = arith.subi %sub3A, %arg1 : i32
    %sub3A_6 = arith.constant 16 : i32
    %sub3A_7 = arith.constant 1 : i32
    %sub3A_8 = arith.subi %sub3A_6, %sub3A_7 : i32
    %add3A = arith.addi %sub3A_5, %sub3A_8 : i32
    %div3A = arith.constant 16 : i32
    %div3A_9 = arith.divsi %add3A, %div3A : i32
    %while3A = arith.constant 16 : i32
    %while3A_10 = arith.constant 0 : i32
    %while3A_11 = arith.subi %div3A_9, %while3A_10 : i32
    %while3A_12 = arith.addi %while3A_10, %while3A_11 : i32
    %while3A_13 = arith.constant 1 : i32
    %while3A_14 = arith.divsi %while3A_11, %while3A_13 : i32
    %while3A_15 = arith.muli %while3A_14, %while3A_13 : i32
    %while3A_16 = arith.addi %while3A_10, %while3A_15 : i32
    %while3A_17 = arith.constant 1 : i32
    scf.for %while3A_114 = %while3A_10 to %while3A_16 step %while3A_17  : i32 {
      %mul3A_115 = arith.muli %while3A_114, %while3A : i32
      %add3A_116 = arith.addi %arg1, %mul3A_115 : i32
      %mul3A_117 = arith.constant 64 : i32
      %mul3A_118 = arith.muli %add3A_116, %mul3A_117 : i32
      "tpu.region"() ({
        %run_scoped3A = tpu.sem_alloc : memref<!tpu.dma_semaphore, #tpu.memory_space<semaphore_mem>>
        %dma_start3A_119 = arith.constant 0 : i32
        %dma_start3A_120 = tpu.memref_slice %arg20[%mul3A_118, %dma_start3A_119] : memref<10000x128xf32, #tpu.memory_space<vmem_shared>> -> memref<64x128xf32, #tpu.memory_space<vmem_shared>>
        %dma_start3A_121 = arith.constant 0 : i32
        %dma_start3A_122 = tpu.memref_slice %arg20[%mul3A_118, %dma_start3A_121] : memref<10000x128xf32, #tpu.memory_space<vmem_shared>> -> memref<64x128xf32, #tpu.memory_space<vmem_shared>>
        tpu.enqueue_dma source(%arg18 : memref<64x128xf32, #tpu.memory_space<vmem>>) target(%dma_start3A_122 : memref<64x128xf32, #tpu.memory_space<vmem_shared>>) target_semaphore(%run_scoped3A : memref<!tpu.dma_semaphore, #tpu.memory_space<semaphore_mem>>)
        %dma_wait3A_123 = arith.constant 0 : i32
        %dma_wait3A_124 = tpu.memref_slice %arg20[%mul3A_118, %dma_wait3A_123] : memref<10000x128xf32, #tpu.memory_space<vmem_shared>> -> memref<64x128xf32, #tpu.memory_space<vmem_shared>>
        %dma_wait3A_125 = arith.constant 0 : i32
        %dma_wait3A_126 = tpu.memref_slice %arg20[%mul3A_118, %dma_wait3A_125] : memref<10000x128xf32, #tpu.memory_space<vmem_shared>> -> memref<64x128xf32, #tpu.memory_space<vmem_shared>>
        tpu.wait_dma2 semaphore(%run_scoped3A : memref<!tpu.dma_semaphore, #tpu.memory_space<semaphore_mem>>) src(%arg18 : memref<64x128xf32, #tpu.memory_space<vmem>>) dst(%dma_wait3A_126 : memref<64x128xf32, #tpu.memory_space<vmem_shared>>)
        tpu.yield
      }) : () -> ()
    }
    %while3A_18 = arith.constant 1 : i32
    scf.for %while3A_114 = %while3A_16 to %while3A_12 step %while3A_18  : i32 {
      %mul3A_115 = arith.muli %while3A_114, %while3A : i32
      %add3A_116 = arith.addi %arg1, %mul3A_115 : i32
      %mul3A_117 = arith.constant 64 : i32
      %mul3A_118 = arith.muli %add3A_116, %mul3A_117 : i32
      "tpu.region"() ({
        %run_scoped3A = tpu.sem_alloc : memref<!tpu.dma_semaphore, #tpu.memory_space<semaphore_mem>>
        %dma_start3A_119 = arith.constant 0 : i32
        %dma_start3A_120 = tpu.memref_slice %arg20[%mul3A_118, %dma_start3A_119] : memref<10000x128xf32, #tpu.memory_space<vmem_shared>> -> memref<64x128xf32, #tpu.memory_space<vmem_shared>>
        %dma_start3A_121 = arith.constant 0 : i32
        %dma_start3A_122 = tpu.memref_slice %arg20[%mul3A_118, %dma_start3A_121] : memref<10000x128xf32, #tpu.memory_space<vmem_shared>> -> memref<64x128xf32, #tpu.memory_space<vmem_shared>>
        tpu.enqueue_dma source(%arg18 : memref<64x128xf32, #tpu.memory_space<vmem>>) target(%dma_start3A_122 : memref<64x128xf32, #tpu.memory_space<vmem_shared>>) target_semaphore(%run_scoped3A : memref<!tpu.dma_semaphore, #tpu.memory_space<semaphore_mem>>)
        %dma_wait3A_123 = arith.constant 0 : i32
        %dma_wait3A_124 = tpu.memref_slice %arg20[%mul3A_118, %dma_wait3A_123] : memref<10000x128xf32, #tpu.memory_space<vmem_shared>> -> memref<64x128xf32, #tpu.memory_space<vmem_shared>>
        %dma_wait3A_125 = arith.constant 0 : i32
        %dma_wait3A_126 = tpu.memref_slice %arg20[%mul3A_118, %dma_wait3A_125] : memref<10000x128xf32, #tpu.memory_space<vmem_shared>> -> memref<64x128xf32, #tpu.memory_space<vmem_shared>>
        tpu.wait_dma2 semaphore(%run_scoped3A : memref<!tpu.dma_semaphore, #tpu.memory_space<semaphore_mem>>) src(%arg18 : memref<64x128xf32, #tpu.memory_space<vmem>>) dst(%dma_wait3A_126 : memref<64x128xf32, #tpu.memory_space<vmem_shared>>)
        tpu.yield
      }) : () -> ()
    }
    %barrier3A = arith.constant 0 : index
    tpu.barrier barrier_id(%barrier3A)
    %mul3A = arith.constant 16 : i32
    %mul3A_19 = arith.muli %arg0, %mul3A : i32
    %add3A_20 = arith.addi %mul3A_19, %arg1 : i32
    %mul3A_21 = arith.constant 10000 : i32
    %mul3A_22 = arith.muli %add3A_20, %mul3A_21 : i32
    %add3A_23 = arith.constant 0 : i32
    %add3A_24 = arith.addi %mul3A_22, %add3A_23 : i32
    %dma_start3A = tpu.memref_slice %arg4[%add3A_24] : memref<320000xi32, #tpu.memory_space<hbm>> -> memref<64xi32, #tpu.memory_space<hbm>>
    %dma_start3A_25 = tpu.memref_slice %arg4[%add3A_24] : memref<320000xi32, #tpu.memory_space<hbm>> -> memref<64xi32, #tpu.memory_space<hbm>>
    tpu.enqueue_dma source(%dma_start3A_25 : memref<64xi32, #tpu.memory_space<hbm>>) target(%arg7 : memref<64xi32, #tpu.memory_space<vmem>>) target_semaphore(%arg21 : memref<!tpu.dma_semaphore, #tpu.memory_space<semaphore_mem>>)
    %dma_start3A_26 = tpu.memref_slice %arg5[%add3A_24] : memref<320000xi32, #tpu.memory_space<hbm>> -> memref<64xi32, #tpu.memory_space<hbm>>
    %dma_start3A_27 = tpu.memref_slice %arg5[%add3A_24] : memref<320000xi32, #tpu.memory_space<hbm>> -> memref<64xi32, #tpu.memory_space<hbm>>
    tpu.enqueue_dma source(%dma_start3A_27 : memref<64xi32, #tpu.memory_space<hbm>>) target(%arg8 : memref<64xi32, #tpu.memory_space<vmem>>) target_semaphore(%arg22 : memref<!tpu.dma_semaphore, #tpu.memory_space<semaphore_mem>>)
    %add3A_28 = arith.constant 64 : i32
    %add3A_29 = arith.addi %mul3A_22, %add3A_28 : i32
    %dma_start3A_30 = tpu.memref_slice %arg4[%add3A_29] : memref<320000xi32, #tpu.memory_space<hbm>> -> memref<64xi32, #tpu.memory_space<hbm>>
    %dma_start3A_31 = tpu.memref_slice %arg4[%add3A_29] : memref<320000xi32, #tpu.memory_space<hbm>> -> memref<64xi32, #tpu.memory_space<hbm>>
    tpu.enqueue_dma source(%dma_start3A_31 : memref<64xi32, #tpu.memory_space<hbm>>) target(%arg9 : memref<64xi32, #tpu.memory_space<vmem>>) target_semaphore(%arg23 : memref<!tpu.dma_semaphore, #tpu.memory_space<semaphore_mem>>)
    %dma_start3A_32 = tpu.memref_slice %arg5[%add3A_29] : memref<320000xi32, #tpu.memory_space<hbm>> -> memref<64xi32, #tpu.memory_space<hbm>>
    %dma_start3A_33 = tpu.memref_slice %arg5[%add3A_29] : memref<320000xi32, #tpu.memory_space<hbm>> -> memref<64xi32, #tpu.memory_space<hbm>>
    tpu.enqueue_dma source(%dma_start3A_33 : memref<64xi32, #tpu.memory_space<hbm>>) target(%arg10 : memref<64xi32, #tpu.memory_space<vmem>>) target_semaphore(%arg24 : memref<!tpu.dma_semaphore, #tpu.memory_space<semaphore_mem>>)
    %add3A_34 = arith.constant 128 : i32
    %add3A_35 = arith.addi %mul3A_22, %add3A_34 : i32
    %dma_start3A_36 = tpu.memref_slice %arg4[%add3A_35] : memref<320000xi32, #tpu.memory_space<hbm>> -> memref<64xi32, #tpu.memory_space<hbm>>
    %dma_start3A_37 = tpu.memref_slice %arg4[%add3A_35] : memref<320000xi32, #tpu.memory_space<hbm>> -> memref<64xi32, #tpu.memory_space<hbm>>
    tpu.enqueue_dma source(%dma_start3A_37 : memref<64xi32, #tpu.memory_space<hbm>>) target(%arg11 : memref<64xi32, #tpu.memory_space<vmem>>) target_semaphore(%arg25 : memref<!tpu.dma_semaphore, #tpu.memory_space<semaphore_mem>>)
    %dma_start3A_38 = tpu.memref_slice %arg5[%add3A_35] : memref<320000xi32, #tpu.memory_space<hbm>> -> memref<64xi32, #tpu.memory_space<hbm>>
    %dma_start3A_39 = tpu.memref_slice %arg5[%add3A_35] : memref<320000xi32, #tpu.memory_space<hbm>> -> memref<64xi32, #tpu.memory_space<hbm>>
    tpu.enqueue_dma source(%dma_start3A_39 : memref<64xi32, #tpu.memory_space<hbm>>) target(%arg12 : memref<64xi32, #tpu.memory_space<vmem>>) target_semaphore(%arg26 : memref<!tpu.dma_semaphore, #tpu.memory_space<semaphore_mem>>)
    %add3A_40 = arith.constant 192 : i32
    %add3A_41 = arith.addi %mul3A_22, %add3A_40 : i32
    %dma_start3A_42 = tpu.memref_slice %arg4[%add3A_41] : memref<320000xi32, #tpu.memory_space<hbm>> -> memref<64xi32, #tpu.memory_space<hbm>>
    %dma_start3A_43 = tpu.memref_slice %arg4[%add3A_41] : memref<320000xi32, #tpu.memory_space<hbm>> -> memref<64xi32, #tpu.memory_space<hbm>>
    tpu.enqueue_dma source(%dma_start3A_43 : memref<64xi32, #tpu.memory_space<hbm>>) target(%arg13 : memref<64xi32, #tpu.memory_space<vmem>>) target_semaphore(%arg27 : memref<!tpu.dma_semaphore, #tpu.memory_space<semaphore_mem>>)
    %dma_start3A_44 = tpu.memref_slice %arg5[%add3A_41] : memref<320000xi32, #tpu.memory_space<hbm>> -> memref<64xi32, #tpu.memory_space<hbm>>
    %dma_start3A_45 = tpu.memref_slice %arg5[%add3A_41] : memref<320000xi32, #tpu.memory_space<hbm>> -> memref<64xi32, #tpu.memory_space<hbm>>
    tpu.enqueue_dma source(%dma_start3A_45 : memref<64xi32, #tpu.memory_space<hbm>>) target(%arg14 : memref<64xi32, #tpu.memory_space<vmem>>) target_semaphore(%arg28 : memref<!tpu.dma_semaphore, #tpu.memory_space<semaphore_mem>>)
    %dma_start3A_46 = arith.constant 0 : i32
    %dma_start3A_47 = tpu.memref_slice %arg3[%mul3A_22, %dma_start3A_46] : memref<320000x128xf32, #tpu.memory_space<hbm>> -> memref<64x128xf32, #tpu.memory_space<hbm>>
    %dma_start3A_48 = arith.constant 0 : i32
    %dma_start3A_49 = tpu.memref_slice %arg3[%mul3A_22, %dma_start3A_48] : memref<320000x128xf32, #tpu.memory_space<hbm>> -> memref<64x128xf32, #tpu.memory_space<hbm>>
    tpu.enqueue_dma source(%dma_start3A_49 : memref<64x128xf32, #tpu.memory_space<hbm>>) target(%arg17 : memref<64x128xf32, #tpu.memory_space<vmem>>) target_semaphore(%arg31 : memref<!tpu.dma_semaphore, #tpu.memory_space<semaphore_mem>>)
    %dma_wait3A = tpu.memref_slice %arg4[%mul3A_22] : memref<320000xi32, #tpu.memory_space<hbm>> -> memref<64xi32, #tpu.memory_space<hbm>>
    %dma_wait3A_50 = tpu.memref_slice %arg4[%mul3A_22] : memref<320000xi32, #tpu.memory_space<hbm>> -> memref<64xi32, #tpu.memory_space<hbm>>
    tpu.wait_dma2 semaphore(%arg21 : memref<!tpu.dma_semaphore, #tpu.memory_space<semaphore_mem>>) src(%dma_wait3A_50 : memref<64xi32, #tpu.memory_space<hbm>>) dst(%arg7 : memref<64xi32, #tpu.memory_space<vmem>>)
    %dma_wait3A_51 = tpu.memref_slice %arg5[%mul3A_22] : memref<320000xi32, #tpu.memory_space<hbm>> -> memref<64xi32, #tpu.memory_space<hbm>>
    %dma_wait3A_52 = tpu.memref_slice %arg5[%mul3A_22] : memref<320000xi32, #tpu.memory_space<hbm>> -> memref<64xi32, #tpu.memory_space<hbm>>
    tpu.wait_dma2 semaphore(%arg22 : memref<!tpu.dma_semaphore, #tpu.memory_space<semaphore_mem>>) src(%dma_wait3A_52 : memref<64xi32, #tpu.memory_space<hbm>>) dst(%arg8 : memref<64xi32, #tpu.memory_space<vmem>>)
    %dma_start3A_53 = arith.constant 0 : i32
    %dma_start3A_54 = arith.constant 0 : i32
    %dma_start3A_55 = tpu.memref_slice %arg2[%dma_start3A_53, %dma_start3A_54] : memref<10000x128xf32, #tpu.memory_space<hbm>> -> memref<10000x128xf32, #tpu.memory_space<hbm>>
    tpu.enqueue_indirect_dma source(%dma_start3A_55 : memref<10000x128xf32, #tpu.memory_space<hbm>>) target(%arg18 : memref<64x128xf32, #tpu.memory_space<vmem>>) offsets(%arg7 : memref<64xi32, #tpu.memory_space<vmem>>) semaphore(%arg29 : memref<!tpu.dma_semaphore, #tpu.memory_space<semaphore_mem>>)
    %scan3A_56 = arith.constant 0 : i32
    %scan3A_57 = arith.constant 39 : i32
    %scan3A_58 = arith.addi %scan3A_56, %scan3A_57 : i32
    %scan3A_59 = arith.constant 1 : i32
    scf.for %scan3A_114 = %scan3A_56 to %scan3A_58 step %scan3A_59  : i32 {
      %mul3A_115 = arith.constant 1 : i32
      %mul3A_116 = arith.muli %scan3A_114, %mul3A_115 : i32
      %add3A_117 = arith.constant 0 : i32
      %add3A_118 = arith.addi %add3A_117, %mul3A_116 : i32
      %mul3A_119 = arith.constant 256 : i32
      %mul3A_120 = arith.muli %add3A_118, %mul3A_119 : i32
      %add3A_121 = arith.addi %mul3A_22, %mul3A_120 : i32
      %add3A_122 = arith.constant 64 : i32
      %add3A_123 = arith.addi %add3A_121, %add3A_122 : i32
      %add3A_124 = arith.constant 128 : i32
      %add3A_125 = arith.addi %add3A_121, %add3A_124 : i32
      %add3A_126 = arith.constant 192 : i32
      %add3A_127 = arith.addi %add3A_121, %add3A_126 : i32
      %gt3A = arith.constant 0 : i32
      %gt3A_128 = arith.cmpi sgt, %add3A_118, %gt3A : i32
      %convert_element_type3A = arith.extui %gt3A_128 : i1 to i32
      %cond3A = arith.constant 0 : i32
      %cond3A_129 = arith.cmpi ne, %convert_element_type3A, %cond3A : i32
      scf.if %cond3A_129 {
        %dma_wait3A_251 = arith.constant 0 : i32
        %dma_wait3A_252 = arith.constant 0 : i32
        %dma_wait3A_253 = tpu.memref_slice %arg20[%dma_wait3A_251, %dma_wait3A_252] : memref<10000x128xf32, #tpu.memory_space<vmem_shared>> -> memref<10000x128xf32, #tpu.memory_space<vmem_shared>>
        tpu.wait_indirect_dma semaphore(%arg33 : memref<!tpu.dma_semaphore, #tpu.memory_space<semaphore_mem>>) src(%arg19 : memref<64x128xf32, #tpu.memory_space<vmem>>) dst(%dma_wait3A_253 : memref<10000x128xf32, #tpu.memory_space<vmem_shared>>)
        %dma_start3A_254 = tpu.memref_slice %arg4[%add3A_127] : memref<320000xi32, #tpu.memory_space<hbm>> -> memref<64xi32, #tpu.memory_space<hbm>>
        %dma_start3A_255 = tpu.memref_slice %arg4[%add3A_127] : memref<320000xi32, #tpu.memory_space<hbm>> -> memref<64xi32, #tpu.memory_space<hbm>>
        tpu.enqueue_dma source(%dma_start3A_255 : memref<64xi32, #tpu.memory_space<hbm>>) target(%arg13 : memref<64xi32, #tpu.memory_space<vmem>>) target_semaphore(%arg27 : memref<!tpu.dma_semaphore, #tpu.memory_space<semaphore_mem>>)
        %dma_start3A_256 = tpu.memref_slice %arg5[%add3A_127] : memref<320000xi32, #tpu.memory_space<hbm>> -> memref<64xi32, #tpu.memory_space<hbm>>
        %dma_start3A_257 = tpu.memref_slice %arg5[%add3A_127] : memref<320000xi32, #tpu.memory_space<hbm>> -> memref<64xi32, #tpu.memory_space<hbm>>
        tpu.enqueue_dma source(%dma_start3A_257 : memref<64xi32, #tpu.memory_space<hbm>>) target(%arg14 : memref<64xi32, #tpu.memory_space<vmem>>) target_semaphore(%arg28 : memref<!tpu.dma_semaphore, #tpu.memory_space<semaphore_mem>>)
      } else {
      }
      %dma_wait3A_130 = tpu.memref_slice %arg4[%add3A_123] : memref<320000xi32, #tpu.memory_space<hbm>> -> memref<64xi32, #tpu.memory_space<hbm>>
      %dma_wait3A_131 = tpu.memref_slice %arg4[%add3A_123] : memref<320000xi32, #tpu.memory_space<hbm>> -> memref<64xi32, #tpu.memory_space<hbm>>
      tpu.wait_dma2 semaphore(%arg23 : memref<!tpu.dma_semaphore, #tpu.memory_space<semaphore_mem>>) src(%dma_wait3A_131 : memref<64xi32, #tpu.memory_space<hbm>>) dst(%arg9 : memref<64xi32, #tpu.memory_space<vmem>>)
      %dma_wait3A_132 = tpu.memref_slice %arg5[%add3A_123] : memref<320000xi32, #tpu.memory_space<hbm>> -> memref<64xi32, #tpu.memory_space<hbm>>
      %dma_wait3A_133 = tpu.memref_slice %arg5[%add3A_123] : memref<320000xi32, #tpu.memory_space<hbm>> -> memref<64xi32, #tpu.memory_space<hbm>>
      tpu.wait_dma2 semaphore(%arg24 : memref<!tpu.dma_semaphore, #tpu.memory_space<semaphore_mem>>) src(%dma_wait3A_133 : memref<64xi32, #tpu.memory_space<hbm>>) dst(%arg10 : memref<64xi32, #tpu.memory_space<vmem>>)
      %dma_start3A_134 = arith.constant 0 : i32
      %dma_start3A_135 = arith.constant 0 : i32
      %dma_start3A_136 = tpu.memref_slice %arg2[%dma_start3A_134, %dma_start3A_135] : memref<10000x128xf32, #tpu.memory_space<hbm>> -> memref<10000x128xf32, #tpu.memory_space<hbm>>
      tpu.enqueue_indirect_dma source(%dma_start3A_136 : memref<10000x128xf32, #tpu.memory_space<hbm>>) target(%arg19 : memref<64x128xf32, #tpu.memory_space<vmem>>) offsets(%arg9 : memref<64xi32, #tpu.memory_space<vmem>>) semaphore(%arg30 : memref<!tpu.dma_semaphore, #tpu.memory_space<semaphore_mem>>)
      %dma_wait3A_137 = arith.constant 0 : i32
      %dma_wait3A_138 = tpu.memref_slice %arg3[%add3A_121, %dma_wait3A_137] : memref<320000x128xf32, #tpu.memory_space<hbm>> -> memref<64x128xf32, #tpu.memory_space<hbm>>
      %dma_wait3A_139 = arith.constant 0 : i32
      %dma_wait3A_140 = tpu.memref_slice %arg3[%add3A_121, %dma_wait3A_139] : memref<320000x128xf32, #tpu.memory_space<hbm>> -> memref<64x128xf32, #tpu.memory_space<hbm>>
      tpu.wait_dma2 semaphore(%arg31 : memref<!tpu.dma_semaphore, #tpu.memory_space<semaphore_mem>>) src(%dma_wait3A_140 : memref<64x128xf32, #tpu.memory_space<hbm>>) dst(%arg17 : memref<64x128xf32, #tpu.memory_space<vmem>>)
      %dma_wait3A_141 = arith.constant 0 : i32
      %dma_wait3A_142 = arith.constant 0 : i32
      %dma_wait3A_143 = tpu.memref_slice %arg2[%dma_wait3A_141, %dma_wait3A_142] : memref<10000x128xf32, #tpu.memory_space<hbm>> -> memref<10000x128xf32, #tpu.memory_space<hbm>>
      tpu.wait_indirect_dma semaphore(%arg29 : memref<!tpu.dma_semaphore, #tpu.memory_space<semaphore_mem>>) src(%dma_wait3A_143 : memref<10000x128xf32, #tpu.memory_space<hbm>>) dst(%arg18 : memref<64x128xf32, #tpu.memory_space<vmem>>)
      %scan3A_144 = arith.constant 0 : i32
      %scan3A_145 = arith.constant 64 : i32
      %scan3A_146 = arith.addi %scan3A_144, %scan3A_145 : i32
      %scan3A_147 = arith.constant 1 : i32
      scf.for %scan3A_251 = %scan3A_144 to %scan3A_146 step %scan3A_147  : i32 {
        %mul3A_252 = arith.constant 1 : i32
        %mul3A_253 = arith.muli %scan3A_251, %mul3A_252 : i32
        %add3A_254 = arith.constant 0 : i32
        %add3A_255 = arith.addi %add3A_254, %mul3A_253 : i32
        %get3A = arith.index_cast %add3A_255 : i32 to index
        %get3A_256 = arith.constant 0 : index
        %get3A_257 = tpu.vector_load %arg18[%get3A, %get3A_256] {strides = array<i32>} : memref<64x128xf32, #tpu.memory_space<vmem>>, vector<1x16xf32>,
        %get3A_258 = vector.shape_cast %get3A_257 : vector<1x16xf32> to vector<16xf32>
        %get3A_259 = arith.index_cast %add3A_255 : i32 to index
        %get3A_260 = arith.constant 0 : index
        %get3A_261 = tpu.vector_load %arg17[%get3A_259, %get3A_260] {strides = array<i32>} : memref<64x128xf32, #tpu.memory_space<vmem>>, vector<1x16xf32>,
        %get3A_262 = vector.shape_cast %get3A_261 : vector<1x16xf32> to vector<16xf32>
        %add3A_263 = arith.addf %get3A_258, %get3A_262 : vector<16xf32>
        %max3A = arith.constant 0.000000e+00 : f32
        %max3A_264 = vector.broadcast %max3A : f32 to vector<16xf32>
        %max3A_265 = arith.maximumf %add3A_263, %max3A_264 : vector<16xf32>
        %swap3A = arith.index_cast %add3A_255 : i32 to index
        %swap3A_266 = arith.constant 0 : index
        %swap3A_267 = tpu.vector_load %arg18[%swap3A, %swap3A_266] {strides = array<i32>} : memref<64x128xf32, #tpu.memory_space<vmem>>, vector<1x16xf32>,
        %swap3A_268 = vector.shape_cast %swap3A_267 : vector<1x16xf32> to vector<16xf32>
        %swap3A_269 = vector.shape_cast %max3A_265 : vector<16xf32> to vector<1x16xf32>
        tpu.vector_store %arg18[%swap3A, %swap3A_266], %swap3A_269 {strides = array<i32>} : memref<64x128xf32, #tpu.memory_space<vmem>>, vector<1x16xf32>,
        %get3A_270 = arith.index_cast %add3A_255 : i32 to index
        %get3A_271 = arith.constant 16 : index
        %get3A_272 = tpu.vector_load %arg18[%get3A_270, %get3A_271] {strides = array<i32>} : memref<64x128xf32, #tpu.memory_space<vmem>>, vector<1x16xf32>,
        %get3A_273 = vector.shape_cast %get3A_272 : vector<1x16xf32> to vector<16xf32>
        %get3A_274 = arith.index_cast %add3A_255 : i32 to index
        %get3A_275 = arith.constant 16 : index
        %get3A_276 = tpu.vector_load %arg17[%get3A_274, %get3A_275] {strides = array<i32>} : memref<64x128xf32, #tpu.memory_space<vmem>>, vector<1x16xf32>,
        %get3A_277 = vector.shape_cast %get3A_276 : vector<1x16xf32> to vector<16xf32>
        %add3A_278 = arith.addf %get3A_273, %get3A_277 : vector<16xf32>
        %max3A_279 = arith.constant 0.000000e+00 : f32
        %max3A_280 = vector.broadcast %max3A_279 : f32 to vector<16xf32>
        %max3A_281 = arith.maximumf %add3A_278, %max3A_280 : vector<16xf32>
        %swap3A_282 = arith.index_cast %add3A_255 : i32 to index
        %swap3A_283 = arith.constant 16 : index
        %swap3A_284 = tpu.vector_load %arg18[%swap3A_282, %swap3A_283] {strides = array<i32>} : memref<64x128xf32, #tpu.memory_space<vmem>>, vector<1x16xf32>,
        %swap3A_285 = vector.shape_cast %swap3A_284 : vector<1x16xf32> to vector<16xf32>
        %swap3A_286 = vector.shape_cast %max3A_281 : vector<16xf32> to vector<1x16xf32>
        tpu.vector_store %arg18[%swap3A_282, %swap3A_283], %swap3A_286 {strides = array<i32>} : memref<64x128xf32, #tpu.memory_space<vmem>>, vector<1x16xf32>,
        %get3A_287 = arith.index_cast %add3A_255 : i32 to index
        %get3A_288 = arith.constant 32 : index
        %get3A_289 = tpu.vector_load %arg18[%get3A_287, %get3A_288] {strides = array<i32>} : memref<64x128xf32, #tpu.memory_space<vmem>>, vector<1x16xf32>,
        %get3A_290 = vector.shape_cast %get3A_289 : vector<1x16xf32> to vector<16xf32>
        %get3A_291 = arith.index_cast %add3A_255 : i32 to index
        %get3A_292 = arith.constant 32 : index
        %get3A_293 = tpu.vector_load %arg17[%get3A_291, %get3A_292] {strides = array<i32>} : memref<64x128xf32, #tpu.memory_space<vmem>>, vector<1x16xf32>,
        %get3A_294 = vector.shape_cast %get3A_293 : vector<1x16xf32> to vector<16xf32>
        %add3A_295 = arith.addf %get3A_290, %get3A_294 : vector<16xf32>
        %max3A_296 = arith.constant 0.000000e+00 : f32
        %max3A_297 = vector.broadcast %max3A_296 : f32 to vector<16xf32>
        %max3A_298 = arith.maximumf %add3A_295, %max3A_297 : vector<16xf32>
        %swap3A_299 = arith.index_cast %add3A_255 : i32 to index
        %swap3A_300 = arith.constant 32 : index
        %swap3A_301 = tpu.vector_load %arg18[%swap3A_299, %swap3A_300] {strides = array<i32>} : memref<64x128xf32, #tpu.memory_space<vmem>>, vector<1x16xf32>,
        %swap3A_302 = vector.shape_cast %swap3A_301 : vector<1x16xf32> to vector<16xf32>
        %swap3A_303 = vector.shape_cast %max3A_298 : vector<16xf32> to vector<1x16xf32>
        tpu.vector_store %arg18[%swap3A_299, %swap3A_300], %swap3A_303 {strides = array<i32>} : memref<64x128xf32, #tpu.memory_space<vmem>>, vector<1x16xf32>,
        %get3A_304 = arith.index_cast %add3A_255 : i32 to index
        %get3A_305 = arith.constant 48 : index
        %get3A_306 = tpu.vector_load %arg18[%get3A_304, %get3A_305] {strides = array<i32>} : memref<64x128xf32, #tpu.memory_space<vmem>>, vector<1x16xf32>,
        %get3A_307 = vector.shape_cast %get3A_306 : vector<1x16xf32> to vector<16xf32>
        %get3A_308 = arith.index_cast %add3A_255 : i32 to index
        %get3A_309 = arith.constant 48 : index
        %get3A_310 = tpu.vector_load %arg17[%get3A_308, %get3A_309] {strides = array<i32>} : memref<64x128xf32, #tpu.memory_space<vmem>>, vector<1x16xf32>,
        %get3A_311 = vector.shape_cast %get3A_310 : vector<1x16xf32> to vector<16xf32>
        %add3A_312 = arith.addf %get3A_307, %get3A_311 : vector<16xf32>
        %max3A_313 = arith.constant 0.000000e+00 : f32
        %max3A_314 = vector.broadcast %max3A_313 : f32 to vector<16xf32>
        %max3A_315 = arith.maximumf %add3A_312, %max3A_314 : vector<16xf32>
        %swap3A_316 = arith.index_cast %add3A_255 : i32 to index
        %swap3A_317 = arith.constant 48 : index
        %swap3A_318 = tpu.vector_load %arg18[%swap3A_316, %swap3A_317] {strides = array<i32>} : memref<64x128xf32, #tpu.memory_space<vmem>>, vector<1x16xf32>,
        %swap3A_319 = vector.shape_cast %swap3A_318 : vector<1x16xf32> to vector<16xf32>
        %swap3A_320 = vector.shape_cast %max3A_315 : vector<16xf32> to vector<1x16xf32>
        tpu.vector_store %arg18[%swap3A_316, %swap3A_317], %swap3A_320 {strides = array<i32>} : memref<64x128xf32, #tpu.memory_space<vmem>>, vector<1x16xf32>,
        %get3A_321 = arith.index_cast %add3A_255 : i32 to index
        %get3A_322 = arith.constant 64 : index
        %get3A_323 = tpu.vector_load %arg18[%get3A_321, %get3A_322] {strides = array<i32>} : memref<64x128xf32, #tpu.memory_space<vmem>>, vector<1x16xf32>,
        %get3A_324 = vector.shape_cast %get3A_323 : vector<1x16xf32> to vector<16xf32>
        %get3A_325 = arith.index_cast %add3A_255 : i32 to index
        %get3A_326 = arith.constant 64 : index
        %get3A_327 = tpu.vector_load %arg17[%get3A_325, %get3A_326] {strides = array<i32>} : memref<64x128xf32, #tpu.memory_space<vmem>>, vector<1x16xf32>,
        %get3A_328 = vector.shape_cast %get3A_327 : vector<1x16xf32> to vector<16xf32>
        %add3A_329 = arith.addf %get3A_324, %get3A_328 : vector<16xf32>
        %max3A_330 = arith.constant 0.000000e+00 : f32
        %max3A_331 = vector.broadcast %max3A_330 : f32 to vector<16xf32>
        %max3A_332 = arith.maximumf %add3A_329, %max3A_331 : vector<16xf32>
        %swap3A_333 = arith.index_cast %add3A_255 : i32 to index
        %swap3A_334 = arith.constant 64 : index
        %swap3A_335 = tpu.vector_load %arg18[%swap3A_333, %swap3A_334] {strides = array<i32>} : memref<64x128xf32, #tpu.memory_space<vmem>>, vector<1x16xf32>,
        %swap3A_336 = vector.shape_cast %swap3A_335 : vector<1x16xf32> to vector<16xf32>
        %swap3A_337 = vector.shape_cast %max3A_332 : vector<16xf32> to vector<1x16xf32>
        tpu.vector_store %arg18[%swap3A_333, %swap3A_334], %swap3A_337 {strides = array<i32>} : memref<64x128xf32, #tpu.memory_space<vmem>>, vector<1x16xf32>,
        %get3A_338 = arith.index_cast %add3A_255 : i32 to index
        %get3A_339 = arith.constant 80 : index
        %get3A_340 = tpu.vector_load %arg18[%get3A_338, %get3A_339] {strides = array<i32>} : memref<64x128xf32, #tpu.memory_space<vmem>>, vector<1x16xf32>,
        %get3A_341 = vector.shape_cast %get3A_340 : vector<1x16xf32> to vector<16xf32>
        %get3A_342 = arith.index_cast %add3A_255 : i32 to index
        %get3A_343 = arith.constant 80 : index
        %get3A_344 = tpu.vector_load %arg17[%get3A_342, %get3A_343] {strides = array<i32>} : memref<64x128xf32, #tpu.memory_space<vmem>>, vector<1x16xf32>,
        %get3A_345 = vector.shape_cast %get3A_344 : vector<1x16xf32> to vector<16xf32>
        %add3A_346 = arith.addf %get3A_341, %get3A_345 : vector<16xf32>
        %max3A_347 = arith.constant 0.000000e+00 : f32
        %max3A_348 = vector.broadcast %max3A_347 : f32 to vector<16xf32>
        %max3A_349 = arith.maximumf %add3A_346, %max3A_348 : vector<16xf32>
        %swap3A_350 = arith.index_cast %add3A_255 : i32 to index
        %swap3A_351 = arith.constant 80 : index
        %swap3A_352 = tpu.vector_load %arg18[%swap3A_350, %swap3A_351] {strides = array<i32>} : memref<64x128xf32, #tpu.memory_space<vmem>>, vector<1x16xf32>,
        %swap3A_353 = vector.shape_cast %swap3A_352 : vector<1x16xf32> to vector<16xf32>
        %swap3A_354 = vector.shape_cast %max3A_349 : vector<16xf32> to vector<1x16xf32>
        tpu.vector_store %arg18[%swap3A_350, %swap3A_351], %swap3A_354 {strides = array<i32>} : memref<64x128xf32, #tpu.memory_space<vmem>>, vector<1x16xf32>,
        %get3A_355 = arith.index_cast %add3A_255 : i32 to index
        %get3A_356 = arith.constant 96 : index
        %get3A_357 = tpu.vector_load %arg18[%get3A_355, %get3A_356] {strides = array<i32>} : memref<64x128xf32, #tpu.memory_space<vmem>>, vector<1x16xf32>,
        %get3A_358 = vector.shape_cast %get3A_357 : vector<1x16xf32> to vector<16xf32>
        %get3A_359 = arith.index_cast %add3A_255 : i32 to index
        %get3A_360 = arith.constant 96 : index
        %get3A_361 = tpu.vector_load %arg17[%get3A_359, %get3A_360] {strides = array<i32>} : memref<64x128xf32, #tpu.memory_space<vmem>>, vector<1x16xf32>,
        %get3A_362 = vector.shape_cast %get3A_361 : vector<1x16xf32> to vector<16xf32>
        %add3A_363 = arith.addf %get3A_358, %get3A_362 : vector<16xf32>
        %max3A_364 = arith.constant 0.000000e+00 : f32
        %max3A_365 = vector.broadcast %max3A_364 : f32 to vector<16xf32>
        %max3A_366 = arith.maximumf %add3A_363, %max3A_365 : vector<16xf32>
        %swap3A_367 = arith.index_cast %add3A_255 : i32 to index
        %swap3A_368 = arith.constant 96 : index
        %swap3A_369 = tpu.vector_load %arg18[%swap3A_367, %swap3A_368] {strides = array<i32>} : memref<64x128xf32, #tpu.memory_space<vmem>>, vector<1x16xf32>,
        %swap3A_370 = vector.shape_cast %swap3A_369 : vector<1x16xf32> to vector<16xf32>
        %swap3A_371 = vector.shape_cast %max3A_366 : vector<16xf32> to vector<1x16xf32>
        tpu.vector_store %arg18[%swap3A_367, %swap3A_368], %swap3A_371 {strides = array<i32>} : memref<64x128xf32, #tpu.memory_space<vmem>>, vector<1x16xf32>,
        %get3A_372 = arith.index_cast %add3A_255 : i32 to index
        %get3A_373 = arith.constant 112 : index
        %get3A_374 = tpu.vector_load %arg18[%get3A_372, %get3A_373] {strides = array<i32>} : memref<64x128xf32, #tpu.memory_space<vmem>>, vector<1x16xf32>,
        %get3A_375 = vector.shape_cast %get3A_374 : vector<1x16xf32> to vector<16xf32>
        %get3A_376 = arith.index_cast %add3A_255 : i32 to index
        %get3A_377 = arith.constant 112 : index
        %get3A_378 = tpu.vector_load %arg17[%get3A_376, %get3A_377] {strides = array<i32>} : memref<64x128xf32, #tpu.memory_space<vmem>>, vector<1x16xf32>,
        %get3A_379 = vector.shape_cast %get3A_378 : vector<1x16xf32> to vector<16xf32>
        %add3A_380 = arith.addf %get3A_375, %get3A_379 : vector<16xf32>
        %max3A_381 = arith.constant 0.000000e+00 : f32
        %max3A_382 = vector.broadcast %max3A_381 : f32 to vector<16xf32>
        %max3A_383 = arith.maximumf %add3A_380, %max3A_382 : vector<16xf32>
        %swap3A_384 = arith.index_cast %add3A_255 : i32 to index
        %swap3A_385 = arith.constant 112 : index
        %swap3A_386 = tpu.vector_load %arg18[%swap3A_384, %swap3A_385] {strides = array<i32>} : memref<64x128xf32, #tpu.memory_space<vmem>>, vector<1x16xf32>,
        %swap3A_387 = vector.shape_cast %swap3A_386 : vector<1x16xf32> to vector<16xf32>
        %swap3A_388 = vector.shape_cast %max3A_383 : vector<16xf32> to vector<1x16xf32>
        tpu.vector_store %arg18[%swap3A_384, %swap3A_385], %swap3A_388 {strides = array<i32>} : memref<64x128xf32, #tpu.memory_space<vmem>>, vector<1x16xf32>,
      }
      %scan3A_148 = arith.constant 64 : i32
      %dma_start3A_149 = arith.constant 0 : i32
      %dma_start3A_150 = arith.constant 0 : i32
      %dma_start3A_151 = tpu.memref_slice %arg20[%dma_start3A_149, %dma_start3A_150] : memref<10000x128xf32, #tpu.memory_space<vmem_shared>> -> memref<10000x128xf32, #tpu.memory_space<vmem_shared>>
      tpu.enqueue_indirect_dma source(%arg18 : memref<64x128xf32, #tpu.memory_space<vmem>>) target(%dma_start3A_151 : memref<10000x128xf32, #tpu.memory_space<vmem_shared>>) offsets(%arg8 : memref<64xi32, #tpu.memory_space<vmem>>) semaphore(%arg32 : memref<!tpu.dma_semaphore, #tpu.memory_space<semaphore_mem>>) {add = true}
      %dma_start3A_152 = arith.constant 0 : i32
      %dma_start3A_153 = tpu.memref_slice %arg3[%add3A_123, %dma_start3A_152] : memref<320000x128xf32, #tpu.memory_space<hbm>> -> memref<64x128xf32, #tpu.memory_space<hbm>>
      %dma_start3A_154 = arith.constant 0 : i32
      %dma_start3A_155 = tpu.memref_slice %arg3[%add3A_123, %dma_start3A_154] : memref<320000x128xf32, #tpu.memory_space<hbm>> -> memref<64x128xf32, #tpu.memory_space<hbm>>
      tpu.enqueue_dma source(%dma_start3A_155 : memref<64x128xf32, #tpu.memory_space<hbm>>) target(%arg17 : memref<64x128xf32, #tpu.memory_space<vmem>>) target_semaphore(%arg31 : memref<!tpu.dma_semaphore, #tpu.memory_space<semaphore_mem>>)
      %dma_wait3A_156 = arith.constant 0 : i32
      %dma_wait3A_157 = arith.constant 0 : i32
      %dma_wait3A_158 = tpu.memref_slice %arg20[%dma_wait3A_156, %dma_wait3A_157] : memref<10000x128xf32, #tpu.memory_space<vmem_shared>> -> memref<10000x128xf32, #tpu.memory_space<vmem_shared>>
      tpu.wait_indirect_dma semaphore(%arg32 : memref<!tpu.dma_semaphore, #tpu.memory_space<semaphore_mem>>) src(%arg18 : memref<64x128xf32, #tpu.memory_space<vmem>>) dst(%dma_wait3A_158 : memref<10000x128xf32, #tpu.memory_space<vmem_shared>>)
      %lt3A = arith.constant 38 : i32
      %lt3A_159 = arith.cmpi slt, %add3A_118, %lt3A : i32
      %convert_element_type3A_160 = arith.extui %lt3A_159 : i1 to i32
      %cond3A_161 = arith.constant 0 : i32
      %cond3A_162 = arith.cmpi ne, %convert_element_type3A_160, %cond3A_161 : i32
      scf.if %cond3A_162 {
        %add3A_251 = arith.constant 256 : i32
        %add3A_252 = arith.addi %add3A_121, %add3A_251 : i32
        %dma_start3A_253 = tpu.memref_slice %arg4[%add3A_252] : memref<320000xi32, #tpu.memory_space<hbm>> -> memref<64xi32, #tpu.memory_space<hbm>>
        %dma_start3A_254 = tpu.memref_slice %arg4[%add3A_252] : memref<320000xi32, #tpu.memory_space<hbm>> -> memref<64xi32, #tpu.memory_space<hbm>>
        tpu.enqueue_dma source(%dma_start3A_254 : memref<64xi32, #tpu.memory_space<hbm>>) target(%arg7 : memref<64xi32, #tpu.memory_space<vmem>>) target_semaphore(%arg21 : memref<!tpu.dma_semaphore, #tpu.memory_space<semaphore_mem>>)
        %dma_start3A_255 = tpu.memref_slice %arg5[%add3A_252] : memref<320000xi32, #tpu.memory_space<hbm>> -> memref<64xi32, #tpu.memory_space<hbm>>
        %dma_start3A_256 = tpu.memref_slice %arg5[%add3A_252] : memref<320000xi32, #tpu.memory_space<hbm>> -> memref<64xi32, #tpu.memory_space<hbm>>
        tpu.enqueue_dma source(%dma_start3A_256 : memref<64xi32, #tpu.memory_space<hbm>>) target(%arg8 : memref<64xi32, #tpu.memory_space<vmem>>) target_semaphore(%arg22 : memref<!tpu.dma_semaphore, #tpu.memory_space<semaphore_mem>>)
      } else {
      }
      %dma_wait3A_163 = tpu.memref_slice %arg4[%add3A_125] : memref<320000xi32, #tpu.memory_space<hbm>> -> memref<64xi32, #tpu.memory_space<hbm>>
      %dma_wait3A_164 = tpu.memref_slice %arg4[%add3A_125] : memref<320000xi32, #tpu.memory_space<hbm>> -> memref<64xi32, #tpu.memory_space<hbm>>
      tpu.wait_dma2 semaphore(%arg25 : memref<!tpu.dma_semaphore, #tpu.memory_space<semaphore_mem>>) src(%dma_wait3A_164 : memref<64xi32, #tpu.memory_space<hbm>>) dst(%arg11 : memref<64xi32, #tpu.memory_space<vmem>>)
      %dma_wait3A_165 = tpu.memref_slice %arg5[%add3A_125] : memref<320000xi32, #tpu.memory_space<hbm>> -> memref<64xi32, #tpu.memory_space<hbm>>
      %dma_wait3A_166 = tpu.memref_slice %arg5[%add3A_125] : memref<320000xi32, #tpu.memory_space<hbm>> -> memref<64xi32, #tpu.memory_space<hbm>>
      tpu.wait_dma2 semaphore(%arg26 : memref<!tpu.dma_semaphore, #tpu.memory_space<semaphore_mem>>) src(%dma_wait3A_166 : memref<64xi32, #tpu.memory_space<hbm>>) dst(%arg12 : memref<64xi32, #tpu.memory_space<vmem>>)
      %dma_start3A_167 = arith.constant 0 : i32
      %dma_start3A_168 = arith.constant 0 : i32
      %dma_start3A_169 = tpu.memref_slice %arg2[%dma_start3A_167, %dma_start3A_168] : memref<10000x128xf32, #tpu.memory_space<hbm>> -> memref<10000x128xf32, #tpu.memory_space<hbm>>
      tpu.enqueue_indirect_dma source(%dma_start3A_169 : memref<10000x128xf32, #tpu.memory_space<hbm>>) target(%arg18 : memref<64x128xf32, #tpu.memory_space<vmem>>) offsets(%arg11 : memref<64xi32, #tpu.memory_space<vmem>>) semaphore(%arg29 : memref<!tpu.dma_semaphore, #tpu.memory_space<semaphore_mem>>)
      %dma_wait3A_170 = arith.constant 0 : i32
      %dma_wait3A_171 = tpu.memref_slice %arg3[%add3A_123, %dma_wait3A_170] : memref<320000x128xf32, #tpu.memory_space<hbm>> -> memref<64x128xf32, #tpu.memory_space<hbm>>
      %dma_wait3A_172 = arith.constant 0 : i32
      %dma_wait3A_173 = tpu.memref_slice %arg3[%add3A_123, %dma_wait3A_172] : memref<320000x128xf32, #tpu.memory_space<hbm>> -> memref<64x128xf32, #tpu.memory_space<hbm>>
      tpu.wait_dma2 semaphore(%arg31 : memref<!tpu.dma_semaphore, #tpu.memory_space<semaphore_mem>>) src(%dma_wait3A_173 : memref<64x128xf32, #tpu.memory_space<hbm>>) dst(%arg17 : memref<64x128xf32, #tpu.memory_space<vmem>>)
      %dma_wait3A_174 = arith.constant 0 : i32
      %dma_wait3A_175 = arith.constant 0 : i32
      %dma_wait3A_176 = tpu.memref_slice %arg2[%dma_wait3A_174, %dma_wait3A_175] : memref<10000x128xf32, #tpu.memory_space<hbm>> -> memref<10000x128xf32, #tpu.memory_space<hbm>>
      tpu.wait_indirect_dma semaphore(%arg30 : memref<!tpu.dma_semaphore, #tpu.memory_space<semaphore_mem>>) src(%dma_wait3A_176 : memref<10000x128xf32, #tpu.memory_space<hbm>>) dst(%arg19 : memref<64x128xf32, #tpu.memory_space<vmem>>)
      %scan3A_177 = arith.constant 0 : i32
      %scan3A_178 = arith.constant 64 : i32
      %scan3A_179 = arith.addi %scan3A_177, %scan3A_178 : i32
      %scan3A_180 = arith.constant 1 : i32
      scf.for %scan3A_251 = %scan3A_177 to %scan3A_179 step %scan3A_180  : i32 {
        %mul3A_252 = arith.constant 1 : i32
        %mul3A_253 = arith.muli %scan3A_251, %mul3A_252 : i32
        %add3A_254 = arith.constant 0 : i32
        %add3A_255 = arith.addi %add3A_254, %mul3A_253 : i32
        %get3A = arith.index_cast %add3A_255 : i32 to index
        %get3A_256 = arith.constant 0 : index
        %get3A_257 = tpu.vector_load %arg19[%get3A, %get3A_256] {strides = array<i32>} : memref<64x128xf32, #tpu.memory_space<vmem>>, vector<1x16xf32>,
        %get3A_258 = vector.shape_cast %get3A_257 : vector<1x16xf32> to vector<16xf32>
        %get3A_259 = arith.index_cast %add3A_255 : i32 to index
        %get3A_260 = arith.constant 0 : index
        %get3A_261 = tpu.vector_load %arg17[%get3A_259, %get3A_260] {strides = array<i32>} : memref<64x128xf32, #tpu.memory_space<vmem>>, vector<1x16xf32>,
        %get3A_262 = vector.shape_cast %get3A_261 : vector<1x16xf32> to vector<16xf32>
        %add3A_263 = arith.addf %get3A_258, %get3A_262 : vector<16xf32>
        %max3A = arith.constant 0.000000e+00 : f32
        %max3A_264 = vector.broadcast %max3A : f32 to vector<16xf32>
        %max3A_265 = arith.maximumf %add3A_263, %max3A_264 : vector<16xf32>
        %swap3A = arith.index_cast %add3A_255 : i32 to index
        %swap3A_266 = arith.constant 0 : index
        %swap3A_267 = tpu.vector_load %arg19[%swap3A, %swap3A_266] {strides = array<i32>} : memref<64x128xf32, #tpu.memory_space<vmem>>, vector<1x16xf32>,
        %swap3A_268 = vector.shape_cast %swap3A_267 : vector<1x16xf32> to vector<16xf32>
        %swap3A_269 = vector.shape_cast %max3A_265 : vector<16xf32> to vector<1x16xf32>
        tpu.vector_store %arg19[%swap3A, %swap3A_266], %swap3A_269 {strides = array<i32>} : memref<64x128xf32, #tpu.memory_space<vmem>>, vector<1x16xf32>,
        %get3A_270 = arith.index_cast %add3A_255 : i32 to index
        %get3A_271 = arith.constant 16 : index
        %get3A_272 = tpu.vector_load %arg19[%get3A_270, %get3A_271] {strides = array<i32>} : memref<64x128xf32, #tpu.memory_space<vmem>>, vector<1x16xf32>,
        %get3A_273 = vector.shape_cast %get3A_272 : vector<1x16xf32> to vector<16xf32>
        %get3A_274 = arith.index_cast %add3A_255 : i32 to index
        %get3A_275 = arith.constant 16 : index
        %get3A_276 = tpu.vector_load %arg17[%get3A_274, %get3A_275] {strides = array<i32>} : memref<64x128xf32, #tpu.memory_space<vmem>>, vector<1x16xf32>,
        %get3A_277 = vector.shape_cast %get3A_276 : vector<1x16xf32> to vector<16xf32>
        %add3A_278 = arith.addf %get3A_273, %get3A_277 : vector<16xf32>
        %max3A_279 = arith.constant 0.000000e+00 : f32
        %max3A_280 = vector.broadcast %max3A_279 : f32 to vector<16xf32>
        %max3A_281 = arith.maximumf %add3A_278, %max3A_280 : vector<16xf32>
        %swap3A_282 = arith.index_cast %add3A_255 : i32 to index
        %swap3A_283 = arith.constant 16 : index
        %swap3A_284 = tpu.vector_load %arg19[%swap3A_282, %swap3A_283] {strides = array<i32>} : memref<64x128xf32, #tpu.memory_space<vmem>>, vector<1x16xf32>,
        %swap3A_285 = vector.shape_cast %swap3A_284 : vector<1x16xf32> to vector<16xf32>
        %swap3A_286 = vector.shape_cast %max3A_281 : vector<16xf32> to vector<1x16xf32>
        tpu.vector_store %arg19[%swap3A_282, %swap3A_283], %swap3A_286 {strides = array<i32>} : memref<64x128xf32, #tpu.memory_space<vmem>>, vector<1x16xf32>,
        %get3A_287 = arith.index_cast %add3A_255 : i32 to index
        %get3A_288 = arith.constant 32 : index
        %get3A_289 = tpu.vector_load %arg19[%get3A_287, %get3A_288] {strides = array<i32>} : memref<64x128xf32, #tpu.memory_space<vmem>>, vector<1x16xf32>,
        %get3A_290 = vector.shape_cast %get3A_289 : vector<1x16xf32> to vector<16xf32>
        %get3A_291 = arith.index_cast %add3A_255 : i32 to index
        %get3A_292 = arith.constant 32 : index
        %get3A_293 = tpu.vector_load %arg17[%get3A_291, %get3A_292] {strides = array<i32>} : memref<64x128xf32, #tpu.memory_space<vmem>>, vector<1x16xf32>,
        %get3A_294 = vector.shape_cast %get3A_293 : vector<1x16xf32> to vector<16xf32>
        %add3A_295 = arith.addf %get3A_290, %get3A_294 : vector<16xf32>
        %max3A_296 = arith.constant 0.000000e+00 : f32
        %max3A_297 = vector.broadcast %max3A_296 : f32 to vector<16xf32>
        %max3A_298 = arith.maximumf %add3A_295, %max3A_297 : vector<16xf32>
        %swap3A_299 = arith.index_cast %add3A_255 : i32 to index
        %swap3A_300 = arith.constant 32 : index
        %swap3A_301 = tpu.vector_load %arg19[%swap3A_299, %swap3A_300] {strides = array<i32>} : memref<64x128xf32, #tpu.memory_space<vmem>>, vector<1x16xf32>,
        %swap3A_302 = vector.shape_cast %swap3A_301 : vector<1x16xf32> to vector<16xf32>
        %swap3A_303 = vector.shape_cast %max3A_298 : vector<16xf32> to vector<1x16xf32>
        tpu.vector_store %arg19[%swap3A_299, %swap3A_300], %swap3A_303 {strides = array<i32>} : memref<64x128xf32, #tpu.memory_space<vmem>>, vector<1x16xf32>,
        %get3A_304 = arith.index_cast %add3A_255 : i32 to index
        %get3A_305 = arith.constant 48 : index
        %get3A_306 = tpu.vector_load %arg19[%get3A_304, %get3A_305] {strides = array<i32>} : memref<64x128xf32, #tpu.memory_space<vmem>>, vector<1x16xf32>,
        %get3A_307 = vector.shape_cast %get3A_306 : vector<1x16xf32> to vector<16xf32>
        %get3A_308 = arith.index_cast %add3A_255 : i32 to index
        %get3A_309 = arith.constant 48 : index
        %get3A_310 = tpu.vector_load %arg17[%get3A_308, %get3A_309] {strides = array<i32>} : memref<64x128xf32, #tpu.memory_space<vmem>>, vector<1x16xf32>,
        %get3A_311 = vector.shape_cast %get3A_310 : vector<1x16xf32> to vector<16xf32>
        %add3A_312 = arith.addf %get3A_307, %get3A_311 : vector<16xf32>
        %max3A_313 = arith.constant 0.000000e+00 : f32
        %max3A_314 = vector.broadcast %max3A_313 : f32 to vector<16xf32>
        %max3A_315 = arith.maximumf %add3A_312, %max3A_314 : vector<16xf32>
        %swap3A_316 = arith.index_cast %add3A_255 : i32 to index
        %swap3A_317 = arith.constant 48 : index
        %swap3A_318 = tpu.vector_load %arg19[%swap3A_316, %swap3A_317] {strides = array<i32>} : memref<64x128xf32, #tpu.memory_space<vmem>>, vector<1x16xf32>,
        %swap3A_319 = vector.shape_cast %swap3A_318 : vector<1x16xf32> to vector<16xf32>
        %swap3A_320 = vector.shape_cast %max3A_315 : vector<16xf32> to vector<1x16xf32>
        tpu.vector_store %arg19[%swap3A_316, %swap3A_317], %swap3A_320 {strides = array<i32>} : memref<64x128xf32, #tpu.memory_space<vmem>>, vector<1x16xf32>,
        %get3A_321 = arith.index_cast %add3A_255 : i32 to index
        %get3A_322 = arith.constant 64 : index
        %get3A_323 = tpu.vector_load %arg19[%get3A_321, %get3A_322] {strides = array<i32>} : memref<64x128xf32, #tpu.memory_space<vmem>>, vector<1x16xf32>,
        %get3A_324 = vector.shape_cast %get3A_323 : vector<1x16xf32> to vector<16xf32>
        %get3A_325 = arith.index_cast %add3A_255 : i32 to index
        %get3A_326 = arith.constant 64 : index
        %get3A_327 = tpu.vector_load %arg17[%get3A_325, %get3A_326] {strides = array<i32>} : memref<64x128xf32, #tpu.memory_space<vmem>>, vector<1x16xf32>,
        %get3A_328 = vector.shape_cast %get3A_327 : vector<1x16xf32> to vector<16xf32>
        %add3A_329 = arith.addf %get3A_324, %get3A_328 : vector<16xf32>
        %max3A_330 = arith.constant 0.000000e+00 : f32
        %max3A_331 = vector.broadcast %max3A_330 : f32 to vector<16xf32>
        %max3A_332 = arith.maximumf %add3A_329, %max3A_331 : vector<16xf32>
        %swap3A_333 = arith.index_cast %add3A_255 : i32 to index
        %swap3A_334 = arith.constant 64 : index
        %swap3A_335 = tpu.vector_load %arg19[%swap3A_333, %swap3A_334] {strides = array<i32>} : memref<64x128xf32, #tpu.memory_space<vmem>>, vector<1x16xf32>,
        %swap3A_336 = vector.shape_cast %swap3A_335 : vector<1x16xf32> to vector<16xf32>
        %swap3A_337 = vector.shape_cast %max3A_332 : vector<16xf32> to vector<1x16xf32>
        tpu.vector_store %arg19[%swap3A_333, %swap3A_334], %swap3A_337 {strides = array<i32>} : memref<64x128xf32, #tpu.memory_space<vmem>>, vector<1x16xf32>,
        %get3A_338 = arith.index_cast %add3A_255 : i32 to index
        %get3A_339 = arith.constant 80 : index
        %get3A_340 = tpu.vector_load %arg19[%get3A_338, %get3A_339] {strides = array<i32>} : memref<64x128xf32, #tpu.memory_space<vmem>>, vector<1x16xf32>,
        %get3A_341 = vector.shape_cast %get3A_340 : vector<1x16xf32> to vector<16xf32>
        %get3A_342 = arith.index_cast %add3A_255 : i32 to index
        %get3A_343 = arith.constant 80 : index
        %get3A_344 = tpu.vector_load %arg17[%get3A_342, %get3A_343] {strides = array<i32>} : memref<64x128xf32, #tpu.memory_space<vmem>>, vector<1x16xf32>,
        %get3A_345 = vector.shape_cast %get3A_344 : vector<1x16xf32> to vector<16xf32>
        %add3A_346 = arith.addf %get3A_341, %get3A_345 : vector<16xf32>
        %max3A_347 = arith.constant 0.000000e+00 : f32
        %max3A_348 = vector.broadcast %max3A_347 : f32 to vector<16xf32>
        %max3A_349 = arith.maximumf %add3A_346, %max3A_348 : vector<16xf32>
        %swap3A_350 = arith.index_cast %add3A_255 : i32 to index
        %swap3A_351 = arith.constant 80 : index
        %swap3A_352 = tpu.vector_load %arg19[%swap3A_350, %swap3A_351] {strides = array<i32>} : memref<64x128xf32, #tpu.memory_space<vmem>>, vector<1x16xf32>,
        %swap3A_353 = vector.shape_cast %swap3A_352 : vector<1x16xf32> to vector<16xf32>
        %swap3A_354 = vector.shape_cast %max3A_349 : vector<16xf32> to vector<1x16xf32>
        tpu.vector_store %arg19[%swap3A_350, %swap3A_351], %swap3A_354 {strides = array<i32>} : memref<64x128xf32, #tpu.memory_space<vmem>>, vector<1x16xf32>,
        %get3A_355 = arith.index_cast %add3A_255 : i32 to index
        %get3A_356 = arith.constant 96 : index
        %get3A_357 = tpu.vector_load %arg19[%get3A_355, %get3A_356] {strides = array<i32>} : memref<64x128xf32, #tpu.memory_space<vmem>>, vector<1x16xf32>,
        %get3A_358 = vector.shape_cast %get3A_357 : vector<1x16xf32> to vector<16xf32>
        %get3A_359 = arith.index_cast %add3A_255 : i32 to index
        %get3A_360 = arith.constant 96 : index
        %get3A_361 = tpu.vector_load %arg17[%get3A_359, %get3A_360] {strides = array<i32>} : memref<64x128xf32, #tpu.memory_space<vmem>>, vector<1x16xf32>,
        %get3A_362 = vector.shape_cast %get3A_361 : vector<1x16xf32> to vector<16xf32>
        %add3A_363 = arith.addf %get3A_358, %get3A_362 : vector<16xf32>
        %max3A_364 = arith.constant 0.000000e+00 : f32
        %max3A_365 = vector.broadcast %max3A_364 : f32 to vector<16xf32>
        %max3A_366 = arith.maximumf %add3A_363, %max3A_365 : vector<16xf32>
        %swap3A_367 = arith.index_cast %add3A_255 : i32 to index
        %swap3A_368 = arith.constant 96 : index
        %swap3A_369 = tpu.vector_load %arg19[%swap3A_367, %swap3A_368] {strides = array<i32>} : memref<64x128xf32, #tpu.memory_space<vmem>>, vector<1x16xf32>,
        %swap3A_370 = vector.shape_cast %swap3A_369 : vector<1x16xf32> to vector<16xf32>
        %swap3A_371 = vector.shape_cast %max3A_366 : vector<16xf32> to vector<1x16xf32>
        tpu.vector_store %arg19[%swap3A_367, %swap3A_368], %swap3A_371 {strides = array<i32>} : memref<64x128xf32, #tpu.memory_space<vmem>>, vector<1x16xf32>,
        %get3A_372 = arith.index_cast %add3A_255 : i32 to index
        %get3A_373 = arith.constant 112 : index
        %get3A_374 = tpu.vector_load %arg19[%get3A_372, %get3A_373] {strides = array<i32>} : memref<64x128xf32, #tpu.memory_space<vmem>>, vector<1x16xf32>,
        %get3A_375 = vector.shape_cast %get3A_374 : vector<1x16xf32> to vector<16xf32>
        %get3A_376 = arith.index_cast %add3A_255 : i32 to index
        %get3A_377 = arith.constant 112 : index
        %get3A_378 = tpu.vector_load %arg17[%get3A_376, %get3A_377] {strides = array<i32>} : memref<64x128xf32, #tpu.memory_space<vmem>>, vector<1x16xf32>,
        %get3A_379 = vector.shape_cast %get3A_378 : vector<1x16xf32> to vector<16xf32>
        %add3A_380 = arith.addf %get3A_375, %get3A_379 : vector<16xf32>
        %max3A_381 = arith.constant 0.000000e+00 : f32
        %max3A_382 = vector.broadcast %max3A_381 : f32 to vector<16xf32>
        %max3A_383 = arith.maximumf %add3A_380, %max3A_382 : vector<16xf32>
        %swap3A_384 = arith.index_cast %add3A_255 : i32 to index
        %swap3A_385 = arith.constant 112 : index
        %swap3A_386 = tpu.vector_load %arg19[%swap3A_384, %swap3A_385] {strides = array<i32>} : memref<64x128xf32, #tpu.memory_space<vmem>>, vector<1x16xf32>,
        %swap3A_387 = vector.shape_cast %swap3A_386 : vector<1x16xf32> to vector<16xf32>
        %swap3A_388 = vector.shape_cast %max3A_383 : vector<16xf32> to vector<1x16xf32>
        tpu.vector_store %arg19[%swap3A_384, %swap3A_385], %swap3A_388 {strides = array<i32>} : memref<64x128xf32, #tpu.memory_space<vmem>>, vector<1x16xf32>,
      }
      %scan3A_181 = arith.constant 64 : i32
      %dma_start3A_182 = arith.constant 0 : i32
      %dma_start3A_183 = arith.constant 0 : i32
      %dma_start3A_184 = tpu.memref_slice %arg20[%dma_start3A_182, %dma_start3A_183] : memref<10000x128xf32, #tpu.memory_space<vmem_shared>> -> memref<10000x128xf32, #tpu.memory_space<vmem_shared>>
      tpu.enqueue_indirect_dma source(%arg19 : memref<64x128xf32, #tpu.memory_space<vmem>>) target(%dma_start3A_184 : memref<10000x128xf32, #tpu.memory_space<vmem_shared>>) offsets(%arg10 : memref<64xi32, #tpu.memory_space<vmem>>) semaphore(%arg33 : memref<!tpu.dma_semaphore, #tpu.memory_space<semaphore_mem>>) {add = true}
      %dma_start3A_185 = arith.constant 0 : i32
      %dma_start3A_186 = tpu.memref_slice %arg3[%add3A_125, %dma_start3A_185] : memref<320000x128xf32, #tpu.memory_space<hbm>> -> memref<64x128xf32, #tpu.memory_space<hbm>>
      %dma_start3A_187 = arith.constant 0 : i32
      %dma_start3A_188 = tpu.memref_slice %arg3[%add3A_125, %dma_start3A_187] : memref<320000x128xf32, #tpu.memory_space<hbm>> -> memref<64x128xf32, #tpu.memory_space<hbm>>
      tpu.enqueue_dma source(%dma_start3A_188 : memref<64x128xf32, #tpu.memory_space<hbm>>) target(%arg17 : memref<64x128xf32, #tpu.memory_space<vmem>>) target_semaphore(%arg31 : memref<!tpu.dma_semaphore, #tpu.memory_space<semaphore_mem>>)
      %dma_wait3A_189 = arith.constant 0 : i32
      %dma_wait3A_190 = arith.constant 0 : i32
      %dma_wait3A_191 = tpu.memref_slice %arg20[%dma_wait3A_189, %dma_wait3A_190] : memref<10000x128xf32, #tpu.memory_space<vmem_shared>> -> memref<10000x128xf32, #tpu.memory_space<vmem_shared>>
      tpu.wait_indirect_dma semaphore(%arg33 : memref<!tpu.dma_semaphore, #tpu.memory_space<semaphore_mem>>) src(%arg19 : memref<64x128xf32, #tpu.memory_space<vmem>>) dst(%dma_wait3A_191 : memref<10000x128xf32, #tpu.memory_space<vmem_shared>>)
      %lt3A_192 = arith.constant 38 : i32
      %lt3A_193 = arith.cmpi slt, %add3A_118, %lt3A_192 : i32
      %convert_element_type3A_194 = arith.extui %lt3A_193 : i1 to i32
      %cond3A_195 = arith.constant 0 : i32
      %cond3A_196 = arith.cmpi ne, %convert_element_type3A_194, %cond3A_195 : i32
      scf.if %cond3A_196 {
        %add3A_251 = arith.constant 256 : i32
        %add3A_252 = arith.addi %add3A_123, %add3A_251 : i32
        %dma_start3A_253 = tpu.memref_slice %arg4[%add3A_252] : memref<320000xi32, #tpu.memory_space<hbm>> -> memref<64xi32, #tpu.memory_space<hbm>>
        %dma_start3A_254 = tpu.memref_slice %arg4[%add3A_252] : memref<320000xi32, #tpu.memory_space<hbm>> -> memref<64xi32, #tpu.memory_space<hbm>>
        tpu.enqueue_dma source(%dma_start3A_254 : memref<64xi32, #tpu.memory_space<hbm>>) target(%arg9 : memref<64xi32, #tpu.memory_space<vmem>>) target_semaphore(%arg23 : memref<!tpu.dma_semaphore, #tpu.memory_space<semaphore_mem>>)
        %dma_start3A_255 = tpu.memref_slice %arg5[%add3A_252] : memref<320000xi32, #tpu.memory_space<hbm>> -> memref<64xi32, #tpu.memory_space<hbm>>
        %dma_start3A_256 = tpu.memref_slice %arg5[%add3A_252] : memref<320000xi32, #tpu.memory_space<hbm>> -> memref<64xi32, #tpu.memory_space<hbm>>
        tpu.enqueue_dma source(%dma_start3A_256 : memref<64xi32, #tpu.memory_space<hbm>>) target(%arg10 : memref<64xi32, #tpu.memory_space<vmem>>) target_semaphore(%arg24 : memref<!tpu.dma_semaphore, #tpu.memory_space<semaphore_mem>>)
      } else {
      }
      %dma_wait3A_197 = tpu.memref_slice %arg4[%add3A_127] : memref<320000xi32, #tpu.memory_space<hbm>> -> memref<64xi32, #tpu.memory_space<hbm>>
      %dma_wait3A_198 = tpu.memref_slice %arg4[%add3A_127] : memref<320000xi32, #tpu.memory_space<hbm>> -> memref<64xi32, #tpu.memory_space<hbm>>
      tpu.wait_dma2 semaphore(%arg27 : memref<!tpu.dma_semaphore, #tpu.memory_space<semaphore_mem>>) src(%dma_wait3A_198 : memref<64xi32, #tpu.memory_space<hbm>>) dst(%arg13 : memref<64xi32, #tpu.memory_space<vmem>>)
      %dma_wait3A_199 = tpu.memref_slice %arg5[%add3A_127] : memref<320000xi32, #tpu.memory_space<hbm>> -> memref<64xi32, #tpu.memory_space<hbm>>
      %dma_wait3A_200 = tpu.memref_slice %arg5[%add3A_127] : memref<320000xi32, #tpu.memory_space<hbm>> -> memref<64xi32, #tpu.memory_space<hbm>>
      tpu.wait_dma2 semaphore(%arg28 : memref<!tpu.dma_semaphore, #tpu.memory_space<semaphore_mem>>) src(%dma_wait3A_200 : memref<64xi32, #tpu.memory_space<hbm>>) dst(%arg14 : memref<64xi32, #tpu.memory_space<vmem>>)
      %dma_start3A_201 = arith.constant 0 : i32
      %dma_start3A_202 = arith.constant 0 : i32
      %dma_start3A_203 = tpu.memref_slice %arg2[%dma_start3A_201, %dma_start3A_202] : memref<10000x128xf32, #tpu.memory_space<hbm>> -> memref<10000x128xf32, #tpu.memory_space<hbm>>
      tpu.enqueue_indirect_dma source(%dma_start3A_203 : memref<10000x128xf32, #tpu.memory_space<hbm>>) target(%arg19 : memref<64x128xf32, #tpu.memory_space<vmem>>) offsets(%arg13 : memref<64xi32, #tpu.memory_space<vmem>>) semaphore(%arg30 : memref<!tpu.dma_semaphore, #tpu.memory_space<semaphore_mem>>)
      %dma_wait3A_204 = arith.constant 0 : i32
      %dma_wait3A_205 = tpu.memref_slice %arg3[%add3A_125, %dma_wait3A_204] : memref<320000x128xf32, #tpu.memory_space<hbm>> -> memref<64x128xf32, #tpu.memory_space<hbm>>
      %dma_wait3A_206 = arith.constant 0 : i32
      %dma_wait3A_207 = tpu.memref_slice %arg3[%add3A_125, %dma_wait3A_206] : memref<320000x128xf32, #tpu.memory_space<hbm>> -> memref<64x128xf32, #tpu.memory_space<hbm>>
      tpu.wait_dma2 semaphore(%arg31 : memref<!tpu.dma_semaphore, #tpu.memory_space<semaphore_mem>>) src(%dma_wait3A_207 : memref<64x128xf32, #tpu.memory_space<hbm>>) dst(%arg17 : memref<64x128xf32, #tpu.memory_space<vmem>>)
      %dma_wait3A_208 = arith.constant 0 : i32
      %dma_wait3A_209 = arith.constant 0 : i32
      %dma_wait3A_210 = tpu.memref_slice %arg2[%dma_wait3A_208, %dma_wait3A_209] : memref<10000x128xf32, #tpu.memory_space<hbm>> -> memref<10000x128xf32, #tpu.memory_space<hbm>>
      tpu.wait_indirect_dma semaphore(%arg29 : memref<!tpu.dma_semaphore, #tpu.memory_space<semaphore_mem>>) src(%dma_wait3A_210 : memref<10000x128xf32, #tpu.memory_space<hbm>>) dst(%arg18 : memref<64x128xf32, #tpu.memory_space<vmem>>)
      %scan3A_211 = arith.constant 0 : i32
      %scan3A_212 = arith.constant 64 : i32
      %scan3A_213 = arith.addi %scan3A_211, %scan3A_212 : i32
      %scan3A_214 = arith.constant 1 : i32
      scf.for %scan3A_251 = %scan3A_211 to %scan3A_213 step %scan3A_214  : i32 {
        %mul3A_252 = arith.constant 1 : i32
        %mul3A_253 = arith.muli %scan3A_251, %mul3A_252 : i32
        %add3A_254 = arith.constant 0 : i32
        %add3A_255 = arith.addi %add3A_254, %mul3A_253 : i32
        %get3A = arith.index_cast %add3A_255 : i32 to index
        %get3A_256 = arith.constant 0 : index
        %get3A_257 = tpu.vector_load %arg18[%get3A, %get3A_256] {strides = array<i32>} : memref<64x128xf32, #tpu.memory_space<vmem>>, vector<1x16xf32>,
        %get3A_258 = vector.shape_cast %get3A_257 : vector<1x16xf32> to vector<16xf32>
        %get3A_259 = arith.index_cast %add3A_255 : i32 to index
        %get3A_260 = arith.constant 0 : index
        %get3A_261 = tpu.vector_load %arg17[%get3A_259, %get3A_260] {strides = array<i32>} : memref<64x128xf32, #tpu.memory_space<vmem>>, vector<1x16xf32>,
        %get3A_262 = vector.shape_cast %get3A_261 : vector<1x16xf32> to vector<16xf32>
        %add3A_263 = arith.addf %get3A_258, %get3A_262 : vector<16xf32>
        %max3A = arith.constant 0.000000e+00 : f32
        %max3A_264 = vector.broadcast %max3A : f32 to vector<16xf32>
        %max3A_265 = arith.maximumf %add3A_263, %max3A_264 : vector<16xf32>
        %swap3A = arith.index_cast %add3A_255 : i32 to index
        %swap3A_266 = arith.constant 0 : index
        %swap3A_267 = tpu.vector_load %arg18[%swap3A, %swap3A_266] {strides = array<i32>} : memref<64x128xf32, #tpu.memory_space<vmem>>, vector<1x16xf32>,
        %swap3A_268 = vector.shape_cast %swap3A_267 : vector<1x16xf32> to vector<16xf32>
        %swap3A_269 = vector.shape_cast %max3A_265 : vector<16xf32> to vector<1x16xf32>
        tpu.vector_store %arg18[%swap3A, %swap3A_266], %swap3A_269 {strides = array<i32>} : memref<64x128xf32, #tpu.memory_space<vmem>>, vector<1x16xf32>,
        %get3A_270 = arith.index_cast %add3A_255 : i32 to index
        %get3A_271 = arith.constant 16 : index
        %get3A_272 = tpu.vector_load %arg18[%get3A_270, %get3A_271] {strides = array<i32>} : memref<64x128xf32, #tpu.memory_space<vmem>>, vector<1x16xf32>,
        %get3A_273 = vector.shape_cast %get3A_272 : vector<1x16xf32> to vector<16xf32>
        %get3A_274 = arith.index_cast %add3A_255 : i32 to index
        %get3A_275 = arith.constant 16 : index
        %get3A_276 = tpu.vector_load %arg17[%get3A_274, %get3A_275] {strides = array<i32>} : memref<64x128xf32, #tpu.memory_space<vmem>>, vector<1x16xf32>,
        %get3A_277 = vector.shape_cast %get3A_276 : vector<1x16xf32> to vector<16xf32>
        %add3A_278 = arith.addf %get3A_273, %get3A_277 : vector<16xf32>
        %max3A_279 = arith.constant 0.000000e+00 : f32
        %max3A_280 = vector.broadcast %max3A_279 : f32 to vector<16xf32>
        %max3A_281 = arith.maximumf %add3A_278, %max3A_280 : vector<16xf32>
        %swap3A_282 = arith.index_cast %add3A_255 : i32 to index
        %swap3A_283 = arith.constant 16 : index
        %swap3A_284 = tpu.vector_load %arg18[%swap3A_282, %swap3A_283] {strides = array<i32>} : memref<64x128xf32, #tpu.memory_space<vmem>>, vector<1x16xf32>,
        %swap3A_285 = vector.shape_cast %swap3A_284 : vector<1x16xf32> to vector<16xf32>
        %swap3A_286 = vector.shape_cast %max3A_281 : vector<16xf32> to vector<1x16xf32>
        tpu.vector_store %arg18[%swap3A_282, %swap3A_283], %swap3A_286 {strides = array<i32>} : memref<64x128xf32, #tpu.memory_space<vmem>>, vector<1x16xf32>,
        %get3A_287 = arith.index_cast %add3A_255 : i32 to index
        %get3A_288 = arith.constant 32 : index
        %get3A_289 = tpu.vector_load %arg18[%get3A_287, %get3A_288] {strides = array<i32>} : memref<64x128xf32, #tpu.memory_space<vmem>>, vector<1x16xf32>,
        %get3A_290 = vector.shape_cast %get3A_289 : vector<1x16xf32> to vector<16xf32>
        %get3A_291 = arith.index_cast %add3A_255 : i32 to index
        %get3A_292 = arith.constant 32 : index
        %get3A_293 = tpu.vector_load %arg17[%get3A_291, %get3A_292] {strides = array<i32>} : memref<64x128xf32, #tpu.memory_space<vmem>>, vector<1x16xf32>,
        %get3A_294 = vector.shape_cast %get3A_293 : vector<1x16xf32> to vector<16xf32>
        %add3A_295 = arith.addf %get3A_290, %get3A_294 : vector<16xf32>
        %max3A_296 = arith.constant 0.000000e+00 : f32
        %max3A_297 = vector.broadcast %max3A_296 : f32 to vector<16xf32>
        %max3A_298 = arith.maximumf %add3A_295, %max3A_297 : vector<16xf32>
        %swap3A_299 = arith.index_cast %add3A_255 : i32 to index
        %swap3A_300 = arith.constant 32 : index
        %swap3A_301 = tpu.vector_load %arg18[%swap3A_299, %swap3A_300] {strides = array<i32>} : memref<64x128xf32, #tpu.memory_space<vmem>>, vector<1x16xf32>,
        %swap3A_302 = vector.shape_cast %swap3A_301 : vector<1x16xf32> to vector<16xf32>
        %swap3A_303 = vector.shape_cast %max3A_298 : vector<16xf32> to vector<1x16xf32>
        tpu.vector_store %arg18[%swap3A_299, %swap3A_300], %swap3A_303 {strides = array<i32>} : memref<64x128xf32, #tpu.memory_space<vmem>>, vector<1x16xf32>,
        %get3A_304 = arith.index_cast %add3A_255 : i32 to index
        %get3A_305 = arith.constant 48 : index
        %get3A_306 = tpu.vector_load %arg18[%get3A_304, %get3A_305] {strides = array<i32>} : memref<64x128xf32, #tpu.memory_space<vmem>>, vector<1x16xf32>,
        %get3A_307 = vector.shape_cast %get3A_306 : vector<1x16xf32> to vector<16xf32>
        %get3A_308 = arith.index_cast %add3A_255 : i32 to index
        %get3A_309 = arith.constant 48 : index
        %get3A_310 = tpu.vector_load %arg17[%get3A_308, %get3A_309] {strides = array<i32>} : memref<64x128xf32, #tpu.memory_space<vmem>>, vector<1x16xf32>,
        %get3A_311 = vector.shape_cast %get3A_310 : vector<1x16xf32> to vector<16xf32>
        %add3A_312 = arith.addf %get3A_307, %get3A_311 : vector<16xf32>
        %max3A_313 = arith.constant 0.000000e+00 : f32
        %max3A_314 = vector.broadcast %max3A_313 : f32 to vector<16xf32>
        %max3A_315 = arith.maximumf %add3A_312, %max3A_314 : vector<16xf32>
        %swap3A_316 = arith.index_cast %add3A_255 : i32 to index
        %swap3A_317 = arith.constant 48 : index
        %swap3A_318 = tpu.vector_load %arg18[%swap3A_316, %swap3A_317] {strides = array<i32>} : memref<64x128xf32, #tpu.memory_space<vmem>>, vector<1x16xf32>,
        %swap3A_319 = vector.shape_cast %swap3A_318 : vector<1x16xf32> to vector<16xf32>
        %swap3A_320 = vector.shape_cast %max3A_315 : vector<16xf32> to vector<1x16xf32>
        tpu.vector_store %arg18[%swap3A_316, %swap3A_317], %swap3A_320 {strides = array<i32>} : memref<64x128xf32, #tpu.memory_space<vmem>>, vector<1x16xf32>,
        %get3A_321 = arith.index_cast %add3A_255 : i32 to index
        %get3A_322 = arith.constant 64 : index
        %get3A_323 = tpu.vector_load %arg18[%get3A_321, %get3A_322] {strides = array<i32>} : memref<64x128xf32, #tpu.memory_space<vmem>>, vector<1x16xf32>,
        %get3A_324 = vector.shape_cast %get3A_323 : vector<1x16xf32> to vector<16xf32>
        %get3A_325 = arith.index_cast %add3A_255 : i32 to index
        %get3A_326 = arith.constant 64 : index
        %get3A_327 = tpu.vector_load %arg17[%get3A_325, %get3A_326] {strides = array<i32>} : memref<64x128xf32, #tpu.memory_space<vmem>>, vector<1x16xf32>,
        %get3A_328 = vector.shape_cast %get3A_327 : vector<1x16xf32> to vector<16xf32>
        %add3A_329 = arith.addf %get3A_324, %get3A_328 : vector<16xf32>
        %max3A_330 = arith.constant 0.000000e+00 : f32
        %max3A_331 = vector.broadcast %max3A_330 : f32 to vector<16xf32>
        %max3A_332 = arith.maximumf %add3A_329, %max3A_331 : vector<16xf32>
        %swap3A_333 = arith.index_cast %add3A_255 : i32 to index
        %swap3A_334 = arith.constant 64 : index
        %swap3A_335 = tpu.vector_load %arg18[%swap3A_333, %swap3A_334] {strides = array<i32>} : memref<64x128xf32, #tpu.memory_space<vmem>>, vector<1x16xf32>,
        %swap3A_336 = vector.shape_cast %swap3A_335 : vector<1x16xf32> to vector<16xf32>
        %swap3A_337 = vector.shape_cast %max3A_332 : vector<16xf32> to vector<1x16xf32>
        tpu.vector_store %arg18[%swap3A_333, %swap3A_334], %swap3A_337 {strides = array<i32>} : memref<64x128xf32, #tpu.memory_space<vmem>>, vector<1x16xf32>,
        %get3A_338 = arith.index_cast %add3A_255 : i32 to index
        %get3A_339 = arith.constant 80 : index
        %get3A_340 = tpu.vector_load %arg18[%get3A_338, %get3A_339] {strides = array<i32>} : memref<64x128xf32, #tpu.memory_space<vmem>>, vector<1x16xf32>,
        %get3A_341 = vector.shape_cast %get3A_340 : vector<1x16xf32> to vector<16xf32>
        %get3A_342 = arith.index_cast %add3A_255 : i32 to index
        %get3A_343 = arith.constant 80 : index
        %get3A_344 = tpu.vector_load %arg17[%get3A_342, %get3A_343] {strides = array<i32>} : memref<64x128xf32, #tpu.memory_space<vmem>>, vector<1x16xf32>,
        %get3A_345 = vector.shape_cast %get3A_344 : vector<1x16xf32> to vector<16xf32>
        %add3A_346 = arith.addf %get3A_341, %get3A_345 : vector<16xf32>
        %max3A_347 = arith.constant 0.000000e+00 : f32
        %max3A_348 = vector.broadcast %max3A_347 : f32 to vector<16xf32>
        %max3A_349 = arith.maximumf %add3A_346, %max3A_348 : vector<16xf32>
        %swap3A_350 = arith.index_cast %add3A_255 : i32 to index
        %swap3A_351 = arith.constant 80 : index
        %swap3A_352 = tpu.vector_load %arg18[%swap3A_350, %swap3A_351] {strides = array<i32>} : memref<64x128xf32, #tpu.memory_space<vmem>>, vector<1x16xf32>,
        %swap3A_353 = vector.shape_cast %swap3A_352 : vector<1x16xf32> to vector<16xf32>
        %swap3A_354 = vector.shape_cast %max3A_349 : vector<16xf32> to vector<1x16xf32>
        tpu.vector_store %arg18[%swap3A_350, %swap3A_351], %swap3A_354 {strides = array<i32>} : memref<64x128xf32, #tpu.memory_space<vmem>>, vector<1x16xf32>,
        %get3A_355 = arith.index_cast %add3A_255 : i32 to index
        %get3A_356 = arith.constant 96 : index
        %get3A_357 = tpu.vector_load %arg18[%get3A_355, %get3A_356] {strides = array<i32>} : memref<64x128xf32, #tpu.memory_space<vmem>>, vector<1x16xf32>,
        %get3A_358 = vector.shape_cast %get3A_357 : vector<1x16xf32> to vector<16xf32>
        %get3A_359 = arith.index_cast %add3A_255 : i32 to index
        %get3A_360 = arith.constant 96 : index
        %get3A_361 = tpu.vector_load %arg17[%get3A_359, %get3A_360] {strides = array<i32>} : memref<64x128xf32, #tpu.memory_space<vmem>>, vector<1x16xf32>,
        %get3A_362 = vector.shape_cast %get3A_361 : vector<1x16xf32> to vector<16xf32>
        %add3A_363 = arith.addf %get3A_358, %get3A_362 : vector<16xf32>
        %max3A_364 = arith.constant 0.000000e+00 : f32
        %max3A_365 = vector.broadcast %max3A_364 : f32 to vector<16xf32>
        %max3A_366 = arith.maximumf %add3A_363, %max3A_365 : vector<16xf32>
        %swap3A_367 = arith.index_cast %add3A_255 : i32 to index
        %swap3A_368 = arith.constant 96 : index
        %swap3A_369 = tpu.vector_load %arg18[%swap3A_367, %swap3A_368] {strides = array<i32>} : memref<64x128xf32, #tpu.memory_space<vmem>>, vector<1x16xf32>,
        %swap3A_370 = vector.shape_cast %swap3A_369 : vector<1x16xf32> to vector<16xf32>
        %swap3A_371 = vector.shape_cast %max3A_366 : vector<16xf32> to vector<1x16xf32>
        tpu.vector_store %arg18[%swap3A_367, %swap3A_368], %swap3A_371 {strides = array<i32>} : memref<64x128xf32, #tpu.memory_space<vmem>>, vector<1x16xf32>,
        %get3A_372 = arith.index_cast %add3A_255 : i32 to index
        %get3A_373 = arith.constant 112 : index
        %get3A_374 = tpu.vector_load %arg18[%get3A_372, %get3A_373] {strides = array<i32>} : memref<64x128xf32, #tpu.memory_space<vmem>>, vector<1x16xf32>,
        %get3A_375 = vector.shape_cast %get3A_374 : vector<1x16xf32> to vector<16xf32>
        %get3A_376 = arith.index_cast %add3A_255 : i32 to index
        %get3A_377 = arith.constant 112 : index
        %get3A_378 = tpu.vector_load %arg17[%get3A_376, %get3A_377] {strides = array<i32>} : memref<64x128xf32, #tpu.memory_space<vmem>>, vector<1x16xf32>,
        %get3A_379 = vector.shape_cast %get3A_378 : vector<1x16xf32> to vector<16xf32>
        %add3A_380 = arith.addf %get3A_375, %get3A_379 : vector<16xf32>
        %max3A_381 = arith.constant 0.000000e+00 : f32
        %max3A_382 = vector.broadcast %max3A_381 : f32 to vector<16xf32>
        %max3A_383 = arith.maximumf %add3A_380, %max3A_382 : vector<16xf32>
        %swap3A_384 = arith.index_cast %add3A_255 : i32 to index
        %swap3A_385 = arith.constant 112 : index
        %swap3A_386 = tpu.vector_load %arg18[%swap3A_384, %swap3A_385] {strides = array<i32>} : memref<64x128xf32, #tpu.memory_space<vmem>>, vector<1x16xf32>,
        %swap3A_387 = vector.shape_cast %swap3A_386 : vector<1x16xf32> to vector<16xf32>
        %swap3A_388 = vector.shape_cast %max3A_383 : vector<16xf32> to vector<1x16xf32>
        tpu.vector_store %arg18[%swap3A_384, %swap3A_385], %swap3A_388 {strides = array<i32>} : memref<64x128xf32, #tpu.memory_space<vmem>>, vector<1x16xf32>,
      }
      %scan3A_215 = arith.constant 64 : i32
      %dma_start3A_216 = arith.constant 0 : i32
      %dma_start3A_217 = arith.constant 0 : i32
      %dma_start3A_218 = tpu.memref_slice %arg20[%dma_start3A_216, %dma_start3A_217] : memref<10000x128xf32, #tpu.memory_space<vmem_shared>> -> memref<10000x128xf32, #tpu.memory_space<vmem_shared>>
      tpu.enqueue_indirect_dma source(%arg18 : memref<64x128xf32, #tpu.memory_space<vmem>>) target(%dma_start3A_218 : memref<10000x128xf32, #tpu.memory_space<vmem_shared>>) offsets(%arg12 : memref<64xi32, #tpu.memory_space<vmem>>) semaphore(%arg32 : memref<!tpu.dma_semaphore, #tpu.memory_space<semaphore_mem>>) {add = true}
      %dma_start3A_219 = arith.constant 0 : i32
      %dma_start3A_220 = tpu.memref_slice %arg3[%add3A_127, %dma_start3A_219] : memref<320000x128xf32, #tpu.memory_space<hbm>> -> memref<64x128xf32, #tpu.memory_space<hbm>>
      %dma_start3A_221 = arith.constant 0 : i32
      %dma_start3A_222 = tpu.memref_slice %arg3[%add3A_127, %dma_start3A_221] : memref<320000x128xf32, #tpu.memory_space<hbm>> -> memref<64x128xf32, #tpu.memory_space<hbm>>
      tpu.enqueue_dma source(%dma_start3A_222 : memref<64x128xf32, #tpu.memory_space<hbm>>) target(%arg17 : memref<64x128xf32, #tpu.memory_space<vmem>>) target_semaphore(%arg31 : memref<!tpu.dma_semaphore, #tpu.memory_space<semaphore_mem>>)
      %dma_wait3A_223 = arith.constant 0 : i32
      %dma_wait3A_224 = arith.constant 0 : i32
      %dma_wait3A_225 = tpu.memref_slice %arg20[%dma_wait3A_223, %dma_wait3A_224] : memref<10000x128xf32, #tpu.memory_space<vmem_shared>> -> memref<10000x128xf32, #tpu.memory_space<vmem_shared>>
      tpu.wait_indirect_dma semaphore(%arg32 : memref<!tpu.dma_semaphore, #tpu.memory_space<semaphore_mem>>) src(%arg18 : memref<64x128xf32, #tpu.memory_space<vmem>>) dst(%dma_wait3A_225 : memref<10000x128xf32, #tpu.memory_space<vmem_shared>>)
      %lt3A_226 = arith.constant 38 : i32
      %lt3A_227 = arith.cmpi slt, %add3A_118, %lt3A_226 : i32
      %convert_element_type3A_228 = arith.extui %lt3A_227 : i1 to i32
      %cond3A_229 = arith.constant 0 : i32
      %cond3A_230 = arith.cmpi ne, %convert_element_type3A_228, %cond3A_229 : i32
      scf.if %cond3A_230 {
        %add3A_251 = arith.constant 256 : i32
        %add3A_252 = arith.addi %add3A_125, %add3A_251 : i32
        %dma_start3A_253 = tpu.memref_slice %arg4[%add3A_252] : memref<320000xi32, #tpu.memory_space<hbm>> -> memref<64xi32, #tpu.memory_space<hbm>>
        %dma_start3A_254 = tpu.memref_slice %arg4[%add3A_252] : memref<320000xi32, #tpu.memory_space<hbm>> -> memref<64xi32, #tpu.memory_space<hbm>>
        tpu.enqueue_dma source(%dma_start3A_254 : memref<64xi32, #tpu.memory_space<hbm>>) target(%arg11 : memref<64xi32, #tpu.memory_space<vmem>>) target_semaphore(%arg25 : memref<!tpu.dma_semaphore, #tpu.memory_space<semaphore_mem>>)
        %dma_start3A_255 = tpu.memref_slice %arg5[%add3A_252] : memref<320000xi32, #tpu.memory_space<hbm>> -> memref<64xi32, #tpu.memory_space<hbm>>
        %dma_start3A_256 = tpu.memref_slice %arg5[%add3A_252] : memref<320000xi32, #tpu.memory_space<hbm>> -> memref<64xi32, #tpu.memory_space<hbm>>
        tpu.enqueue_dma source(%dma_start3A_256 : memref<64xi32, #tpu.memory_space<hbm>>) target(%arg12 : memref<64xi32, #tpu.memory_space<vmem>>) target_semaphore(%arg26 : memref<!tpu.dma_semaphore, #tpu.memory_space<semaphore_mem>>)
        %add3A_257 = arith.constant 256 : i32
        %add3A_258 = arith.addi %add3A_121, %add3A_257 : i32
        %dma_wait3A_259 = tpu.memref_slice %arg4[%add3A_258] : memref<320000xi32, #tpu.memory_space<hbm>> -> memref<64xi32, #tpu.memory_space<hbm>>
        %dma_wait3A_260 = tpu.memref_slice %arg4[%add3A_258] : memref<320000xi32, #tpu.memory_space<hbm>> -> memref<64xi32, #tpu.memory_space<hbm>>
        tpu.wait_dma2 semaphore(%arg21 : memref<!tpu.dma_semaphore, #tpu.memory_space<semaphore_mem>>) src(%dma_wait3A_260 : memref<64xi32, #tpu.memory_space<hbm>>) dst(%arg7 : memref<64xi32, #tpu.memory_space<vmem>>)
        %dma_wait3A_261 = tpu.memref_slice %arg5[%add3A_258] : memref<320000xi32, #tpu.memory_space<hbm>> -> memref<64xi32, #tpu.memory_space<hbm>>
        %dma_wait3A_262 = tpu.memref_slice %arg5[%add3A_258] : memref<320000xi32, #tpu.memory_space<hbm>> -> memref<64xi32, #tpu.memory_space<hbm>>
        tpu.wait_dma2 semaphore(%arg22 : memref<!tpu.dma_semaphore, #tpu.memory_space<semaphore_mem>>) src(%dma_wait3A_262 : memref<64xi32, #tpu.memory_space<hbm>>) dst(%arg8 : memref<64xi32, #tpu.memory_space<vmem>>)
        %dma_start3A_263 = arith.constant 0 : i32
        %dma_start3A_264 = arith.constant 0 : i32
        %dma_start3A_265 = tpu.memref_slice %arg2[%dma_start3A_263, %dma_start3A_264] : memref<10000x128xf32, #tpu.memory_space<hbm>> -> memref<10000x128xf32, #tpu.memory_space<hbm>>
        tpu.enqueue_indirect_dma source(%dma_start3A_265 : memref<10000x128xf32, #tpu.memory_space<hbm>>) target(%arg18 : memref<64x128xf32, #tpu.memory_space<vmem>>) offsets(%arg7 : memref<64xi32, #tpu.memory_space<vmem>>) semaphore(%arg29 : memref<!tpu.dma_semaphore, #tpu.memory_space<semaphore_mem>>)
      } else {
      }
      %dma_wait3A_231 = arith.constant 0 : i32
      %dma_wait3A_232 = tpu.memref_slice %arg3[%add3A_127, %dma_wait3A_231] : memref<320000x128xf32, #tpu.memory_space<hbm>> -> memref<64x128xf32, #tpu.memory_space<hbm>>
      %dma_wait3A_233 = arith.constant 0 : i32
      %dma_wait3A_234 = tpu.memref_slice %arg3[%add3A_127, %dma_wait3A_233] : memref<320000x128xf32, #tpu.memory_space<hbm>> -> memref<64x128xf32, #tpu.memory_space<hbm>>
      tpu.wait_dma2 semaphore(%arg31 : memref<!tpu.dma_semaphore, #tpu.memory_space<semaphore_mem>>) src(%dma_wait3A_234 : memref<64x128xf32, #tpu.memory_space<hbm>>) dst(%arg17 : memref<64x128xf32, #tpu.memory_space<vmem>>)
      %dma_wait3A_235 = arith.constant 0 : i32
      %dma_wait3A_236 = arith.constant 0 : i32
      %dma_wait3A_237 = tpu.memref_slice %arg2[%dma_wait3A_235, %dma_wait3A_236] : memref<10000x128xf32, #tpu.memory_space<hbm>> -> memref<10000x128xf32, #tpu.memory_space<hbm>>
      tpu.wait_indirect_dma semaphore(%arg30 : memref<!tpu.dma_semaphore, #tpu.memory_space<semaphore_mem>>) src(%dma_wait3A_237 : memref<10000x128xf32, #tpu.memory_space<hbm>>) dst(%arg19 : memref<64x128xf32, #tpu.memory_space<vmem>>)
      %scan3A_238 = arith.constant 0 : i32
      %scan3A_239 = arith.constant 64 : i32
      %scan3A_240 = arith.addi %scan3A_238, %scan3A_239 : i32
      %scan3A_241 = arith.constant 1 : i32
      scf.for %scan3A_251 = %scan3A_238 to %scan3A_240 step %scan3A_241  : i32 {
        %mul3A_252 = arith.constant 1 : i32
        %mul3A_253 = arith.muli %scan3A_251, %mul3A_252 : i32
        %add3A_254 = arith.constant 0 : i32
        %add3A_255 = arith.addi %add3A_254, %mul3A_253 : i32
        %get3A = arith.index_cast %add3A_255 : i32 to index
        %get3A_256 = arith.constant 0 : index
        %get3A_257 = tpu.vector_load %arg19[%get3A, %get3A_256] {strides = array<i32>} : memref<64x128xf32, #tpu.memory_space<vmem>>, vector<1x16xf32>,
        %get3A_258 = vector.shape_cast %get3A_257 : vector<1x16xf32> to vector<16xf32>
        %get3A_259 = arith.index_cast %add3A_255 : i32 to index
        %get3A_260 = arith.constant 0 : index
        %get3A_261 = tpu.vector_load %arg17[%get3A_259, %get3A_260] {strides = array<i32>} : memref<64x128xf32, #tpu.memory_space<vmem>>, vector<1x16xf32>,
        %get3A_262 = vector.shape_cast %get3A_261 : vector<1x16xf32> to vector<16xf32>
        %add3A_263 = arith.addf %get3A_258, %get3A_262 : vector<16xf32>
        %max3A = arith.constant 0.000000e+00 : f32
        %max3A_264 = vector.broadcast %max3A : f32 to vector<16xf32>
        %max3A_265 = arith.maximumf %add3A_263, %max3A_264 : vector<16xf32>
        %swap3A = arith.index_cast %add3A_255 : i32 to index
        %swap3A_266 = arith.constant 0 : index
        %swap3A_267 = tpu.vector_load %arg19[%swap3A, %swap3A_266] {strides = array<i32>} : memref<64x128xf32, #tpu.memory_space<vmem>>, vector<1x16xf32>,
        %swap3A_268 = vector.shape_cast %swap3A_267 : vector<1x16xf32> to vector<16xf32>
        %swap3A_269 = vector.shape_cast %max3A_265 : vector<16xf32> to vector<1x16xf32>
        tpu.vector_store %arg19[%swap3A, %swap3A_266], %swap3A_269 {strides = array<i32>} : memref<64x128xf32, #tpu.memory_space<vmem>>, vector<1x16xf32>,
        %get3A_270 = arith.index_cast %add3A_255 : i32 to index
        %get3A_271 = arith.constant 16 : index
        %get3A_272 = tpu.vector_load %arg19[%get3A_270, %get3A_271] {strides = array<i32>} : memref<64x128xf32, #tpu.memory_space<vmem>>, vector<1x16xf32>,
        %get3A_273 = vector.shape_cast %get3A_272 : vector<1x16xf32> to vector<16xf32>
        %get3A_274 = arith.index_cast %add3A_255 : i32 to index
        %get3A_275 = arith.constant 16 : index
        %get3A_276 = tpu.vector_load %arg17[%get3A_274, %get3A_275] {strides = array<i32>} : memref<64x128xf32, #tpu.memory_space<vmem>>, vector<1x16xf32>,
        %get3A_277 = vector.shape_cast %get3A_276 : vector<1x16xf32> to vector<16xf32>
        %add3A_278 = arith.addf %get3A_273, %get3A_277 : vector<16xf32>
        %max3A_279 = arith.constant 0.000000e+00 : f32
        %max3A_280 = vector.broadcast %max3A_279 : f32 to vector<16xf32>
        %max3A_281 = arith.maximumf %add3A_278, %max3A_280 : vector<16xf32>
        %swap3A_282 = arith.index_cast %add3A_255 : i32 to index
        %swap3A_283 = arith.constant 16 : index
        %swap3A_284 = tpu.vector_load %arg19[%swap3A_282, %swap3A_283] {strides = array<i32>} : memref<64x128xf32, #tpu.memory_space<vmem>>, vector<1x16xf32>,
        %swap3A_285 = vector.shape_cast %swap3A_284 : vector<1x16xf32> to vector<16xf32>
        %swap3A_286 = vector.shape_cast %max3A_281 : vector<16xf32> to vector<1x16xf32>
        tpu.vector_store %arg19[%swap3A_282, %swap3A_283], %swap3A_286 {strides = array<i32>} : memref<64x128xf32, #tpu.memory_space<vmem>>, vector<1x16xf32>,
        %get3A_287 = arith.index_cast %add3A_255 : i32 to index
        %get3A_288 = arith.constant 32 : index
        %get3A_289 = tpu.vector_load %arg19[%get3A_287, %get3A_288] {strides = array<i32>} : memref<64x128xf32, #tpu.memory_space<vmem>>, vector<1x16xf32>,
        %get3A_290 = vector.shape_cast %get3A_289 : vector<1x16xf32> to vector<16xf32>
        %get3A_291 = arith.index_cast %add3A_255 : i32 to index
        %get3A_292 = arith.constant 32 : index
        %get3A_293 = tpu.vector_load %arg17[%get3A_291, %get3A_292] {strides = array<i32>} : memref<64x128xf32, #tpu.memory_space<vmem>>, vector<1x16xf32>,
        %get3A_294 = vector.shape_cast %get3A_293 : vector<1x16xf32> to vector<16xf32>
        %add3A_295 = arith.addf %get3A_290, %get3A_294 : vector<16xf32>
        %max3A_296 = arith.constant 0.000000e+00 : f32
        %max3A_297 = vector.broadcast %max3A_296 : f32 to vector<16xf32>
        %max3A_298 = arith.maximumf %add3A_295, %max3A_297 : vector<16xf32>
        %swap3A_299 = arith.index_cast %add3A_255 : i32 to index
        %swap3A_300 = arith.constant 32 : index
        %swap3A_301 = tpu.vector_load %arg19[%swap3A_299, %swap3A_300] {strides = array<i32>} : memref<64x128xf32, #tpu.memory_space<vmem>>, vector<1x16xf32>,
        %swap3A_302 = vector.shape_cast %swap3A_301 : vector<1x16xf32> to vector<16xf32>
        %swap3A_303 = vector.shape_cast %max3A_298 : vector<16xf32> to vector<1x16xf32>
        tpu.vector_store %arg19[%swap3A_299, %swap3A_300], %swap3A_303 {strides = array<i32>} : memref<64x128xf32, #tpu.memory_space<vmem>>, vector<1x16xf32>,
        %get3A_304 = arith.index_cast %add3A_255 : i32 to index
        %get3A_305 = arith.constant 48 : index
        %get3A_306 = tpu.vector_load %arg19[%get3A_304, %get3A_305] {strides = array<i32>} : memref<64x128xf32, #tpu.memory_space<vmem>>, vector<1x16xf32>,
        %get3A_307 = vector.shape_cast %get3A_306 : vector<1x16xf32> to vector<16xf32>
        %get3A_308 = arith.index_cast %add3A_255 : i32 to index
        %get3A_309 = arith.constant 48 : index
        %get3A_310 = tpu.vector_load %arg17[%get3A_308, %get3A_309] {strides = array<i32>} : memref<64x128xf32, #tpu.memory_space<vmem>>, vector<1x16xf32>,
        %get3A_311 = vector.shape_cast %get3A_310 : vector<1x16xf32> to vector<16xf32>
        %add3A_312 = arith.addf %get3A_307, %get3A_311 : vector<16xf32>
        %max3A_313 = arith.constant 0.000000e+00 : f32
        %max3A_314 = vector.broadcast %max3A_313 : f32 to vector<16xf32>
        %max3A_315 = arith.maximumf %add3A_312, %max3A_314 : vector<16xf32>
        %swap3A_316 = arith.index_cast %add3A_255 : i32 to index
        %swap3A_317 = arith.constant 48 : index
        %swap3A_318 = tpu.vector_load %arg19[%swap3A_316, %swap3A_317] {strides = array<i32>} : memref<64x128xf32, #tpu.memory_space<vmem>>, vector<1x16xf32>,
        %swap3A_319 = vector.shape_cast %swap3A_318 : vector<1x16xf32> to vector<16xf32>
        %swap3A_320 = vector.shape_cast %max3A_315 : vector<16xf32> to vector<1x16xf32>
        tpu.vector_store %arg19[%swap3A_316, %swap3A_317], %swap3A_320 {strides = array<i32>} : memref<64x128xf32, #tpu.memory_space<vmem>>, vector<1x16xf32>,
        %get3A_321 = arith.index_cast %add3A_255 : i32 to index
        %get3A_322 = arith.constant 64 : index
        %get3A_323 = tpu.vector_load %arg19[%get3A_321, %get3A_322] {strides = array<i32>} : memref<64x128xf32, #tpu.memory_space<vmem>>, vector<1x16xf32>,
        %get3A_324 = vector.shape_cast %get3A_323 : vector<1x16xf32> to vector<16xf32>
        %get3A_325 = arith.index_cast %add3A_255 : i32 to index
        %get3A_326 = arith.constant 64 : index
        %get3A_327 = tpu.vector_load %arg17[%get3A_325, %get3A_326] {strides = array<i32>} : memref<64x128xf32, #tpu.memory_space<vmem>>, vector<1x16xf32>,
        %get3A_328 = vector.shape_cast %get3A_327 : vector<1x16xf32> to vector<16xf32>
        %add3A_329 = arith.addf %get3A_324, %get3A_328 : vector<16xf32>
        %max3A_330 = arith.constant 0.000000e+00 : f32
        %max3A_331 = vector.broadcast %max3A_330 : f32 to vector<16xf32>
        %max3A_332 = arith.maximumf %add3A_329, %max3A_331 : vector<16xf32>
        %swap3A_333 = arith.index_cast %add3A_255 : i32 to index
        %swap3A_334 = arith.constant 64 : index
        %swap3A_335 = tpu.vector_load %arg19[%swap3A_333, %swap3A_334] {strides = array<i32>} : memref<64x128xf32, #tpu.memory_space<vmem>>, vector<1x16xf32>,
        %swap3A_336 = vector.shape_cast %swap3A_335 : vector<1x16xf32> to vector<16xf32>
        %swap3A_337 = vector.shape_cast %max3A_332 : vector<16xf32> to vector<1x16xf32>
        tpu.vector_store %arg19[%swap3A_333, %swap3A_334], %swap3A_337 {strides = array<i32>} : memref<64x128xf32, #tpu.memory_space<vmem>>, vector<1x16xf32>,
        %get3A_338 = arith.index_cast %add3A_255 : i32 to index
        %get3A_339 = arith.constant 80 : index
        %get3A_340 = tpu.vector_load %arg19[%get3A_338, %get3A_339] {strides = array<i32>} : memref<64x128xf32, #tpu.memory_space<vmem>>, vector<1x16xf32>,
        %get3A_341 = vector.shape_cast %get3A_340 : vector<1x16xf32> to vector<16xf32>
        %get3A_342 = arith.index_cast %add3A_255 : i32 to index
        %get3A_343 = arith.constant 80 : index
        %get3A_344 = tpu.vector_load %arg17[%get3A_342, %get3A_343] {strides = array<i32>} : memref<64x128xf32, #tpu.memory_space<vmem>>, vector<1x16xf32>,
        %get3A_345 = vector.shape_cast %get3A_344 : vector<1x16xf32> to vector<16xf32>
        %add3A_346 = arith.addf %get3A_341, %get3A_345 : vector<16xf32>
        %max3A_347 = arith.constant 0.000000e+00 : f32
        %max3A_348 = vector.broadcast %max3A_347 : f32 to vector<16xf32>
        %max3A_349 = arith.maximumf %add3A_346, %max3A_348 : vector<16xf32>
        %swap3A_350 = arith.index_cast %add3A_255 : i32 to index
        %swap3A_351 = arith.constant 80 : index
        %swap3A_352 = tpu.vector_load %arg19[%swap3A_350, %swap3A_351] {strides = array<i32>} : memref<64x128xf32, #tpu.memory_space<vmem>>, vector<1x16xf32>,
        %swap3A_353 = vector.shape_cast %swap3A_352 : vector<1x16xf32> to vector<16xf32>
        %swap3A_354 = vector.shape_cast %max3A_349 : vector<16xf32> to vector<1x16xf32>
        tpu.vector_store %arg19[%swap3A_350, %swap3A_351], %swap3A_354 {strides = array<i32>} : memref<64x128xf32, #tpu.memory_space<vmem>>, vector<1x16xf32>,
        %get3A_355 = arith.index_cast %add3A_255 : i32 to index
        %get3A_356 = arith.constant 96 : index
        %get3A_357 = tpu.vector_load %arg19[%get3A_355, %get3A_356] {strides = array<i32>} : memref<64x128xf32, #tpu.memory_space<vmem>>, vector<1x16xf32>,
        %get3A_358 = vector.shape_cast %get3A_357 : vector<1x16xf32> to vector<16xf32>
        %get3A_359 = arith.index_cast %add3A_255 : i32 to index
        %get3A_360 = arith.constant 96 : index
        %get3A_361 = tpu.vector_load %arg17[%get3A_359, %get3A_360] {strides = array<i32>} : memref<64x128xf32, #tpu.memory_space<vmem>>, vector<1x16xf32>,
        %get3A_362 = vector.shape_cast %get3A_361 : vector<1x16xf32> to vector<16xf32>
        %add3A_363 = arith.addf %get3A_358, %get3A_362 : vector<16xf32>
        %max3A_364 = arith.constant 0.000000e+00 : f32
        %max3A_365 = vector.broadcast %max3A_364 : f32 to vector<16xf32>
        %max3A_366 = arith.maximumf %add3A_363, %max3A_365 : vector<16xf32>
        %swap3A_367 = arith.index_cast %add3A_255 : i32 to index
        %swap3A_368 = arith.constant 96 : index
        %swap3A_369 = tpu.vector_load %arg19[%swap3A_367, %swap3A_368] {strides = array<i32>} : memref<64x128xf32, #tpu.memory_space<vmem>>, vector<1x16xf32>,
        %swap3A_370 = vector.shape_cast %swap3A_369 : vector<1x16xf32> to vector<16xf32>
        %swap3A_371 = vector.shape_cast %max3A_366 : vector<16xf32> to vector<1x16xf32>
        tpu.vector_store %arg19[%swap3A_367, %swap3A_368], %swap3A_371 {strides = array<i32>} : memref<64x128xf32, #tpu.memory_space<vmem>>, vector<1x16xf32>,
        %get3A_372 = arith.index_cast %add3A_255 : i32 to index
        %get3A_373 = arith.constant 112 : index
        %get3A_374 = tpu.vector_load %arg19[%get3A_372, %get3A_373] {strides = array<i32>} : memref<64x128xf32, #tpu.memory_space<vmem>>, vector<1x16xf32>,
        %get3A_375 = vector.shape_cast %get3A_374 : vector<1x16xf32> to vector<16xf32>
        %get3A_376 = arith.index_cast %add3A_255 : i32 to index
        %get3A_377 = arith.constant 112 : index
        %get3A_378 = tpu.vector_load %arg17[%get3A_376, %get3A_377] {strides = array<i32>} : memref<64x128xf32, #tpu.memory_space<vmem>>, vector<1x16xf32>,
        %get3A_379 = vector.shape_cast %get3A_378 : vector<1x16xf32> to vector<16xf32>
        %add3A_380 = arith.addf %get3A_375, %get3A_379 : vector<16xf32>
        %max3A_381 = arith.constant 0.000000e+00 : f32
        %max3A_382 = vector.broadcast %max3A_381 : f32 to vector<16xf32>
        %max3A_383 = arith.maximumf %add3A_380, %max3A_382 : vector<16xf32>
        %swap3A_384 = arith.index_cast %add3A_255 : i32 to index
        %swap3A_385 = arith.constant 112 : index
        %swap3A_386 = tpu.vector_load %arg19[%swap3A_384, %swap3A_385] {strides = array<i32>} : memref<64x128xf32, #tpu.memory_space<vmem>>, vector<1x16xf32>,
        %swap3A_387 = vector.shape_cast %swap3A_386 : vector<1x16xf32> to vector<16xf32>
        %swap3A_388 = vector.shape_cast %max3A_383 : vector<16xf32> to vector<1x16xf32>
        tpu.vector_store %arg19[%swap3A_384, %swap3A_385], %swap3A_388 {strides = array<i32>} : memref<64x128xf32, #tpu.memory_space<vmem>>, vector<1x16xf32>,
      }
      %scan3A_242 = arith.constant 64 : i32
      %dma_start3A_243 = arith.constant 0 : i32
      %dma_start3A_244 = arith.constant 0 : i32
      %dma_start3A_245 = tpu.memref_slice %arg20[%dma_start3A_243, %dma_start3A_244] : memref<10000x128xf32, #tpu.memory_space<vmem_shared>> -> memref<10000x128xf32, #tpu.memory_space<vmem_shared>>
      tpu.enqueue_indirect_dma source(%arg19 : memref<64x128xf32, #tpu.memory_space<vmem>>) target(%dma_start3A_245 : memref<10000x128xf32, #tpu.memory_space<vmem_shared>>) offsets(%arg14 : memref<64xi32, #tpu.memory_space<vmem>>) semaphore(%arg33 : memref<!tpu.dma_semaphore, #tpu.memory_space<semaphore_mem>>) {add = true}
      %lt3A_246 = arith.constant 38 : i32
      %lt3A_247 = arith.cmpi slt, %add3A_118, %lt3A_246 : i32
      %convert_element_type3A_248 = arith.extui %lt3A_247 : i1 to i32
      %cond3A_249 = arith.constant 0 : i32
      %cond3A_250 = arith.cmpi ne, %convert_element_type3A_248, %cond3A_249 : i32
      scf.if %cond3A_250 {
        %add3A_251 = arith.constant 256 : i32
        %add3A_252 = arith.addi %add3A_121, %add3A_251 : i32
        %dma_start3A_253 = arith.constant 0 : i32
        %dma_start3A_254 = tpu.memref_slice %arg3[%add3A_252, %dma_start3A_253] : memref<320000x128xf32, #tpu.memory_space<hbm>> -> memref<64x128xf32, #tpu.memory_space<hbm>>
        %dma_start3A_255 = arith.constant 0 : i32
        %dma_start3A_256 = tpu.memref_slice %arg3[%add3A_252, %dma_start3A_255] : memref<320000x128xf32, #tpu.memory_space<hbm>> -> memref<64x128xf32, #tpu.memory_space<hbm>>
        tpu.enqueue_dma source(%dma_start3A_256 : memref<64x128xf32, #tpu.memory_space<hbm>>) target(%arg17 : memref<64x128xf32, #tpu.memory_space<vmem>>) target_semaphore(%arg31 : memref<!tpu.dma_semaphore, #tpu.memory_space<semaphore_mem>>)
      } else {
      }
    }
    %scan3A_60 = arith.constant 39 : i32
    %add3A_61 = arith.constant 9984 : i32
    %add3A_62 = arith.addi %mul3A_22, %add3A_61 : i32
    "tpu.region"() ({
      %run_scoped3A = tpu.sem_alloc : memref<!tpu.dma_semaphore, #tpu.memory_space<semaphore_mem>>
      %dma_start3A_114 = tpu.memref_slice %arg4[%add3A_62] : memref<320000xi32, #tpu.memory_space<hbm>> -> memref<16xi32, #tpu.memory_space<hbm>>
      %dma_start3A_115 = tpu.memref_slice %arg4[%add3A_62] : memref<320000xi32, #tpu.memory_space<hbm>> -> memref<16xi32, #tpu.memory_space<hbm>>
      tpu.enqueue_dma source(%dma_start3A_115 : memref<16xi32, #tpu.memory_space<hbm>>) target(%arg15 : memref<16xi32, #tpu.memory_space<vmem>>) target_semaphore(%run_scoped3A : memref<!tpu.dma_semaphore, #tpu.memory_space<semaphore_mem>>)
      %dma_wait3A_116 = tpu.memref_slice %arg4[%add3A_62] : memref<320000xi32, #tpu.memory_space<hbm>> -> memref<16xi32, #tpu.memory_space<hbm>>
      %dma_wait3A_117 = tpu.memref_slice %arg4[%add3A_62] : memref<320000xi32, #tpu.memory_space<hbm>> -> memref<16xi32, #tpu.memory_space<hbm>>
      tpu.wait_dma2 semaphore(%run_scoped3A : memref<!tpu.dma_semaphore, #tpu.memory_space<semaphore_mem>>) src(%dma_wait3A_117 : memref<16xi32, #tpu.memory_space<hbm>>) dst(%arg15 : memref<16xi32, #tpu.memory_space<vmem>>)
      tpu.yield
    }) : () -> ()
    "tpu.region"() ({
      %run_scoped3A = tpu.sem_alloc : memref<!tpu.dma_semaphore, #tpu.memory_space<semaphore_mem>>
      %dma_start3A_114 = tpu.memref_slice %arg5[%add3A_62] : memref<320000xi32, #tpu.memory_space<hbm>> -> memref<16xi32, #tpu.memory_space<hbm>>
      %dma_start3A_115 = tpu.memref_slice %arg5[%add3A_62] : memref<320000xi32, #tpu.memory_space<hbm>> -> memref<16xi32, #tpu.memory_space<hbm>>
      tpu.enqueue_dma source(%dma_start3A_115 : memref<16xi32, #tpu.memory_space<hbm>>) target(%arg16 : memref<16xi32, #tpu.memory_space<vmem>>) target_semaphore(%run_scoped3A : memref<!tpu.dma_semaphore, #tpu.memory_space<semaphore_mem>>)
      %dma_wait3A_116 = tpu.memref_slice %arg5[%add3A_62] : memref<320000xi32, #tpu.memory_space<hbm>> -> memref<16xi32, #tpu.memory_space<hbm>>
      %dma_wait3A_117 = tpu.memref_slice %arg5[%add3A_62] : memref<320000xi32, #tpu.memory_space<hbm>> -> memref<16xi32, #tpu.memory_space<hbm>>
      tpu.wait_dma2 semaphore(%run_scoped3A : memref<!tpu.dma_semaphore, #tpu.memory_space<semaphore_mem>>) src(%dma_wait3A_117 : memref<16xi32, #tpu.memory_space<hbm>>) dst(%arg16 : memref<16xi32, #tpu.memory_space<vmem>>)
      tpu.yield
    }) : () -> ()
    "tpu.region"() ({
      %run_scoped3A = tpu.sem_alloc : memref<!tpu.dma_semaphore, #tpu.memory_space<semaphore_mem>>
      %dma_start3A_114 = arith.constant 0 : i32
      %dma_start3A_115 = arith.constant 0 : i32
      %dma_start3A_116 = tpu.memref_slice %arg17[%dma_start3A_114, %dma_start3A_115] : memref<64x128xf32, #tpu.memory_space<vmem>> -> memref<16x128xf32, #tpu.memory_space<vmem>>
      %dma_start3A_117 = arith.constant 0 : i32
      %dma_start3A_118 = tpu.memref_slice %arg3[%add3A_62, %dma_start3A_117] : memref<320000x128xf32, #tpu.memory_space<hbm>> -> memref<16x128xf32, #tpu.memory_space<hbm>>
      %dma_start3A_119 = arith.constant 0 : i32
      %dma_start3A_120 = arith.constant 0 : i32
      %dma_start3A_121 = tpu.memref_slice %arg17[%dma_start3A_119, %dma_start3A_120] : memref<64x128xf32, #tpu.memory_space<vmem>> -> memref<16x128xf32, #tpu.memory_space<vmem>>
      %dma_start3A_122 = arith.constant 0 : i32
      %dma_start3A_123 = tpu.memref_slice %arg3[%add3A_62, %dma_start3A_122] : memref<320000x128xf32, #tpu.memory_space<hbm>> -> memref<16x128xf32, #tpu.memory_space<hbm>>
      tpu.enqueue_dma source(%dma_start3A_123 : memref<16x128xf32, #tpu.memory_space<hbm>>) target(%dma_start3A_121 : memref<16x128xf32, #tpu.memory_space<vmem>>) target_semaphore(%run_scoped3A : memref<!tpu.dma_semaphore, #tpu.memory_space<semaphore_mem>>)
      %dma_wait3A_124 = arith.constant 0 : i32
      %dma_wait3A_125 = arith.constant 0 : i32
      %dma_wait3A_126 = tpu.memref_slice %arg17[%dma_wait3A_124, %dma_wait3A_125] : memref<64x128xf32, #tpu.memory_space<vmem>> -> memref<16x128xf32, #tpu.memory_space<vmem>>
      %dma_wait3A_127 = arith.constant 0 : i32
      %dma_wait3A_128 = tpu.memref_slice %arg3[%add3A_62, %dma_wait3A_127] : memref<320000x128xf32, #tpu.memory_space<hbm>> -> memref<16x128xf32, #tpu.memory_space<hbm>>
      %dma_wait3A_129 = arith.constant 0 : i32
      %dma_wait3A_130 = arith.constant 0 : i32
      %dma_wait3A_131 = tpu.memref_slice %arg17[%dma_wait3A_129, %dma_wait3A_130] : memref<64x128xf32, #tpu.memory_space<vmem>> -> memref<16x128xf32, #tpu.memory_space<vmem>>
      %dma_wait3A_132 = arith.constant 0 : i32
      %dma_wait3A_133 = tpu.memref_slice %arg3[%add3A_62, %dma_wait3A_132] : memref<320000x128xf32, #tpu.memory_space<hbm>> -> memref<16x128xf32, #tpu.memory_space<hbm>>
      tpu.wait_dma2 semaphore(%run_scoped3A : memref<!tpu.dma_semaphore, #tpu.memory_space<semaphore_mem>>) src(%dma_wait3A_133 : memref<16x128xf32, #tpu.memory_space<hbm>>) dst(%dma_wait3A_131 : memref<16x128xf32, #tpu.memory_space<vmem>>)
      tpu.yield
    }) : () -> ()
    %dma_start3A_63 = arith.constant 0 : i32
    %dma_start3A_64 = arith.constant 0 : i32
    %dma_start3A_65 = tpu.memref_slice %arg18[%dma_start3A_63, %dma_start3A_64] : memref<64x128xf32, #tpu.memory_space<vmem>> -> memref<16x128xf32, #tpu.memory_space<vmem>>
    %dma_start3A_66 = arith.constant 0 : i32
    %dma_start3A_67 = arith.constant 0 : i32
    %dma_start3A_68 = tpu.memref_slice %arg2[%dma_start3A_66, %dma_start3A_67] : memref<10000x128xf32, #tpu.memory_space<hbm>> -> memref<10000x128xf32, #tpu.memory_space<hbm>>
    tpu.enqueue_indirect_dma source(%dma_start3A_68 : memref<10000x128xf32, #tpu.memory_space<hbm>>) target(%dma_start3A_65 : memref<16x128xf32, #tpu.memory_space<vmem>>) offsets(%arg15 : memref<16xi32, #tpu.memory_space<vmem>>) semaphore(%arg29 : memref<!tpu.dma_semaphore, #tpu.memory_space<semaphore_mem>>)
    %dma_wait3A_69 = arith.constant 0 : i32
    %dma_wait3A_70 = arith.constant 0 : i32
    %dma_wait3A_71 = tpu.memref_slice %arg18[%dma_wait3A_69, %dma_wait3A_70] : memref<64x128xf32, #tpu.memory_space<vmem>> -> memref<16x128xf32, #tpu.memory_space<vmem>>
    %dma_wait3A_72 = arith.constant 0 : i32
    %dma_wait3A_73 = arith.constant 0 : i32
    %dma_wait3A_74 = tpu.memref_slice %arg2[%dma_wait3A_72, %dma_wait3A_73] : memref<10000x128xf32, #tpu.memory_space<hbm>> -> memref<10000x128xf32, #tpu.memory_space<hbm>>
    tpu.wait_indirect_dma semaphore(%arg29 : memref<!tpu.dma_semaphore, #tpu.memory_space<semaphore_mem>>) src(%dma_wait3A_74 : memref<10000x128xf32, #tpu.memory_space<hbm>>) dst(%dma_wait3A_71 : memref<16x128xf32, #tpu.memory_space<vmem>>)
    %scan3A_75 = arith.constant 0 : i32
    %scan3A_76 = arith.constant 16 : i32
    %scan3A_77 = arith.addi %scan3A_75, %scan3A_76 : i32
    %scan3A_78 = arith.constant 1 : i32
    scf.for %scan3A_114 = %scan3A_75 to %scan3A_77 step %scan3A_78  : i32 {
      %mul3A_115 = arith.constant 1 : i32
      %mul3A_116 = arith.muli %scan3A_114, %mul3A_115 : i32
      %add3A_117 = arith.constant 0 : i32
      %add3A_118 = arith.addi %add3A_117, %mul3A_116 : i32
      %get3A = arith.index_cast %add3A_118 : i32 to index
      %get3A_119 = arith.constant 0 : index
      %get3A_120 = tpu.vector_load %arg18[%get3A, %get3A_119] {strides = array<i32>} : memref<64x128xf32, #tpu.memory_space<vmem>>, vector<1x16xf32>,
      %get3A_121 = vector.shape_cast %get3A_120 : vector<1x16xf32> to vector<16xf32>
      %get3A_122 = arith.index_cast %add3A_118 : i32 to index
      %get3A_123 = arith.constant 0 : index
      %get3A_124 = tpu.vector_load %arg17[%get3A_122, %get3A_123] {strides = array<i32>} : memref<64x128xf32, #tpu.memory_space<vmem>>, vector<1x16xf32>,
      %get3A_125 = vector.shape_cast %get3A_124 : vector<1x16xf32> to vector<16xf32>
      %add3A_126 = arith.addf %get3A_121, %get3A_125 : vector<16xf32>
      %max3A = arith.constant 0.000000e+00 : f32
      %max3A_127 = vector.broadcast %max3A : f32 to vector<16xf32>
      %max3A_128 = arith.maximumf %add3A_126, %max3A_127 : vector<16xf32>
      %swap3A = arith.index_cast %add3A_118 : i32 to index
      %swap3A_129 = arith.constant 0 : index
      %swap3A_130 = tpu.vector_load %arg18[%swap3A, %swap3A_129] {strides = array<i32>} : memref<64x128xf32, #tpu.memory_space<vmem>>, vector<1x16xf32>,
      %swap3A_131 = vector.shape_cast %swap3A_130 : vector<1x16xf32> to vector<16xf32>
      %swap3A_132 = vector.shape_cast %max3A_128 : vector<16xf32> to vector<1x16xf32>
      tpu.vector_store %arg18[%swap3A, %swap3A_129], %swap3A_132 {strides = array<i32>} : memref<64x128xf32, #tpu.memory_space<vmem>>, vector<1x16xf32>,
      %get3A_133 = arith.index_cast %add3A_118 : i32 to index
      %get3A_134 = arith.constant 16 : index
      %get3A_135 = tpu.vector_load %arg18[%get3A_133, %get3A_134] {strides = array<i32>} : memref<64x128xf32, #tpu.memory_space<vmem>>, vector<1x16xf32>,
      %get3A_136 = vector.shape_cast %get3A_135 : vector<1x16xf32> to vector<16xf32>
      %get3A_137 = arith.index_cast %add3A_118 : i32 to index
      %get3A_138 = arith.constant 16 : index
      %get3A_139 = tpu.vector_load %arg17[%get3A_137, %get3A_138] {strides = array<i32>} : memref<64x128xf32, #tpu.memory_space<vmem>>, vector<1x16xf32>,
      %get3A_140 = vector.shape_cast %get3A_139 : vector<1x16xf32> to vector<16xf32>
      %add3A_141 = arith.addf %get3A_136, %get3A_140 : vector<16xf32>
      %max3A_142 = arith.constant 0.000000e+00 : f32
      %max3A_143 = vector.broadcast %max3A_142 : f32 to vector<16xf32>
      %max3A_144 = arith.maximumf %add3A_141, %max3A_143 : vector<16xf32>
      %swap3A_145 = arith.index_cast %add3A_118 : i32 to index
      %swap3A_146 = arith.constant 16 : index
      %swap3A_147 = tpu.vector_load %arg18[%swap3A_145, %swap3A_146] {strides = array<i32>} : memref<64x128xf32, #tpu.memory_space<vmem>>, vector<1x16xf32>,
      %swap3A_148 = vector.shape_cast %swap3A_147 : vector<1x16xf32> to vector<16xf32>
      %swap3A_149 = vector.shape_cast %max3A_144 : vector<16xf32> to vector<1x16xf32>
      tpu.vector_store %arg18[%swap3A_145, %swap3A_146], %swap3A_149 {strides = array<i32>} : memref<64x128xf32, #tpu.memory_space<vmem>>, vector<1x16xf32>,
      %get3A_150 = arith.index_cast %add3A_118 : i32 to index
      %get3A_151 = arith.constant 32 : index
      %get3A_152 = tpu.vector_load %arg18[%get3A_150, %get3A_151] {strides = array<i32>} : memref<64x128xf32, #tpu.memory_space<vmem>>, vector<1x16xf32>,
      %get3A_153 = vector.shape_cast %get3A_152 : vector<1x16xf32> to vector<16xf32>
      %get3A_154 = arith.index_cast %add3A_118 : i32 to index
      %get3A_155 = arith.constant 32 : index
      %get3A_156 = tpu.vector_load %arg17[%get3A_154, %get3A_155] {strides = array<i32>} : memref<64x128xf32, #tpu.memory_space<vmem>>, vector<1x16xf32>,
      %get3A_157 = vector.shape_cast %get3A_156 : vector<1x16xf32> to vector<16xf32>
      %add3A_158 = arith.addf %get3A_153, %get3A_157 : vector<16xf32>
      %max3A_159 = arith.constant 0.000000e+00 : f32
      %max3A_160 = vector.broadcast %max3A_159 : f32 to vector<16xf32>
      %max3A_161 = arith.maximumf %add3A_158, %max3A_160 : vector<16xf32>
      %swap3A_162 = arith.index_cast %add3A_118 : i32 to index
      %swap3A_163 = arith.constant 32 : index
      %swap3A_164 = tpu.vector_load %arg18[%swap3A_162, %swap3A_163] {strides = array<i32>} : memref<64x128xf32, #tpu.memory_space<vmem>>, vector<1x16xf32>,
      %swap3A_165 = vector.shape_cast %swap3A_164 : vector<1x16xf32> to vector<16xf32>
      %swap3A_166 = vector.shape_cast %max3A_161 : vector<16xf32> to vector<1x16xf32>
      tpu.vector_store %arg18[%swap3A_162, %swap3A_163], %swap3A_166 {strides = array<i32>} : memref<64x128xf32, #tpu.memory_space<vmem>>, vector<1x16xf32>,
      %get3A_167 = arith.index_cast %add3A_118 : i32 to index
      %get3A_168 = arith.constant 48 : index
      %get3A_169 = tpu.vector_load %arg18[%get3A_167, %get3A_168] {strides = array<i32>} : memref<64x128xf32, #tpu.memory_space<vmem>>, vector<1x16xf32>,
      %get3A_170 = vector.shape_cast %get3A_169 : vector<1x16xf32> to vector<16xf32>
      %get3A_171 = arith.index_cast %add3A_118 : i32 to index
      %get3A_172 = arith.constant 48 : index
      %get3A_173 = tpu.vector_load %arg17[%get3A_171, %get3A_172] {strides = array<i32>} : memref<64x128xf32, #tpu.memory_space<vmem>>, vector<1x16xf32>,
      %get3A_174 = vector.shape_cast %get3A_173 : vector<1x16xf32> to vector<16xf32>
      %add3A_175 = arith.addf %get3A_170, %get3A_174 : vector<16xf32>
      %max3A_176 = arith.constant 0.000000e+00 : f32
      %max3A_177 = vector.broadcast %max3A_176 : f32 to vector<16xf32>
      %max3A_178 = arith.maximumf %add3A_175, %max3A_177 : vector<16xf32>
      %swap3A_179 = arith.index_cast %add3A_118 : i32 to index
      %swap3A_180 = arith.constant 48 : index
      %swap3A_181 = tpu.vector_load %arg18[%swap3A_179, %swap3A_180] {strides = array<i32>} : memref<64x128xf32, #tpu.memory_space<vmem>>, vector<1x16xf32>,
      %swap3A_182 = vector.shape_cast %swap3A_181 : vector<1x16xf32> to vector<16xf32>
      %swap3A_183 = vector.shape_cast %max3A_178 : vector<16xf32> to vector<1x16xf32>
      tpu.vector_store %arg18[%swap3A_179, %swap3A_180], %swap3A_183 {strides = array<i32>} : memref<64x128xf32, #tpu.memory_space<vmem>>, vector<1x16xf32>,
      %get3A_184 = arith.index_cast %add3A_118 : i32 to index
      %get3A_185 = arith.constant 64 : index
      %get3A_186 = tpu.vector_load %arg18[%get3A_184, %get3A_185] {strides = array<i32>} : memref<64x128xf32, #tpu.memory_space<vmem>>, vector<1x16xf32>,
      %get3A_187 = vector.shape_cast %get3A_186 : vector<1x16xf32> to vector<16xf32>
      %get3A_188 = arith.index_cast %add3A_118 : i32 to index
      %get3A_189 = arith.constant 64 : index
      %get3A_190 = tpu.vector_load %arg17[%get3A_188, %get3A_189] {strides = array<i32>} : memref<64x128xf32, #tpu.memory_space<vmem>>, vector<1x16xf32>,
      %get3A_191 = vector.shape_cast %get3A_190 : vector<1x16xf32> to vector<16xf32>
      %add3A_192 = arith.addf %get3A_187, %get3A_191 : vector<16xf32>
      %max3A_193 = arith.constant 0.000000e+00 : f32
      %max3A_194 = vector.broadcast %max3A_193 : f32 to vector<16xf32>
      %max3A_195 = arith.maximumf %add3A_192, %max3A_194 : vector<16xf32>
      %swap3A_196 = arith.index_cast %add3A_118 : i32 to index
      %swap3A_197 = arith.constant 64 : index
      %swap3A_198 = tpu.vector_load %arg18[%swap3A_196, %swap3A_197] {strides = array<i32>} : memref<64x128xf32, #tpu.memory_space<vmem>>, vector<1x16xf32>,
      %swap3A_199 = vector.shape_cast %swap3A_198 : vector<1x16xf32> to vector<16xf32>
      %swap3A_200 = vector.shape_cast %max3A_195 : vector<16xf32> to vector<1x16xf32>
      tpu.vector_store %arg18[%swap3A_196, %swap3A_197], %swap3A_200 {strides = array<i32>} : memref<64x128xf32, #tpu.memory_space<vmem>>, vector<1x16xf32>,
      %get3A_201 = arith.index_cast %add3A_118 : i32 to index
      %get3A_202 = arith.constant 80 : index
      %get3A_203 = tpu.vector_load %arg18[%get3A_201, %get3A_202] {strides = array<i32>} : memref<64x128xf32, #tpu.memory_space<vmem>>, vector<1x16xf32>,
      %get3A_204 = vector.shape_cast %get3A_203 : vector<1x16xf32> to vector<16xf32>
      %get3A_205 = arith.index_cast %add3A_118 : i32 to index
      %get3A_206 = arith.constant 80 : index
      %get3A_207 = tpu.vector_load %arg17[%get3A_205, %get3A_206] {strides = array<i32>} : memref<64x128xf32, #tpu.memory_space<vmem>>, vector<1x16xf32>,
      %get3A_208 = vector.shape_cast %get3A_207 : vector<1x16xf32> to vector<16xf32>
      %add3A_209 = arith.addf %get3A_204, %get3A_208 : vector<16xf32>
      %max3A_210 = arith.constant 0.000000e+00 : f32
      %max3A_211 = vector.broadcast %max3A_210 : f32 to vector<16xf32>
      %max3A_212 = arith.maximumf %add3A_209, %max3A_211 : vector<16xf32>
      %swap3A_213 = arith.index_cast %add3A_118 : i32 to index
      %swap3A_214 = arith.constant 80 : index
      %swap3A_215 = tpu.vector_load %arg18[%swap3A_213, %swap3A_214] {strides = array<i32>} : memref<64x128xf32, #tpu.memory_space<vmem>>, vector<1x16xf32>,
      %swap3A_216 = vector.shape_cast %swap3A_215 : vector<1x16xf32> to vector<16xf32>
      %swap3A_217 = vector.shape_cast %max3A_212 : vector<16xf32> to vector<1x16xf32>
      tpu.vector_store %arg18[%swap3A_213, %swap3A_214], %swap3A_217 {strides = array<i32>} : memref<64x128xf32, #tpu.memory_space<vmem>>, vector<1x16xf32>,
      %get3A_218 = arith.index_cast %add3A_118 : i32 to index
      %get3A_219 = arith.constant 96 : index
      %get3A_220 = tpu.vector_load %arg18[%get3A_218, %get3A_219] {strides = array<i32>} : memref<64x128xf32, #tpu.memory_space<vmem>>, vector<1x16xf32>,
      %get3A_221 = vector.shape_cast %get3A_220 : vector<1x16xf32> to vector<16xf32>
      %get3A_222 = arith.index_cast %add3A_118 : i32 to index
      %get3A_223 = arith.constant 96 : index
      %get3A_224 = tpu.vector_load %arg17[%get3A_222, %get3A_223] {strides = array<i32>} : memref<64x128xf32, #tpu.memory_space<vmem>>, vector<1x16xf32>,
      %get3A_225 = vector.shape_cast %get3A_224 : vector<1x16xf32> to vector<16xf32>
      %add3A_226 = arith.addf %get3A_221, %get3A_225 : vector<16xf32>
      %max3A_227 = arith.constant 0.000000e+00 : f32
      %max3A_228 = vector.broadcast %max3A_227 : f32 to vector<16xf32>
      %max3A_229 = arith.maximumf %add3A_226, %max3A_228 : vector<16xf32>
      %swap3A_230 = arith.index_cast %add3A_118 : i32 to index
      %swap3A_231 = arith.constant 96 : index
      %swap3A_232 = tpu.vector_load %arg18[%swap3A_230, %swap3A_231] {strides = array<i32>} : memref<64x128xf32, #tpu.memory_space<vmem>>, vector<1x16xf32>,
      %swap3A_233 = vector.shape_cast %swap3A_232 : vector<1x16xf32> to vector<16xf32>
      %swap3A_234 = vector.shape_cast %max3A_229 : vector<16xf32> to vector<1x16xf32>
      tpu.vector_store %arg18[%swap3A_230, %swap3A_231], %swap3A_234 {strides = array<i32>} : memref<64x128xf32, #tpu.memory_space<vmem>>, vector<1x16xf32>,
      %get3A_235 = arith.index_cast %add3A_118 : i32 to index
      %get3A_236 = arith.constant 112 : index
      %get3A_237 = tpu.vector_load %arg18[%get3A_235, %get3A_236] {strides = array<i32>} : memref<64x128xf32, #tpu.memory_space<vmem>>, vector<1x16xf32>,
      %get3A_238 = vector.shape_cast %get3A_237 : vector<1x16xf32> to vector<16xf32>
      %get3A_239 = arith.index_cast %add3A_118 : i32 to index
      %get3A_240 = arith.constant 112 : index
      %get3A_241 = tpu.vector_load %arg17[%get3A_239, %get3A_240] {strides = array<i32>} : memref<64x128xf32, #tpu.memory_space<vmem>>, vector<1x16xf32>,
      %get3A_242 = vector.shape_cast %get3A_241 : vector<1x16xf32> to vector<16xf32>
      %add3A_243 = arith.addf %get3A_238, %get3A_242 : vector<16xf32>
      %max3A_244 = arith.constant 0.000000e+00 : f32
      %max3A_245 = vector.broadcast %max3A_244 : f32 to vector<16xf32>
      %max3A_246 = arith.maximumf %add3A_243, %max3A_245 : vector<16xf32>
      %swap3A_247 = arith.index_cast %add3A_118 : i32 to index
      %swap3A_248 = arith.constant 112 : index
      %swap3A_249 = tpu.vector_load %arg18[%swap3A_247, %swap3A_248] {strides = array<i32>} : memref<64x128xf32, #tpu.memory_space<vmem>>, vector<1x16xf32>,
      %swap3A_250 = vector.shape_cast %swap3A_249 : vector<1x16xf32> to vector<16xf32>
      %swap3A_251 = vector.shape_cast %max3A_246 : vector<16xf32> to vector<1x16xf32>
      tpu.vector_store %arg18[%swap3A_247, %swap3A_248], %swap3A_251 {strides = array<i32>} : memref<64x128xf32, #tpu.memory_space<vmem>>, vector<1x16xf32>,
    }
    %scan3A_79 = arith.constant 16 : i32
    %dma_start3A_80 = arith.constant 0 : i32
    %dma_start3A_81 = arith.constant 0 : i32
    %dma_start3A_82 = tpu.memref_slice %arg18[%dma_start3A_80, %dma_start3A_81] : memref<64x128xf32, #tpu.memory_space<vmem>> -> memref<16x128xf32, #tpu.memory_space<vmem>>
    %dma_start3A_83 = arith.constant 0 : i32
    %dma_start3A_84 = arith.constant 0 : i32
    %dma_start3A_85 = tpu.memref_slice %arg20[%dma_start3A_83, %dma_start3A_84] : memref<10000x128xf32, #tpu.memory_space<vmem_shared>> -> memref<10000x128xf32, #tpu.memory_space<vmem_shared>>
    tpu.enqueue_indirect_dma source(%dma_start3A_82 : memref<16x128xf32, #tpu.memory_space<vmem>>) target(%dma_start3A_85 : memref<10000x128xf32, #tpu.memory_space<vmem_shared>>) offsets(%arg16 : memref<16xi32, #tpu.memory_space<vmem>>) semaphore(%arg32 : memref<!tpu.dma_semaphore, #tpu.memory_space<semaphore_mem>>) {add = true}
    %dma_wait3A_86 = arith.constant 0 : i32
    %dma_wait3A_87 = arith.constant 0 : i32
    %dma_wait3A_88 = tpu.memref_slice %arg20[%dma_wait3A_86, %dma_wait3A_87] : memref<10000x128xf32, #tpu.memory_space<vmem_shared>> -> memref<10000x128xf32, #tpu.memory_space<vmem_shared>>
    tpu.wait_indirect_dma semaphore(%arg33 : memref<!tpu.dma_semaphore, #tpu.memory_space<semaphore_mem>>) src(%arg19 : memref<64x128xf32, #tpu.memory_space<vmem>>) dst(%dma_wait3A_88 : memref<10000x128xf32, #tpu.memory_space<vmem_shared>>)
    %dma_wait3A_89 = arith.constant 0 : i32
    %dma_wait3A_90 = arith.constant 0 : i32
    %dma_wait3A_91 = tpu.memref_slice %arg18[%dma_wait3A_89, %dma_wait3A_90] : memref<64x128xf32, #tpu.memory_space<vmem>> -> memref<16x128xf32, #tpu.memory_space<vmem>>
    %dma_wait3A_92 = arith.constant 0 : i32
    %dma_wait3A_93 = arith.constant 0 : i32
    %dma_wait3A_94 = tpu.memref_slice %arg20[%dma_wait3A_92, %dma_wait3A_93] : memref<10000x128xf32, #tpu.memory_space<vmem_shared>> -> memref<10000x128xf32, #tpu.memory_space<vmem_shared>>
    tpu.wait_indirect_dma semaphore(%arg32 : memref<!tpu.dma_semaphore, #tpu.memory_space<semaphore_mem>>) src(%dma_wait3A_91 : memref<16x128xf32, #tpu.memory_space<vmem>>) dst(%dma_wait3A_94 : memref<10000x128xf32, #tpu.memory_space<vmem_shared>>)
    %barrier3A_95 = arith.constant 0 : index
    tpu.barrier barrier_id(%barrier3A_95)
    %sub3A_96 = arith.constant 125 : i32
    %sub3A_97 = arith.subi %sub3A_96, %arg1 : i32
    %sub3A_98 = arith.constant 16 : i32
    %sub3A_99 = arith.constant 1 : i32
    %sub3A_100 = arith.subi %sub3A_98, %sub3A_99 : i32
    %add3A_101 = arith.addi %sub3A_97, %sub3A_100 : i32
    %div3A_102 = arith.constant 16 : i32
    %div3A_103 = arith.divsi %add3A_101, %div3A_102 : i32
    %while3A_104 = arith.constant 16 : i32
    %while3A_105 = arith.constant 0 : i32
    %while3A_106 = arith.subi %div3A_103, %while3A_105 : i32
    %while3A_107 = arith.addi %while3A_105, %while3A_106 : i32
    %while3A_108 = arith.constant 1 : i32
    %while3A_109 = arith.divsi %while3A_106, %while3A_108 : i32
    %while3A_110 = arith.muli %while3A_109, %while3A_108 : i32
    %while3A_111 = arith.addi %while3A_105, %while3A_110 : i32
    %while3A_112 = arith.constant 1 : i32
    scf.for %while3A_114 = %while3A_105 to %while3A_111 step %while3A_112  : i32 {
      %mul3A_115 = arith.muli %while3A_114, %while3A_104 : i32
      %add3A_116 = arith.addi %arg1, %mul3A_115 : i32
      %mul3A_117 = arith.constant 80 : i32
      %mul3A_118 = arith.muli %add3A_116, %mul3A_117 : i32
      "tpu.region"() ({
        %run_scoped3A = tpu.sem_alloc : memref<!tpu.dma_semaphore, #tpu.memory_space<semaphore_mem>>
        %dma_start3A_119 = arith.constant 0 : i32
        %dma_start3A_120 = arith.constant 0 : i32
        %dma_start3A_121 = tpu.memref_slice %arg18[%dma_start3A_119, %dma_start3A_120] : memref<64x128xf32, #tpu.memory_space<vmem>> -> memref<80x128xf32, #tpu.memory_space<vmem>>
        %dma_start3A_122 = arith.constant 0 : i32
        %dma_start3A_123 = tpu.memref_slice %arg20[%mul3A_118, %dma_start3A_122] : memref<10000x128xf32, #tpu.memory_space<vmem_shared>> -> memref<80x128xf32, #tpu.memory_space<vmem_shared>>
        %dma_start3A_124 = arith.constant 0 : i32
        %dma_start3A_125 = arith.constant 0 : i32
        %dma_start3A_126 = tpu.memref_slice %arg18[%dma_start3A_124, %dma_start3A_125] : memref<64x128xf32, #tpu.memory_space<vmem>> -> memref<80x128xf32, #tpu.memory_space<vmem>>
        %dma_start3A_127 = arith.constant 0 : i32
        %dma_start3A_128 = tpu.memref_slice %arg20[%mul3A_118, %dma_start3A_127] : memref<10000x128xf32, #tpu.memory_space<vmem_shared>> -> memref<80x128xf32, #tpu.memory_space<vmem_shared>>
        tpu.enqueue_dma source(%dma_start3A_128 : memref<80x128xf32, #tpu.memory_space<vmem_shared>>) target(%dma_start3A_126 : memref<80x128xf32, #tpu.memory_space<vmem>>) target_semaphore(%run_scoped3A : memref<!tpu.dma_semaphore, #tpu.memory_space<semaphore_mem>>)
        %dma_wait3A_129 = arith.constant 0 : i32
        %dma_wait3A_130 = arith.constant 0 : i32
        %dma_wait3A_131 = tpu.memref_slice %arg18[%dma_wait3A_129, %dma_wait3A_130] : memref<64x128xf32, #tpu.memory_space<vmem>> -> memref<80x128xf32, #tpu.memory_space<vmem>>
        %dma_wait3A_132 = arith.constant 0 : i32
        %dma_wait3A_133 = tpu.memref_slice %arg20[%mul3A_118, %dma_wait3A_132] : memref<10000x128xf32, #tpu.memory_space<vmem_shared>> -> memref<80x128xf32, #tpu.memory_space<vmem_shared>>
        %dma_wait3A_134 = arith.constant 0 : i32
        %dma_wait3A_135 = arith.constant 0 : i32
        %dma_wait3A_136 = tpu.memref_slice %arg18[%dma_wait3A_134, %dma_wait3A_135] : memref<64x128xf32, #tpu.memory_space<vmem>> -> memref<80x128xf32, #tpu.memory_space<vmem>>
        %dma_wait3A_137 = arith.constant 0 : i32
        %dma_wait3A_138 = tpu.memref_slice %arg20[%mul3A_118, %dma_wait3A_137] : memref<10000x128xf32, #tpu.memory_space<vmem_shared>> -> memref<80x128xf32, #tpu.memory_space<vmem_shared>>
        tpu.wait_dma2 semaphore(%run_scoped3A : memref<!tpu.dma_semaphore, #tpu.memory_space<semaphore_mem>>) src(%dma_wait3A_138 : memref<80x128xf32, #tpu.memory_space<vmem_shared>>) dst(%dma_wait3A_136 : memref<80x128xf32, #tpu.memory_space<vmem>>)
        tpu.yield
      }) : () -> ()
      "tpu.region"() ({
        %run_scoped3A = tpu.sem_alloc : memref<!tpu.dma_semaphore, #tpu.memory_space<semaphore_mem>>
        %dma_start3A_119 = arith.constant 0 : i32
        %dma_start3A_120 = arith.constant 0 : i32
        %dma_start3A_121 = tpu.memref_slice %arg18[%dma_start3A_119, %dma_start3A_120] : memref<64x128xf32, #tpu.memory_space<vmem>> -> memref<80x128xf32, #tpu.memory_space<vmem>>
        %dma_start3A_122 = arith.constant 0 : i32
        %dma_start3A_123 = tpu.memref_slice %arg6[%arg0, %mul3A_118, %dma_start3A_122] : memref<2x10000x128xf32, #tpu.memory_space<hbm>> -> memref<1x80x128xf32, #tpu.memory_space<hbm>>
        %dma_start3A_124 = tpu.memref_squeeze %dma_start3A_123 : memref<1x80x128xf32, #tpu.memory_space<hbm>> -> memref<80x128xf32, #tpu.memory_space<hbm>>
        %dma_start3A_125 = arith.constant 0 : i32
        %dma_start3A_126 = tpu.memref_slice %arg6[%arg0, %mul3A_118, %dma_start3A_125] : memref<2x10000x128xf32, #tpu.memory_space<hbm>> -> memref<1x80x128xf32, #tpu.memory_space<hbm>>
        %dma_start3A_127 = tpu.memref_squeeze %dma_start3A_126 : memref<1x80x128xf32, #tpu.memory_space<hbm>> -> memref<80x128xf32, #tpu.memory_space<hbm>>
        %dma_start3A_128 = arith.constant 0 : i32
        %dma_start3A_129 = arith.constant 0 : i32
        %dma_start3A_130 = tpu.memref_slice %arg18[%dma_start3A_128, %dma_start3A_129] : memref<64x128xf32, #tpu.memory_space<vmem>> -> memref<80x128xf32, #tpu.memory_space<vmem>>
        tpu.enqueue_dma source(%dma_start3A_130 : memref<80x128xf32, #tpu.memory_space<vmem>>) target(%dma_start3A_127 : memref<80x128xf32, #tpu.memory_space<hbm>>) target_semaphore(%run_scoped3A : memref<!tpu.dma_semaphore, #tpu.memory_space<semaphore_mem>>)
        %dma_wait3A_131 = arith.constant 0 : i32
        %dma_wait3A_132 = arith.constant 0 : i32
        %dma_wait3A_133 = tpu.memref_slice %arg18[%dma_wait3A_131, %dma_wait3A_132] : memref<64x128xf32, #tpu.memory_space<vmem>> -> memref<80x128xf32, #tpu.memory_space<vmem>>
        %dma_wait3A_134 = arith.constant 0 : i32
        %dma_wait3A_135 = tpu.memref_slice %arg6[%arg0, %mul3A_118, %dma_wait3A_134] : memref<2x10000x128xf32, #tpu.memory_space<hbm>> -> memref<1x80x128xf32, #tpu.memory_space<hbm>>
        %dma_wait3A_136 = tpu.memref_squeeze %dma_wait3A_135 : memref<1x80x128xf32, #tpu.memory_space<hbm>> -> memref<80x128xf32, #tpu.memory_space<hbm>>
        %dma_wait3A_137 = arith.constant 0 : i32
        %dma_wait3A_138 = tpu.memref_slice %arg6[%arg0, %mul3A_118, %dma_wait3A_137] : memref<2x10000x128xf32, #tpu.memory_space<hbm>> -> memref<1x80x128xf32, #tpu.memory_space<hbm>>
        %dma_wait3A_139 = tpu.memref_squeeze %dma_wait3A_138 : memref<1x80x128xf32, #tpu.memory_space<hbm>> -> memref<80x128xf32, #tpu.memory_space<hbm>>
        %dma_wait3A_140 = arith.constant 0 : i32
        %dma_wait3A_141 = arith.constant 0 : i32
        %dma_wait3A_142 = tpu.memref_slice %arg18[%dma_wait3A_140, %dma_wait3A_141] : memref<64x128xf32, #tpu.memory_space<vmem>> -> memref<80x128xf32, #tpu.memory_space<vmem>>
        tpu.wait_dma2 semaphore(%run_scoped3A : memref<!tpu.dma_semaphore, #tpu.memory_space<semaphore_mem>>) src(%dma_wait3A_142 : memref<80x128xf32, #tpu.memory_space<vmem>>) dst(%dma_wait3A_139 : memref<80x128xf32, #tpu.memory_space<hbm>>)
        tpu.yield
      }) : () -> ()
    }
    %while3A_113 = arith.constant 1 : i32
    scf.for %while3A_114 = %while3A_111 to %while3A_107 step %while3A_113  : i32 {
      %mul3A_115 = arith.muli %while3A_114, %while3A_104 : i32
      %add3A_116 = arith.addi %arg1, %mul3A_115 : i32
      %mul3A_117 = arith.constant 80 : i32
      %mul3A_118 = arith.muli %add3A_116, %mul3A_117 : i32
      "tpu.region"() ({
        %run_scoped3A = tpu.sem_alloc : memref<!tpu.dma_semaphore, #tpu.memory_space<semaphore_mem>>
        %dma_start3A_119 = arith.constant 0 : i32
        %dma_start3A_120 = arith.constant 0 : i32
        %dma_start3A_121 = tpu.memref_slice %arg18[%dma_start3A_119, %dma_start3A_120] : memref<64x128xf32, #tpu.memory_space<vmem>> -> memref<80x128xf32, #tpu.memory_space<vmem>>
        %dma_start3A_122 = arith.constant 0 : i32
        %dma_start3A_123 = tpu.memref_slice %arg20[%mul3A_118, %dma_start3A_122] : memref<10000x128xf32, #tpu.memory_space<vmem_shared>> -> memref<80x128xf32, #tpu.memory_space<vmem_shared>>
        %dma_start3A_124 = arith.constant 0 : i32
        %dma_start3A_125 = arith.constant 0 : i32
        %dma_start3A_126 = tpu.memref_slice %arg18[%dma_start3A_124, %dma_start3A_125] : memref<64x128xf32, #tpu.memory_space<vmem>> -> memref<80x128xf32, #tpu.memory_space<vmem>>
        %dma_start3A_127 = arith.constant 0 : i32
        %dma_start3A_128 = tpu.memref_slice %arg20[%mul3A_118, %dma_start3A_127] : memref<10000x128xf32, #tpu.memory_space<vmem_shared>> -> memref<80x128xf32, #tpu.memory_space<vmem_shared>>
        tpu.enqueue_dma source(%dma_start3A_128 : memref<80x128xf32, #tpu.memory_space<vmem_shared>>) target(%dma_start3A_126 : memref<80x128xf32, #tpu.memory_space<vmem>>) target_semaphore(%run_scoped3A : memref<!tpu.dma_semaphore, #tpu.memory_space<semaphore_mem>>)
        %dma_wait3A_129 = arith.constant 0 : i32
        %dma_wait3A_130 = arith.constant 0 : i32
        %dma_wait3A_131 = tpu.memref_slice %arg18[%dma_wait3A_129, %dma_wait3A_130] : memref<64x128xf32, #tpu.memory_space<vmem>> -> memref<80x128xf32, #tpu.memory_space<vmem>>
        %dma_wait3A_132 = arith.constant 0 : i32
        %dma_wait3A_133 = tpu.memref_slice %arg20[%mul3A_118, %dma_wait3A_132] : memref<10000x128xf32, #tpu.memory_space<vmem_shared>> -> memref<80x128xf32, #tpu.memory_space<vmem_shared>>
        %dma_wait3A_134 = arith.constant 0 : i32
        %dma_wait3A_135 = arith.constant 0 : i32
        %dma_wait3A_136 = tpu.memref_slice %arg18[%dma_wait3A_134, %dma_wait3A_135] : memref<64x128xf32, #tpu.memory_space<vmem>> -> memref<80x128xf32, #tpu.memory_space<vmem>>
        %dma_wait3A_137 = arith.constant 0 : i32
        %dma_wait3A_138 = tpu.memref_slice %arg20[%mul3A_118, %dma_wait3A_137] : memref<10000x128xf32, #tpu.memory_space<vmem_shared>> -> memref<80x128xf32, #tpu.memory_space<vmem_shared>>
        tpu.wait_dma2 semaphore(%run_scoped3A : memref<!tpu.dma_semaphore, #tpu.memory_space<semaphore_mem>>) src(%dma_wait3A_138 : memref<80x128xf32, #tpu.memory_space<vmem_shared>>) dst(%dma_wait3A_136 : memref<80x128xf32, #tpu.memory_space<vmem>>)
        tpu.yield
      }) : () -> ()
      "tpu.region"() ({
        %run_scoped3A = tpu.sem_alloc : memref<!tpu.dma_semaphore, #tpu.memory_space<semaphore_mem>>
        %dma_start3A_119 = arith.constant 0 : i32
        %dma_start3A_120 = arith.constant 0 : i32
        %dma_start3A_121 = tpu.memref_slice %arg18[%dma_start3A_119, %dma_start3A_120] : memref<64x128xf32, #tpu.memory_space<vmem>> -> memref<80x128xf32, #tpu.memory_space<vmem>>
        %dma_start3A_122 = arith.constant 0 : i32
        %dma_start3A_123 = tpu.memref_slice %arg6[%arg0, %mul3A_118, %dma_start3A_122] : memref<2x10000x128xf32, #tpu.memory_space<hbm>> -> memref<1x80x128xf32, #tpu.memory_space<hbm>>
        %dma_start3A_124 = tpu.memref_squeeze %dma_start3A_123 : memref<1x80x128xf32, #tpu.memory_space<hbm>> -> memref<80x128xf32, #tpu.memory_space<hbm>>
        %dma_start3A_125 = arith.constant 0 : i32
        %dma_start3A_126 = tpu.memref_slice %arg6[%arg0, %mul3A_118, %dma_start3A_125] : memref<2x10000x128xf32, #tpu.memory_space<hbm>> -> memref<1x80x128xf32, #tpu.memory_space<hbm>>
        %dma_start3A_127 = tpu.memref_squeeze %dma_start3A_126 : memref<1x80x128xf32, #tpu.memory_space<hbm>> -> memref<80x128xf32, #tpu.memory_space<hbm>>
        %dma_start3A_128 = arith.constant 0 : i32
        %dma_start3A_129 = arith.constant 0 : i32
        %dma_start3A_130 = tpu.memref_slice %arg18[%dma_start3A_128, %dma_start3A_129] : memref<64x128xf32, #tpu.memory_space<vmem>> -> memref<80x128xf32, #tpu.memory_space<vmem>>
        tpu.enqueue_dma source(%dma_start3A_130 : memref<80x128xf32, #tpu.memory_space<vmem>>) target(%dma_start3A_127 : memref<80x128xf32, #tpu.memory_space<hbm>>) target_semaphore(%run_scoped3A : memref<!tpu.dma_semaphore, #tpu.memory_space<semaphore_mem>>)
        %dma_wait3A_131 = arith.constant 0 : i32
        %dma_wait3A_132 = arith.constant 0 : i32
        %dma_wait3A_133 = tpu.memref_slice %arg18[%dma_wait3A_131, %dma_wait3A_132] : memref<64x128xf32, #tpu.memory_space<vmem>> -> memref<80x128xf32, #tpu.memory_space<vmem>>
        %dma_wait3A_134 = arith.constant 0 : i32
        %dma_wait3A_135 = tpu.memref_slice %arg6[%arg0, %mul3A_118, %dma_wait3A_134] : memref<2x10000x128xf32, #tpu.memory_space<hbm>> -> memref<1x80x128xf32, #tpu.memory_space<hbm>>
        %dma_wait3A_136 = tpu.memref_squeeze %dma_wait3A_135 : memref<1x80x128xf32, #tpu.memory_space<hbm>> -> memref<80x128xf32, #tpu.memory_space<hbm>>
        %dma_wait3A_137 = arith.constant 0 : i32
        %dma_wait3A_138 = tpu.memref_slice %arg6[%arg0, %mul3A_118, %dma_wait3A_137] : memref<2x10000x128xf32, #tpu.memory_space<hbm>> -> memref<1x80x128xf32, #tpu.memory_space<hbm>>
        %dma_wait3A_139 = tpu.memref_squeeze %dma_wait3A_138 : memref<1x80x128xf32, #tpu.memory_space<hbm>> -> memref<80x128xf32, #tpu.memory_space<hbm>>
        %dma_wait3A_140 = arith.constant 0 : i32
        %dma_wait3A_141 = arith.constant 0 : i32
        %dma_wait3A_142 = tpu.memref_slice %arg18[%dma_wait3A_140, %dma_wait3A_141] : memref<64x128xf32, #tpu.memory_space<vmem>> -> memref<80x128xf32, #tpu.memory_space<vmem>>
        tpu.wait_dma2 semaphore(%run_scoped3A : memref<!tpu.dma_semaphore, #tpu.memory_space<semaphore_mem>>) src(%dma_wait3A_142 : memref<80x128xf32, #tpu.memory_space<vmem>>) dst(%dma_wait3A_139 : memref<80x128xf32, #tpu.memory_space<hbm>>)
        tpu.yield
      }) : () -> ()
    }
    return
  }
}

module attributes {stable_mosaic.version = 14 : i64} {
  func.func @_xw_body(%arg0: memref<10000x128xf32, #tpu.memory_space<vmem>>, %arg1: memref<128x128xf32, #tpu.memory_space<vmem>>, %arg2: memref<10000x128xf32, #tpu.memory_space<vmem>>) attributes {dimension_semantics = [], scalar_prefetch = 0 : i64, scratch_operands = 0 : i64, tpu.core_type = #tpu.core_type<tc>} {
    %get3A = arith.constant 0 : index
    %get3A_0 = arith.constant 0 : index
    %get3A_1 = vector.load %arg0[%get3A, %get3A_0] : memref<10000x128xf32, #tpu.memory_space<vmem>>, vector<10000x128xf32>
    %get3A_2 = arith.constant 0 : index
    %get3A_3 = arith.constant 0 : index
    %get3A_4 = vector.load %arg1[%get3A_2, %get3A_3] : memref<128x128xf32, #tpu.memory_space<vmem>>, vector<128x128xf32>
    %dot_general3A = arith.constant dense<0.000000e+00> : vector<10000x128xf32>
    %dot_general3A_5 = tpu.matmul %get3A_1, %get3A_4, %dot_general3A {dimension_numbers = #tpu.dot_dimension_numbers<[1], [0], [0], [1], [0, 0, 1, 1], [], []>, transpose_lhs_hint = false} : vector<10000x128xf32>, vector<128x128xf32>, vector<10000x128xf32> -> vector<10000x128xf32>
    %swap3A = arith.constant 0 : index
    %swap3A_6 = arith.constant 0 : index
    %swap3A_7 = vector.load %arg2[%swap3A, %swap3A_6] : memref<10000x128xf32, #tpu.memory_space<vmem>>, vector<10000x128xf32>
    tpu.vector_store %arg2[%swap3A, %swap3A_6], %dot_general3A_5 {strides = array<i32>} : memref<10000x128xf32, #tpu.memory_space<vmem>>, vector<10000x128xf32>,
    return
  }
}

module attributes {stable_mosaic.version = 14 : i64} {
  func.func @_eaw_body(%arg0: i32, %arg1: memref<2000x16xf32, #tpu.memory_space<vmem>>, %arg2: memref<16x128xf32, #tpu.memory_space<vmem>>, %arg3: memref<1x128xf32, #tpu.memory_space<vmem>>, %arg4: memref<2000x128xf32, #tpu.memory_space<vmem>>) attributes {dimension_semantics = [#tpu.dimension_semantics<arbitrary>], iteration_bounds = array<i64: 160>, scalar_prefetch = 0 : i64, scratch_operands = 0 : i64, tpu.core_type = #tpu.core_type<tc>, window_params = [{transform_indices = @transform_0, window_bounds = array<i64: 2000, 16>}, {pipeline_mode = #tpu.pipeline_mode<synchronous>, transform_indices = @transform_1, window_bounds = array<i64: 16, 128>}, {pipeline_mode = #tpu.pipeline_mode<synchronous>, transform_indices = @transform_2, window_bounds = array<i64: 1, 128>}, {transform_indices = @transform_3, window_bounds = array<i64: 2000, 128>}]} {
    %get3A = arith.constant 0 : index
    %get3A_0 = arith.constant 0 : index
    %get3A_1 = vector.load %arg1[%get3A, %get3A_0] : memref<2000x16xf32, #tpu.memory_space<vmem>>, vector<2000x16xf32>
    %get3A_2 = arith.constant 0 : index
    %get3A_3 = arith.constant 0 : index
    %get3A_4 = vector.load %arg2[%get3A_2, %get3A_3] : memref<16x128xf32, #tpu.memory_space<vmem>>, vector<16x128xf32>
    %dot_general3A = arith.constant dense<0.000000e+00> : vector<2000x128xf32>
    %dot_general3A_5 = tpu.matmul %get3A_1, %get3A_4, %dot_general3A {dimension_numbers = #tpu.dot_dimension_numbers<[1], [0], [0], [1], [0, 0, 1, 1], [], []>, transpose_lhs_hint = false} : vector<2000x16xf32>, vector<16x128xf32>, vector<2000x128xf32> -> vector<2000x128xf32>
    %get3A_6 = arith.constant 0 : index
    %get3A_7 = arith.constant 0 : index
    %get3A_8 = vector.load %arg3[%get3A_6, %get3A_7] : memref<1x128xf32, #tpu.memory_space<vmem>>, vector<1x128xf32>
    %add3A = vector.broadcast %get3A_8 : vector<1x128xf32> to vector<2000x128xf32>
    %add3A_9 = arith.addf %dot_general3A_5, %add3A : vector<2000x128xf32>
    %swap3A = arith.constant 0 : index
    %swap3A_10 = arith.constant 0 : index
    %swap3A_11 = vector.load %arg4[%swap3A, %swap3A_10] : memref<2000x128xf32, #tpu.memory_space<vmem>>, vector<2000x128xf32>
    tpu.vector_store %arg4[%swap3A, %swap3A_10], %add3A_9 {strides = array<i32>} : memref<2000x128xf32, #tpu.memory_space<vmem>>, vector<2000x128xf32>,
    return
  }
  func.func @transform_0(%arg0: i32) -> (i32, i32) {
    %c0_i32 = arith.constant 0 : i32
    %c0_i32_0 = arith.constant 0 : i32
    return %arg0, %c0_i32 : i32, i32
  }
  func.func @transform_1(%arg0: i32) -> (i32, i32) {
    %c0_i32 = arith.constant 0 : i32
    %c0_i32_0 = arith.constant 0 : i32
    %c0_i32_1 = arith.constant 0 : i32
    return %c0_i32, %c0_i32_0 : i32, i32
  }
  func.func @transform_2(%arg0: i32) -> (i32, i32) {
    %c0_i32 = arith.constant 0 : i32
    %c0_i32_0 = arith.constant 0 : i32
    %c0_i32_1 = arith.constant 0 : i32
    return %c0_i32, %c0_i32_0 : i32, i32
  }
  func.func @transform_3(%arg0: i32) -> (i32, i32) {
    %c0_i32 = arith.constant 0 : i32
    %c0_i32_0 = arith.constant 0 : i32
    return %arg0, %c0_i32 : i32, i32
  }
}

module attributes {stable_mosaic.version = 14 : i64} {
  func.func @_node_body(%arg0: i32, %arg1: memref<1000x128xf32, #tpu.memory_space<vmem>>, %arg2: memref<2x1000x128xf32, #tpu.memory_space<vmem>>, %arg3: memref<1000x32xf32, #tpu.memory_space<vmem>>, %arg4: memref<128x128xf32, #tpu.memory_space<vmem>>, %arg5: memref<1x128xf32, #tpu.memory_space<vmem>>, %arg6: memref<256x128xf32, #tpu.memory_space<vmem>>, %arg7: memref<1x128xf32, #tpu.memory_space<vmem>>, %arg8: memref<128x128xf32, #tpu.memory_space<vmem>>, %arg9: memref<1x128xf32, #tpu.memory_space<vmem>>, %arg10: memref<1000x128xf32, #tpu.memory_space<vmem>>) attributes {dimension_semantics = [#tpu.dimension_semantics<arbitrary>], iteration_bounds = array<i64: 10>, scalar_prefetch = 0 : i64, scratch_operands = 0 : i64, tpu.core_type = #tpu.core_type<tc>, window_params = [{transform_indices = @transform_0, window_bounds = array<i64: 1000, 128>}, {transform_indices = @transform_1, window_bounds = array<i64: 2, 1000, 128>}, {transform_indices = @transform_2, window_bounds = array<i64: 1000, 32>}, {pipeline_mode = #tpu.pipeline_mode<synchronous>, transform_indices = @transform_3, window_bounds = array<i64: 128, 128>}, {pipeline_mode = #tpu.pipeline_mode<synchronous>, transform_indices = @transform_4, window_bounds = array<i64: 1, 128>}, {pipeline_mode = #tpu.pipeline_mode<synchronous>, transform_indices = @transform_5, window_bounds = array<i64: 256, 128>}, {pipeline_mode = #tpu.pipeline_mode<synchronous>, transform_indices = @transform_6, window_bounds = array<i64: 1, 128>}, {pipeline_mode = #tpu.pipeline_mode<synchronous>, transform_indices = @transform_7, window_bounds = array<i64: 128, 128>}, {pipeline_mode = #tpu.pipeline_mode<synchronous>, transform_indices = @transform_8, window_bounds = array<i64: 1, 128>}, {transform_indices = @transform_9, window_bounds = array<i64: 1000, 128>}]} {
    %get3A = arith.constant 0 : index
    %get3A_0 = arith.constant 0 : index
    %get3A_1 = arith.constant 0 : index
    %get3A_2 = vector.load %arg2[%get3A, %get3A_0, %get3A_1] : memref<2x1000x128xf32, #tpu.memory_space<vmem>>, vector<1x1000x128xf32>
    %get3A_3 = vector.shape_cast %get3A_2 : vector<1x1000x128xf32> to vector<1000x128xf32>
    %get3A_4 = arith.constant 1 : index
    %get3A_5 = arith.constant 0 : index
    %get3A_6 = arith.constant 0 : index
    %get3A_7 = vector.load %arg2[%get3A_4, %get3A_5, %get3A_6] : memref<2x1000x128xf32, #tpu.memory_space<vmem>>, vector<1x1000x128xf32>
    %get3A_8 = vector.shape_cast %get3A_7 : vector<1x1000x128xf32> to vector<1000x128xf32>
    %add3A = arith.addf %get3A_3, %get3A_8 : vector<1000x128xf32>
    %get3A_9 = arith.constant 0 : index
    %get3A_10 = arith.constant 0 : index
    %get3A_11 = vector.load %arg3[%get3A_9, %get3A_10] : memref<1000x32xf32, #tpu.memory_space<vmem>>, vector<1000x32xf32>
    %reduce_sum3A = arith.constant dense<0.000000e+00> : vector<1000xf32>
    %reduce_sum3A_12 = vector.multi_reduction <add>, %get3A_11, %reduce_sum3A [1] : vector<1000x32xf32> to vector<1000xf32>
    %broadcast_in_dim3A = vector.shape_cast %reduce_sum3A_12 : vector<1000xf32> to vector<1000x1xf32>
    %max3A = arith.constant 1.000000e+00 : f32
    %max3A_13 = vector.broadcast %max3A : f32 to vector<1000x1xf32>
    %max3A_14 = arith.maximumf %broadcast_in_dim3A, %max3A_13 : vector<1000x1xf32>
    %div3A = vector.broadcast %max3A_14 : vector<1000x1xf32> to vector<1000x128xf32>
    %div3A_15 = arith.divf %add3A, %div3A : vector<1000x128xf32>
    %get3A_16 = arith.constant 0 : index
    %get3A_17 = arith.constant 0 : index
    %get3A_18 = vector.load %arg4[%get3A_16, %get3A_17] : memref<128x128xf32, #tpu.memory_space<vmem>>, vector<128x128xf32>
    %dot_general3A = arith.constant dense<0.000000e+00> : vector<1000x128xf32>
    %dot_general3A_19 = tpu.matmul %div3A_15, %get3A_18, %dot_general3A {dimension_numbers = #tpu.dot_dimension_numbers<[1], [0], [0], [1], [0, 0, 1, 1], [], []>, transpose_lhs_hint = false} : vector<1000x128xf32>, vector<128x128xf32>, vector<1000x128xf32> -> vector<1000x128xf32>
    %gt3A = arith.constant 0.000000e+00 : f32
    %gt3A_20 = vector.broadcast %gt3A : f32 to vector<1000x1xf32>
    %gt3A_21 = arith.cmpf ogt, %broadcast_in_dim3A, %gt3A_20 : vector<1000x1xf32>
    %get3A_22 = arith.constant 0 : index
    %get3A_23 = arith.constant 0 : index
    %get3A_24 = vector.load %arg5[%get3A_22, %get3A_23] : memref<1x128xf32, #tpu.memory_space<vmem>>, vector<1x128xf32>
    %add3A_25 = vector.broadcast %get3A_24 : vector<1x128xf32> to vector<1000x128xf32>
    %add3A_26 = arith.addf %dot_general3A_19, %add3A_25 : vector<1000x128xf32>
    %jit3A = arith.constant 0.000000e+00 : f32
    %broadcast_in_dim3A_27 = vector.shape_cast %gt3A_21 : vector<1000x1xi1> to vector<1000x1xi1>
    %broadcast_in_dim3A_28 = vector.broadcast %broadcast_in_dim3A_27 : vector<1000x1xi1> to vector<1000x128xi1>
    %broadcast_in_dim3A_29 = vector.broadcast %jit3A : f32 to vector<1000x128xf32>
    %select_n3A = arith.select %broadcast_in_dim3A_28, %add3A_26, %broadcast_in_dim3A_29 : vector<1000x128xi1>, vector<1000x128xf32>
    %get3A_30 = arith.constant 0 : index
    %get3A_31 = arith.constant 0 : index
    %get3A_32 = vector.load %arg1[%get3A_30, %get3A_31] : memref<1000x128xf32, #tpu.memory_space<vmem>>, vector<1000x128xf32>
    %get3A_33 = arith.constant 0 : index
    %get3A_34 = arith.constant 0 : index
    %get3A_35 = vector.load %arg6[%get3A_33, %get3A_34] : memref<256x128xf32, #tpu.memory_space<vmem>>, vector<128x128xf32>
    %dot_general3A_36 = arith.constant dense<0.000000e+00> : vector<1000x128xf32>
    %dot_general3A_37 = tpu.matmul %get3A_32, %get3A_35, %dot_general3A_36 {dimension_numbers = #tpu.dot_dimension_numbers<[1], [0], [0], [1], [0, 0, 1, 1], [], []>, transpose_lhs_hint = false} : vector<1000x128xf32>, vector<128x128xf32>, vector<1000x128xf32> -> vector<1000x128xf32>
    %get3A_38 = arith.constant 128 : index
    %get3A_39 = arith.constant 0 : index
    %get3A_40 = vector.load %arg6[%get3A_38, %get3A_39] : memref<256x128xf32, #tpu.memory_space<vmem>>, vector<128x128xf32>
    %dot_general3A_41 = arith.constant dense<0.000000e+00> : vector<1000x128xf32>
    %dot_general3A_42 = tpu.matmul %select_n3A, %get3A_40, %dot_general3A_41 {dimension_numbers = #tpu.dot_dimension_numbers<[1], [0], [0], [1], [0, 0, 1, 1], [], []>, transpose_lhs_hint = false} : vector<1000x128xf32>, vector<128x128xf32>, vector<1000x128xf32> -> vector<1000x128xf32>
    %add3A_43 = arith.addf %dot_general3A_37, %dot_general3A_42 : vector<1000x128xf32>
    %get3A_44 = arith.constant 0 : index
    %get3A_45 = arith.constant 0 : index
    %get3A_46 = vector.load %arg7[%get3A_44, %get3A_45] : memref<1x128xf32, #tpu.memory_space<vmem>>, vector<1x128xf32>
    %add3A_47 = vector.broadcast %get3A_46 : vector<1x128xf32> to vector<1000x128xf32>
    %add3A_48 = arith.addf %add3A_43, %add3A_47 : vector<1000x128xf32>
    %max3A_49 = arith.constant 0.000000e+00 : f32
    %max3A_50 = vector.broadcast %max3A_49 : f32 to vector<1000x128xf32>
    %max3A_51 = arith.maximumf %add3A_48, %max3A_50 : vector<1000x128xf32>
    %get3A_52 = arith.constant 0 : index
    %get3A_53 = arith.constant 0 : index
    %get3A_54 = vector.load %arg8[%get3A_52, %get3A_53] : memref<128x128xf32, #tpu.memory_space<vmem>>, vector<128x128xf32>
    %dot_general3A_55 = arith.constant dense<0.000000e+00> : vector<1000x128xf32>
    %dot_general3A_56 = tpu.matmul %max3A_51, %get3A_54, %dot_general3A_55 {dimension_numbers = #tpu.dot_dimension_numbers<[1], [0], [0], [1], [0, 0, 1, 1], [], []>, transpose_lhs_hint = false} : vector<1000x128xf32>, vector<128x128xf32>, vector<1000x128xf32> -> vector<1000x128xf32>
    %get3A_57 = arith.constant 0 : index
    %get3A_58 = arith.constant 0 : index
    %get3A_59 = vector.load %arg9[%get3A_57, %get3A_58] : memref<1x128xf32, #tpu.memory_space<vmem>>, vector<1x128xf32>
    %add3A_60 = vector.broadcast %get3A_59 : vector<1x128xf32> to vector<1000x128xf32>
    %add3A_61 = arith.addf %dot_general3A_56, %add3A_60 : vector<1000x128xf32>
    %swap3A = arith.constant 0 : index
    %swap3A_62 = arith.constant 0 : index
    %swap3A_63 = vector.load %arg10[%swap3A, %swap3A_62] : memref<1000x128xf32, #tpu.memory_space<vmem>>, vector<1000x128xf32>
    tpu.vector_store %arg10[%swap3A, %swap3A_62], %add3A_61 {strides = array<i32>} : memref<1000x128xf32, #tpu.memory_space<vmem>>, vector<1000x128xf32>,
    return
  }
  func.func @transform_0(%arg0: i32) -> (i32, i32) {
    %c0_i32 = arith.constant 0 : i32
    %c0_i32_0 = arith.constant 0 : i32
    return %arg0, %c0_i32 : i32, i32
  }
  func.func @transform_1(%arg0: i32) -> (i32, i32, i32) {
    %c0_i32 = arith.constant 0 : i32
    %c0_i32_0 = arith.constant 0 : i32
    %c0_i32_1 = arith.constant 0 : i32
    return %c0_i32, %arg0, %c0_i32_0 : i32, i32, i32
  }
  func.func @transform_2(%arg0: i32) -> (i32, i32) {
    %c0_i32 = arith.constant 0 : i32
    %c0_i32_0 = arith.constant 0 : i32
    return %arg0, %c0_i32 : i32, i32
  }
  func.func @transform_3(%arg0: i32) -> (i32, i32) {
    %c0_i32 = arith.constant 0 : i32
    %c0_i32_0 = arith.constant 0 : i32
    %c0_i32_1 = arith.constant 0 : i32
    return %c0_i32, %c0_i32_0 : i32, i32
  }
  func.func @transform_4(%arg0: i32) -> (i32, i32) {
    %c0_i32 = arith.constant 0 : i32
    %c0_i32_0 = arith.constant 0 : i32
    %c0_i32_1 = arith.constant 0 : i32
    return %c0_i32, %c0_i32_0 : i32, i32
  }
  func.func @transform_5(%arg0: i32) -> (i32, i32) {
    %c0_i32 = arith.constant 0 : i32
    %c0_i32_0 = arith.constant 0 : i32
    %c0_i32_1 = arith.constant 0 : i32
    return %c0_i32, %c0_i32_0 : i32, i32
  }
  func.func @transform_6(%arg0: i32) -> (i32, i32) {
    %c0_i32 = arith.constant 0 : i32
    %c0_i32_0 = arith.constant 0 : i32
    %c0_i32_1 = arith.constant 0 : i32
    return %c0_i32, %c0_i32_0 : i32, i32
  }
  func.func @transform_7(%arg0: i32) -> (i32, i32) {
    %c0_i32 = arith.constant 0 : i32
    %c0_i32_0 = arith.constant 0 : i32
    %c0_i32_1 = arith.constant 0 : i32
    return %c0_i32, %c0_i32_0 : i32, i32
  }
  func.func @transform_8(%arg0: i32) -> (i32, i32) {
    %c0_i32 = arith.constant 0 : i32
    %c0_i32_0 = arith.constant 0 : i32
    %c0_i32_1 = arith.constant 0 : i32
    return %c0_i32, %c0_i32_0 : i32, i32
  }
  func.func @transform_9(%arg0: i32) -> (i32, i32) {
    %c0_i32 = arith.constant 0 : i32
    %c0_i32_0 = arith.constant 0 : i32
    return %arg0, %c0_i32 : i32, i32
  }
}

</mosaic_0001>

<sc_bundles>
// kernel: kernel.10.cloned.1.call-start
scs
__scs_entry_jumppad:
0x0: {  	(pc) =	sbr.rel $0x88, $3  }
0x1: {  	(tag) =	ssettag $0x0;
	lr =	simm.s32 $0x1  }
0x2: {  	[smem:$0x3F96] =	sst lr;
	_ =	strace $0xD0000000  }
0x3: {  	_ = 	snop  }
0x4: {  	_ = 	snop  }
0x5: {  	_ = 	snop  }
0x6: {  	_ = 	snop  }
0x7: {  	_ = 	snop  }
__scs_overlays_trampoline_lowered:
0x8: {  	[smem:$0x3FA5] =	sst s0  }
0x9: {  	[smem:$0x3FA6] =	sst s1  }
0xa: {  	[smem:$0x3FA7] =	sst s2  }
0xb: {  	[smem:$0x3FA8] =	sst s3  }
0xc: {  	[smem:$0x3FA9] =	sst s4  }
0xd: {  	[smem:$0x3FAA] =	sst s5  }
0xe: {  	[smem:$0x3FAB] =	sst s6  }
0xf: {  	[smem:$0x3FAC] =	sst s7  }
0x10: {  	[smem:$0x3FAD] =	sst s8  }
0x11: {  	[smem:$0x3FAE] =	sst s9;
	s0 =	simm.s32 @!p0 $0x0  }
0x12: {  	s1 =	sld [smem:$0x3F94];
	s0 =	simm.s32 @p0 $0x1  }
0x13: {  	[smem:$0x3FAF] =	sst s0;
	s0 =	simm.s32 @!p1 $0x0  }
0x14: {  	s2 =	sld [smem:$0x3F93];
	s0 =	simm.s32 @p1 $0x1  }
0x15: {  	[smem:$0x3FB0] =	sst s0;
	s0 =	simm.s32 @!p2 $0x0  }
0x16: {  	s3 =	sld [smem:$0x3FDB];
	s0 =	simm.s32 @p2 $0x1  }
0x17: {  	s4 =	simm.s32 $0x1BF5;
	[smem:$0x3FB2] =	sst s0  }
0x18: {  	s0 =	sld [smem:$0x3F95];
	_ =	swait.ge [sflag:s4], $0x0  }
0x19: {  	s7 =	sld [smem:$0x3F96]  }
0x1a: {  	s8 =	sadd.s32 $0xFFFFE003, lr  }
0x1b: {  	s9 =	sadd.s32 $0xFFFFFEF7, lr;
	s5 =	simm.s32 $0xFFFFFFFF;
	p2 =	slt.u32 s8, $0xFFFFF086  }
0x1c: {  	p1 =	slt.u32 s9, $0xF7A;
	s5 =	simm.s32 @!p2 $0x0  }
0x1d: {  	s5 =	simm.s32 @p1 $0x1;
	p0 =	seq.s32 s7, s2  }
0x1e: {  	s7 =	smul.u32 @!p0 $0xF7A, s2;
	p2 =	seq.s32 @!p0 s5, $0x0  }
0x1f: {  	s9 =	smul.u32 $0xF7A, s1;
	s8 =	simm.s32 @!p0 $0x1BF5;
	p2 =	por !p2, p0  }
0x20: {  	[sflag:s8] =	ssyncset.s32 @!p0 $0xFFFFF086;
	s6 =	sadd.s32 @!p0 s3, s7;
	s7 =	simm.s32 @!p0 $0x108  }
0x21: {  	s3 =	sadd.s32 s3, s9;
	s6 =	sadd.s32 @!p0 $0x88, s6;
	s7 =	simm.s32 @p2 $0x1082  }
0x22: {  	[simem:s7], [sflag:s8] =	dma.local @!p0 [hbm:s6], $0xF7A  }
0x23: {  	s9 =	sor.u32 $0xD0000000, s2;
	s6 =	simm.s32 $0x108;
	_ =	swait.ge @!p0 [sflag:s8], $0x0  }
0x24: {  	s3 =	sadd.s32 $0x88, s3;
	s6 =	simm.s32 @!p1 $0x1082;
	[sflag:s4] =	ssyncset.s32 $0xFFFFF086  }
0x25: {  	[simem:s6], [sflag:s4] =	dma.local [hbm:s3], $0xF7A  }
0x26: {  	[smem:$0x3F96] =	sst s1;
	(tag) =	ssettag s2;
	_ =	strace s9  }
0x27: {  	s1 =	sld [smem:$0x3FA6]  }
0x28: {  	s2 =	sld [smem:$0x3FA7]  }
0x29: {  	s4 =	sld [smem:$0x3FA9]  }
0x2a: {  	p0 =	seq.s32 s5, $0x0;
	s5 =	sld [smem:$0x3FAA]  }
0x2b: {  	s6 =	sld [smem:$0x3FAB]  }
0x2c: {  	s7 =	sld [smem:$0x3FAC]  }
0x2d: {  	s3 =	simm.s32 $0x108;
	s8 =	sld [smem:$0x3FAD]  }
0x2e: {  	s3 =	simm.s32 @!p0 $0x1082;
	s9 =	sld [smem:$0x3FAE]  }
0x2f: {  	lr =	sadd.s32 s0, s3;
	s0 =	sld [smem:$0x3FA5]  }
0x30: {  	s3 =	sld [smem:$0x3FA8]  }
0x31: {  	[smem:$0x3FB1] =	sst s10  }
0x32: {  	s10 =	sld [smem:$0x3FAF];
	_ =	sdelay $0x3  }
0x33: {  	p0 =	seq.s32 s10, $0x1;
	s10 =	sld [smem:$0x3FB1];
	_ =	sdelay $0x3  }
0x34: {  	[smem:$0x3FB1] =	sst s10  }
0x35: {  	s10 =	sld [smem:$0x3FB0];
	_ =	sdelay $0x3  }
0x36: {  	p1 =	seq.s32 s10, $0x1;
	s10 =	sld [smem:$0x3FB1];
	_ =	sdelay $0x3  }
0x37: {  	[smem:$0x3FB1] =	sst s10  }
0x38: {  	s10 =	sld [smem:$0x3FB2]  }
0x39: {  	_ = 	snop;
	(pc) =	sbr.ind lr, $3  }
0x3a: {  	_ = 	snop  }
0x3b: {  	_ = 	snop  }
0x3c: {  	p2 =	seq.s32 s10, $0x1;
	s10 =	sld [smem:$0x3FB1]  }
0x3d: {  	_ =	shalt  }
0x3e: {  	_ =	shalt  }
0x3f: {  	_ =	shalt  }
0x40: {  	_ =	shalt  }
0x41: {  	_ =	shalt  }
0x42: {  	_ =	shalt  }
0x43: {  	_ =	shalt  }
0x44: {  	_ =	shalt  }
0x45: {  	_ =	shalt  }
0x46: {  	_ =	shalt  }
0x47: {  	_ =	shalt  }
0x48: {  	_ =	shalt  }
0x49: {  	_ =	shalt  }
0x4a: {  	_ =	shalt  }
0x4b: {  	_ =	shalt  }
0x4c: {  	_ =	shalt  }
0x4d: {  	_ =	shalt  }
0x4e: {  	_ =	shalt  }
0x4f: {  	_ =	shalt  }
0x50: {  	_ =	shalt  }
0x51: {  	_ =	shalt  }
0x52: {  	_ =	shalt  }
0x53: {  	_ =	shalt  }
0x54: {  	_ =	shalt  }
0x55: {  	_ =	shalt  }
0x56: {  	_ =	shalt  }
0x57: {  	_ =	shalt  }
0x58: {  	_ =	shalt  }
0x59: {  	_ =	shalt  }
0x5a: {  	_ =	shalt  }
0x5b: {  	_ =	shalt  }
0x5c: {  	_ =	shalt  }
0x5d: {  	_ =	shalt  }
0x5e: {  	_ =	shalt  }
0x5f: {  	_ =	shalt  }
0x60: {  	_ =	shalt  }
0x61: {  	_ =	shalt  }
0x62: {  	_ =	shalt  }
0x63: {  	_ =	shalt  }
0x64: {  	_ =	shalt  }
0x65: {  	_ =	shalt  }
0x66: {  	_ =	shalt  }
0x67: {  	_ =	shalt  }
0x68: {  	_ =	shalt  }
0x69: {  	_ =	shalt  }
0x6a: {  	_ =	shalt  }
0x6b: {  	_ =	shalt  }
0x6c: {  	_ =	shalt  }
0x6d: {  	_ =	shalt  }
0x6e: {  	_ =	shalt  }
0x6f: {  	_ =	shalt  }
0x70: {  	_ =	shalt  }
0x71: {  	_ =	shalt  }
0x72: {  	_ =	shalt  }
0x73: {  	_ =	shalt  }
0x74: {  	_ =	shalt  }
0x75: {  	_ =	shalt  }
0x76: {  	_ =	shalt  }
0x77: {  	_ =	shalt  }
0x78: {  	_ =	shalt  }
0x79: {  	_ =	shalt  }
0x7a: {  	_ =	shalt  }
0x7b: {  	_ =	shalt  }
0x7c: {  	_ =	shalt  }
0x7d: {  	_ =	shalt  }
0x7e: {  	_ =	shalt  }
0x7f: {  	_ =	shalt  }
0x80: {  	_ =	shalt  }
0x81: {  	_ =	shalt  }
0x82: {  	_ =	shalt  }
0x83: {  	_ =	shalt  }
0x84: {  	_ =	shalt  }
0x85: {  	_ =	shalt  }
0x86: {  	_ =	shalt  }
0x87: {  	_ =	shalt  }
.Lfunc_end0:
.L_simem_size_0:
called_computation.1_lowered:
.L_overlay_start_0:
0x88: {  	s2 =	sld [smem:$0x3FD9]  }
0x89: {  	s3 =	sld [smem:$0x3FFE];
	_ =	sdelay $0x1  }
0x8a: {  	s1 =	srdreg.scid  }
0x8b: {  	s0 =	sand.u32 $0x1, s1  }
0x8c: {  	s17 =	sshll.u32 s0, $0xA;
	s2 =	sadd.s32 s3, s2  }
0x8d: {  	s2 =	sadd.s32 s2, s17  }
0x8e: {  	[smem:$0x3FBD] =	sst s2  }
0x8f: {  	_ = 	snop  }
0x90: {  	s18 =	sld [smem:$0x3FD0];
	(tm) =	ssettm $0x1  }
0x91: {  	s19 =	sld [smem:$0x3FFB];
	_ =	sdelay $0x3  }
0x92: {  	_ =	strace s19  }
0x93: {  	s2 =	sld [smem:$0x3FFC];
	_ =	sdelay $0x3  }
0x94: {  	_ =	strace s2  }
0x95: {  	s2 =	sld [smem:$0x3FFD];
	_ =	sdelay $0x3  }
0x96: {  	_ =	strace s2  }
0x97: {  	_ =	strace $0x8FFFFFFF  }
0x98: {  	s20 =	sld [smem:$0x3FDB];
	_ =	sdelay $0x1  }
0x99: {  	s4 =	simm.s32 $_scs_section_size  }
0x9a: {  	s5 =	simm.s32 $_size__tile_overlayer_lowered;
	s6 =	simm.s32 $_tile_overlayer_lowered  }
0x9b: {  	s7 =	simm.s32 $0x1BFF;
	s21 =	sshll.u32 s6, $0x1;
	s4 =	sadd.s32 s4, s20  }
0x9c: {  	s22 =	simm.s32 $0x0;
	s5 =	sshll.u32 s5, $0x1;
	s6 =	sadd.s32 s21, s4  }
0x9d: {  	[timem:s22], [sflag:s7] =	dma.local [hbm:s6], s5  }
0x9e: {  	_ =	swait.ge [sflag:s7], s5  }
0x9f: {  	s5 =	ssub.s32 $0x0, s5;
	[sflag:s7] =	ssyncset.done $0x0  }
0xa0: {  	[sflag:s7] =	ssyncadd.s32 s5;
	_ =	sdelay $0x1  }
0xa1: {  	s23 =	simm.s32 $0x1B8B  }
0xa2: {  	_ =	swait.ge [sflag:s23], $0x1  }
0xa3: {  	[sflag:s23] =	ssyncset.done $0x0  }
0xa4: {  	[sflag:s23] =	ssyncadd.s32 $0xFFFFFFFF  }
0xa5: {  	s5 =	sld [smem:$0x0]  }
0xa6: {  	s6 =	sand.u32 $0xFFFFFFFE, s1  }
0xa7: {  	p0 =	sne.s32 s1, s6  }
0xa8: {  	s6 =	sshll.u32 @p0 s6, $0xE  }
0xa9: {  	s6 =	sadd.s32 @p0 $0x11B8D, s6;
	s7 =	sshll.u32 @p0 s5, $0x11  }
0xaa: {  	s6 =	sor.u32 @p0 s7, s6  }
0xab: {  	[sflag:s6] =	ssyncadd.remote.s32 @p0 $0x1;
	_ =	sdelay $0x1  }
0xac: {  	s6 =	simm.s32 @p0 $0x1B8D  }
0xad: {  	_ =	swait.eq @p0 [sflag:s6], $0x1  }
0xae: {  	[sflag:s6] =	ssyncadd.s32 @p0 $0xFFFFFFFF  }
0xaf: {  	s7 =	sshll.u32 @!p0 s1, $0xE  }
0xb0: {  	s7 =	sor.u32 @!p0 $0x4000, s7;
	s6 =	simm.s32 @!p0 $0x1B8D  }
0xb1: {  	s5 =	sshll.u32 @!p0 s5, $0x11;
	s7 =	sadd.s32 @!p0 $0x11B8D, s7;
	_ =	swait.eq @!p0 [sflag:s6], $0x1  }
0xb2: {  	s5 =	sor.u32 @!p0 s5, s7;
	[sflag:s6] =	ssyncadd.s32 @!p0 $0xFFFFFFFF  }
0xb3: {  	s25 =	simm.s32 $0x1B8E;
	s24 =	sld [smem:$0x3FFE];
	[sflag:s5] =	ssyncadd.remote.s32 @!p0 $0x1  }
0xb4: {  	s26 =	simm.s32 $execute0_lowered;
	[smem:$0x3FD2] =	sst s25  }
0xb5: {  	s6 =	sshll.u32 s26, $0x1;
	_ =	strace $0x80000049;
	[dreg:$0x1] =	wrdreg $0xFFFFFFFF  }
0xb6: {  	s28 =	simm.s32 $_size_execute0_lowered;
	s4 =	sadd.s32 s4, s6;
	[dreg:$0x0] =	wrdreg $0x0  }
0xb7: {  	s6 =	sshll.u32 s28, $0x1;
	[dreg:$0x2] =	wrdreg s4  }
0xb8: {  	[dreg:$0x3] =	wrdreg s6  }
0xb9: {  	[dreg:$0x4] =	wrdreg $0xC0  }
0xba: {  	_ =	task [dreg:s22], $0x5FFFF  }
0xbb: {  	[dreg:$0x1] =	wrdreg $0xFFFFFFFF  }
0xbc: {  	[dreg:$0x0] =	wrdreg $0x60  }
0xbd: {  	[dreg:$0x2] =	wrdreg s18  }
0xbe: {  	[dreg:$0x3] =	wrdreg s24  }
0xbf: {  	[dreg:$0x4] =	wrdreg $0x65000  }
0xc0: {  	[dreg:$0x5] =	wrdreg $0xA  }
0xc1: {  	_ =	task.clear_ibuf [dreg:s22], $0x6FFFF;
	_ =	strace $0x90000049  }
0xc2: {  	s29 =	simm.s32 $0xA;
	_ =	strace $0x8000004B  }
0xc3: {  	_ =	swait.ge [sflag:s29], $0x1  }
0xc4: {  	[sflag:s29] =	ssyncadd.s32 $0xFFFFFFFF  }
0xc5: {  	_ =	strace $0x9000004B  }
0xc6: {  	_ =	sfence  }
0xc7: {  	s30 =	sld [smem:$0x0];
	_ =	sdelay $0x2  }
0xc8: {  	s31 =	sshll.u32 s1, $0xD;
	s1 =	sshrl.u32 s1, $0x2  }
0xc9: {  	s4 =	sand.u32 $0x4000, s31;
	s1 =	sadd.s32 s1, s30  }
0xca: {  	s0 =	sor.u32 s4, s0;
	s1 =	sshll.u32 s1, $0x11  }
0xcb: {  	s0 =	sor.u32 s1, s0  }
0xcc: {  	s0 =	sadd.s32 $0x8F2B, s0  }
0xcd: {  	[sflag:s0] =	ssyncadd.remote.s32 $0x1  }
0xce: {  	_ =	sfence.sel $0xFFFF  }
0xcf: {  	[dreg:$0x0] =	wrdreg $0xFFFFFFFF;
	(pc) =	sbr.abs _section_cstart, $3  }
0xd0: {  	[dreg:$0x1] =	wrdreg $0xFFFFFFFF  }
0xd1: {  	_ =	task.clear_ibuf [dreg:s22], $0x2FFFF;
	_ =	strace $0x9FFFFFFF  }
0xd2: {  	(tm) =	ssettm $0x7FFFFFFF  }
0xd3: {  	_ =	shalt  }
tec
execute0_lowered:
.L_overlay_start_1:
0x0: {  	(tag) =	ssettag $0x1  }
0x1: {  	s1 =	rddreg [dreg:$0x0]  }
0x2: {  	s0 =	rddreg [dreg:$0x1]  }
0x3: {  	s2 =	rddreg [dreg:$0x2];
	s4 =	simm.s32 $0x0  }
0x4: {  	s3 =	srdreg.scid;
	s13 =	stileid.u32;
	s31 =	simm.s32 $0x2500  }
0x5: {  	s28 =	simm.s32 $0x4500;
	s29 =	simm.s32 $0xA;
	s30 =	simm.s32 $0xD  }
0x6: {  	[smem:$0x7FF] =	sst s4;
	s3 =	sand.u32 $0x1, s3;
	s7 =	smul.u32 $0x2800, s13  }
0x7: {  	s14 =	sadd.s32 $0x501800, s0;
	s6 =	sadd.s32 $0xBC00, s0;
	s18 =	ssub.s32 $0xAB, s13  }
0x8: {  	s11 =	sshll.u32 s13, $0xD;
	s15 =	sadd.s32 $0x501C00, s0;
	s16 =	sadd.s32 $0x502000, s0  }
0x9: {  	s5 =	smul.u32 $0x138800, s3;
	_ =	strace $0x8000004A;
	s8 =	sshll.u32 s3, $0x4  }
0xa: {  	s3 =	ssub.s32 $0x2, s3;
	s19 =	sadd.s32 s11, s2;
	[dreg:$0xf] =	wrdreg s15  }
0xb: {  	[dreg:$0x10] =	wrdreg s16;
	s11 =	simm.s32 $0x8;
	s9 =	sor.u32 s13, s8  }
0xc: {  	s10 =	sshrl.u32 s3, $0x1;
	[dreg:$0x5] =	wrdreg s19;
	s19 =	smul.u32 $0xA000, s13  }
0xd: {  	s8 =	sadd.s32 $0x1E00, s0;
	s5 =	sadd.s32 s7, s5;
	s17 =	smul.u32 $0x2710, s9  }
0xe: {  	s3 =	ssub.s32 s3, s10;
	s10 =	sshrl.u32 s18, $0x4;
	s9 =	smul.u32 $0x27100, s9  }
0xf: {  	s7 =	simm.s32 $0x0;
	s5 =	sshrl.u32 s5, $0x3;
	[dreg:$0x4] =	wrdreg s10  }
0x10: {  	s3 =	smax.u32 s3, $0x1;
	s5 =	sadd.s32 s5, s0;
	s12 =	sshrl.u32 s17, $0x3  }
0x11: {  	s9 =	sadd.s32 s14, s9;
	s0 =	sadd.s32 $0x502800, s0;
	[dreg:$0x16] =	wrdreg s3  }
0x12: {  	s3 =	simm.s32 $0x7;
	s20 =	sadd.s32 $0x8, s12;
	[dreg:$0xe] =	wrdreg s9  }
0x13: {  	s21 =	sadd.s32 s6, s12;
	s22 =	sadd.s32 s8, s12;
	[dreg:$0x11] =	wrdreg s0  }
0x14: {  	s24 =	sadd.s32 $0x10, s12;
	s26 =	sadd.s32 $0x18, s12;
	[dreg:$0x6] =	wrdreg s21  }
0x15: {  	s9 =	simm.s32 $0xC;
	[dreg:$0x7] =	wrdreg s22;
	s23 =	sadd.s32 s6, s20  }
0x16: {  	s10 =	sadd.s32 s8, s20;
	s25 =	sadd.s32 s6, s24;
	[dreg:$0x8] =	wrdreg s23  }
0x17: {  	s12 =	sadd.s32 s6, s26;
	s21 =	smov.u32 s17;
	[dreg:$0x9] =	wrdreg s10  }
0x18: {  	s17 =	sadd.s32 $0x2700, s17;
	[dreg:$0xa] =	wrdreg s25;
	s10 =	sadd.s32 s8, s24  }
0x19: {  	[dreg:$0xc] =	wrdreg s12;
	s18 =	sshrl.u32 s17, $0x3;
	s22 =	sshll.u32 s17, $0x4  }
0x1a: {  	s23 =	sshrl.u32 s19, $0x2;
	s24 =	ssub.s32 $0x8C, s13;
	s17 =	simm.s32 $0x500  }
0x1b: {  	s19 =	simm.s32 $0x9;
	[dreg:$0xb] =	wrdreg s10;
	s10 =	sadd.s32 s8, s26  }
0x1c: {  	s20 =	sadd.s32 s6, s18;
	s0 =	sadd.s32 s8, s18;
	[dreg:$0xd] =	wrdreg s10  }
0x1d: {  	s25 =	sshrl.u32 s24, $0x4;
	s26 =	sadd.s32 $0x1F800, s5;
	[dreg:$0x12] =	wrdreg s20  }
0x1e: {  	s24 =	simm.s32 $0x3;
	s18 =	simm.s32 $0xB;
	[dreg:$0x13] =	wrdreg s0  }
0x1f: {  	s20 =	smov.u32 s14;
	s0 =	sadd.s32 s14, s22;
	[dreg:$0x15] =	wrdreg s25  }
0x20: {  	[dreg:$0x18] =	wrdreg s26;
	s25 =	simm.s32 $0x4;
	s10 =	simm.s32 $0x5  }
0x21: {  	s26 =	simm.s32 $0x6;
	[dreg:$0x14] =	wrdreg s0;
	s0 =	sadd.s32 s23, s2  }
0x22: {  	v0 =	vimm.f32 $0.0e+00;
	s23 =	simm.s32 $0x40;
	[dreg:$0x17] =	wrdreg s0;
	s0 =	simm.s32 $0xE  }
.LBB2_1:
0x23: {  	s5 =	simm.s32 $0x0;
	s12 =	simm.s32 $0x200  }
.LBB2_2:
0x24: {  	p0 =	sne.s32 s12, $0x7E00;
	[tilespmem:s5+$0x2570] =	vst v0  }
0x25: {  	[tilespmem:s5+$0x2500] =	vst v0  }
0x26: {  	[tilespmem:s5+$0x2510] =	vst v0  }
.Ltmp0:
0x27: {  	[tilespmem:s5+$0x2520] =	vst v0;
	(pc) =	sbr.rel @p0 .LBB2_2-.Ltmp0, $4  }
0x28: {  	[tilespmem:s5+$0x2530] =	vst v0  }
0x29: {  	[tilespmem:s5+$0x2540] =	vst v0  }
0x2a: {  	[tilespmem:s5+$0x2550] =	vst v0  }
0x2b: {  	[tilespmem:s5+$0x2560] =	vst v0;
	s5 =	sshra.s32 s12, $0x2;
	s12 =	sadd.s32 $0x200, s12  }
0x2c: {  	[tilespmem:s5+$0x2570] =	vst v0  }
0x2d: {  	[tilespmem:s5+$0x2500] =	vst v0  }
0x2e: {  	[tilespmem:s5+$0x2510] =	vst v0  }
0x2f: {  	[tilespmem:s5+$0x2520] =	vst v0  }
0x30: {  	[tilespmem:s5+$0x2530] =	vst v0;
	s22 =	rddreg [dreg:$0x4]  }
0x31: {  	[tilespmem:s5+$0x2540] =	vst v0;
	p0 =	sne.s32 s22, $0x1  }
.Ltmp1:
0x32: {  	[dreg:$0x19] =	wrdreg s7;
	[tilespmem:s5+$0x2550] =	vst v0;
	(pc) =	sbr.rel @!p0 .LBB2_5-.Ltmp1, $4  }
0x33: {  	[tilespmem:s5+$0x2560] =	vst v0;
	s12 =	rddreg [dreg:$0x5]  }
0x34: {  	[spmem:s12] =	stream.linear.scatter [tilespmem:s31], [sflag:$0xE], $0x2000, $0x38;
	[tilespmem:$0x19D80] =	vst v63  }
0x35: {  	_ =	swait.ge [sflag:s0], $0x2000  }
0x36: {  	s5 =	sadd.s32 $0xFFFFFFFF, s22;
	[sflag:s0] =	ssyncset.done $0x0  }
.LBB2_4:
0x37: {  	p0 =	sne.s32 s5, $0x1;
	[sflag:s0] =	ssyncadd.s32 $0xFFFFE000;
	s12 =	sadd.s32 $0x20000, s12  }
.Ltmp2:
0x38: {  	s5 =	sadd.s32 $0xFFFFFFFF, s5;
	(pc) =	sbr.rel @p0 .LBB2_4-.Ltmp2, $4  }
0x39: {  	_ = 	snop  }
0x3a: {  	[spmem:s12] =	stream.linear.scatter [tilespmem:s31], [sflag:$0xE], $0x2000, $0x38;
	[tilespmem:$0x19D80] =	vst v63  }
0x3b: {  	_ =	swait.ge [sflag:s0], $0x2000  }
0x3c: {  	[sflag:s0] =	ssyncset.done $0x0  }
.LBB2_5:
0x3d: {  	[sflag:s0] =	ssyncadd.s32 $0xFFFFE000  }
0x3e: {  	[bflag:$0x0] =	sbarrier.arrive $0xFFFF  }
0x3f: {  	s12 =	simm.s32 $0x0;
	s5 =	rddreg [dreg:$0x6]  }
0x40: {  	[tilespmem:s12], [sflag:$0x1] =	stream.linear.gather [hbm4b:s5+s12], $0x40, $0x38;
	[tilespmem:$0x19D80] =	vst v63  }
0x41: {  	s7 =	simm.s32 $0x80;
	s13 =	rddreg [dreg:$0x7]  }
0x42: {  	[tilespmem:s7], [sflag:$0x2] =	stream.linear.gather [hbm4b:s13+s12], $0x40, $0x38;
	[tilespmem:$0x19D80] =	vst v63  }
0x43: {  	s15 =	simm.s32 $0x100;
	s14 =	rddreg [dreg:$0x8]  }
0x44: {  	[tilespmem:s15], [sflag:$0x3] =	stream.linear.gather [hbm4b:s14+s12], $0x40, $0x38;
	[tilespmem:$0x19D80] =	vst v63  }
0x45: {  	s22 =	simm.s32 $0x180;
	s16 =	rddreg [dreg:$0x9]  }
0x46: {  	[tilespmem:s22], [sflag:$0x4] =	stream.linear.gather [hbm4b:s16+s12], $0x40, $0x38;
	[tilespmem:$0x19D80] =	vst v63  }
0x47: {  	s7 =	rddreg [dreg:$0xa];
	s13 =	simm.s32 $0x200  }
0x48: {  	[tilespmem:s13], [sflag:$0x5] =	stream.linear.gather [hbm4b:s7+s12], $0x40, $0x38;
	[tilespmem:$0x19D80] =	vst v63  }
0x49: {  	s14 =	rddreg [dreg:$0xb];
	s15 =	simm.s32 $0x280  }
0x4a: {  	[tilespmem:s15], [sflag:$0x6] =	stream.linear.gather [hbm4b:s14+s12], $0x40, $0x38;
	[tilespmem:$0x19D80] =	vst v63  }
0x4b: {  	s16 =	rddreg [dreg:$0xc];
	s22 =	simm.s32 $0x300  }
0x4c: {  	[tilespmem:s22], [sflag:$0x7] =	stream.linear.gather [hbm4b:s16+s12], $0x40, $0x38;
	[tilespmem:$0x19D80] =	vst v63  }
0x4d: {  	s13 =	rddreg [dreg:$0xd];
	s14 =	simm.s32 $0x380  }
0x4e: {  	[tilespmem:s14], [sflag:$0x8] =	stream.linear.gather [hbm4b:s13+s12], $0x40, $0x38;
	[tilespmem:$0x19D80] =	vst v63  }
0x4f: {  	s15 =	rddreg [dreg:$0xe];
	s16 =	simm.s32 $0x1  }
0x50: {  	[tilespmem:s17], [sflag:$0xB] =	stream.linear.gather [hbm4b:s15+s12], $0x2000, $0x38;
	[tilespmem:$0x19D80] =	vst v63  }
0x51: {  	_ =	swait.ge [sflag:s16], $0x40  }
0x52: {  	[sflag:s16] =	ssyncset.done $0x0  }
0x53: {  	s22 =	simm.s32 $0x2;
	[sflag:s16] =	ssyncadd.s32 $0xFFFFFFC0  }
0x54: {  	_ =	swait.ge [sflag:s22], $0x40  }
0x55: {  	[sflag:s22] =	ssyncset.done $0x0  }
0x56: {  	[sflag:s22] =	ssyncadd.s32 $0xFFFFFFC0  }
0x57: {  	[tilespmem:s31], [sflag:$0x9] =	stream.indirect.gather [hbm4b:s1+s23], $0x80, s12, s23, $0xb8;
	[tilespmem:$0x19D80] =	vst v63  }
.LBB2_6:
0x58: {  	p0 =	seq.s32 s12, $0x0;
	s5 =	sshll.u32 s12, $0x8  }
0x59: {  	s13 =	simm.s32 @!p0 $0xD;
	s15 =	sadd.s32 s21, s5  }
0x5a: {  	_ =	swait.ge @!p0 [sflag:s13], $0x2000;
	s14 =	sadd.s32 $0xC0, s15  }
0x5b: {  	s16 =	simm.s32 @!p0 $0x0;
	[sflag:s13] =	ssyncset.done @!p0 $0x0;
	s5 =	sshrl.u32 @!p0 s14, $0x3  }
0x5c: {  	s22 =	simm.s32 @!p0 $0x300;
	[sflag:s13] =	ssyncadd.s32 @!p0 $0xFFFFE000;
	s13 =	sadd.s32 @!p0 s6, s5  }
0x5d: {  	[tilespmem:s22], [sflag:$0x7] =	stream.linear.gather @!p0 [hbm4b:s13+s16], $0x40, $0x38;
	[tilespmem:$0x19D80] =	vst v63  }
0x5e: {  	s5 =	sadd.s32 @!p0 s8, s5;
	s13 =	simm.s32 @!p0 $0x380  }
0x5f: {  	[tilespmem:s13], [sflag:$0x8] =	stream.linear.gather @!p0 [hbm4b:s5+s16], $0x40, $0x38;
	[tilespmem:$0x19D80] =	vst v63  }
0x60: {  	_ =	swait.ge [sflag:s24], $0x40  }
0x61: {  	[sflag:s24] =	ssyncset.done $0x0  }
0x62: {  	[sflag:s24] =	ssyncadd.s32 $0xFFFFFFC0  }
0x63: {  	_ =	swait.ge [sflag:s25], $0x40  }
0x64: {  	[sflag:s25] =	ssyncset.done $0x0  }
0x65: {  	s22 =	simm.s32 $0x100;
	[sflag:s25] =	ssyncadd.s32 $0xFFFFFFC0  }
0x66: {  	[tilespmem:s28], [sflag:$0xA] =	stream.indirect.gather [hbm4b:s1+s23], $0x80, s22, s23, $0xb8;
	[tilespmem:$0x19D80] =	vst v63  }
0x67: {  	_ =	swait.ge [sflag:s18], $0x2000  }
0x68: {  	[sflag:s18] =	ssyncset.done $0x0  }
0x69: {  	[sflag:s18] =	ssyncadd.s32 $0xFFFFE000  }
0x6a: {  	_ =	swait.ge [sflag:s19], $0x2000  }
0x6b: {  	[sflag:s19] =	ssyncset.done $0x0  }
0x6c: {  	s13 =	simm.s32 $0x0;
	[sflag:s19] =	ssyncadd.s32 $0xFFFFE000  }
0x6d: {  	v7 =	vld [tilespmem:s13+$0x500]  }
0x6e: {  	v12 =	vld [tilespmem:s13+$0x510]  }
0x6f: {  	v6 =	vld [tilespmem:s13+$0x520]  }
0x70: {  	v5 =	vld [tilespmem:s13+$0x530]  }
0x71: {  	v4 =	vld [tilespmem:s13+$0x540]  }
0x72: {  	v3 =	vld [tilespmem:s13+$0x550]  }
0x73: {  	v2 =	vld [tilespmem:s13+$0x560]  }
0x74: {  	v1 =	vld [tilespmem:s13+$0x570]  }
0x75: {  	v13 =	vld [tilespmem:s13+$0x2500]  }
0x76: {  	v14 =	vld [tilespmem:s13+$0x2510]  }
0x77: {  	v11 =	vld [tilespmem:s13+$0x2520]  }
0x78: {  	v10 =	vld [tilespmem:s13+$0x2530]  }
0x79: {  	v9 =	vld [tilespmem:s13+$0x2540]  }
0x7a: {  	v8 =	vld [tilespmem:s13+$0x2550];
	v13 =	vadd.f32 v7, v13  }
0x7b: {  	s16 =	simm.s32 $0x200;
	v12 =	vadd.f32 v12, v14;
	v7 =	vld [tilespmem:s13+$0x2560]  }
.LBB2_7:
0x7c: {  	s5 =	sshra.s32 s16, $0x2;
	p0 =	sne.s32 s16, $0x7E00;
	v13 =	vmax.f32 v13, $0.0e+00;
	v6 =	vadd.f32 v6, v11;
	v11 =	vld [tilespmem:s13+$0x2570]  }
0x7d: {  	v14 =	vld [tilespmem:s5+$0x500];
	[tilespmem:s13+$0x2500] =	vst v13;
	v12 =	vmax.f32 v12, $0.0e+00;
	v5 =	vadd.f32 v5, v10  }
0x7e: {  	v15 =	vld [tilespmem:s5+$0x510];
	[tilespmem:s13+$0x2510] =	vst v12;
	v10 =	vmax.f32 v6, $0.0e+00;
	v4 =	vadd.f32 v4, v9  }
0x7f: {  	v6 =	vld [tilespmem:s5+$0x520];
	[tilespmem:s13+$0x2520] =	vst v10;
	v9 =	vmax.f32 v5, $0.0e+00;
	v3 =	vadd.f32 v3, v8  }
0x80: {  	v5 =	vld [tilespmem:s5+$0x530];
	[tilespmem:s13+$0x2530] =	vst v9;
	v8 =	vmax.f32 v4, $0.0e+00;
	v2 =	vadd.f32 v2, v7  }
0x81: {  	v4 =	vld [tilespmem:s5+$0x540];
	[tilespmem:s13+$0x2540] =	vst v8;
	v7 =	vmax.f32 v3, $0.0e+00;
	v1 =	vadd.f32 v1, v11  }
0x82: {  	v3 =	vld [tilespmem:s5+$0x550];
	[tilespmem:s13+$0x2550] =	vst v7;
	v7 =	vmax.f32 v2, $0.0e+00  }
0x83: {  	v2 =	vld [tilespmem:s5+$0x560];
	[tilespmem:s13+$0x2560] =	vst v7;
	v7 =	vmax.f32 v1, $0.0e+00  }
0x84: {  	v1 =	vld [tilespmem:s5+$0x570];
	[tilespmem:s13+$0x2570] =	vst v7;
	s13 =	smov.u32 s5  }
0x85: {  	v7 =	vld [tilespmem:s13+$0x2500]  }
0x86: {  	v12 =	vld [tilespmem:s13+$0x2510]  }
.Ltmp3:
0x87: {  	v11 =	vld [tilespmem:s13+$0x2520];
	(pc) =	sbr.rel @p0 .LBB2_7-.Ltmp3, $4  }
0x88: {  	v10 =	vld [tilespmem:s13+$0x2530]  }
0x89: {  	v9 =	vld [tilespmem:s13+$0x2540]  }
0x8a: {  	v13 =	vadd.f32 v14, v7;
	v8 =	vld [tilespmem:s13+$0x2550]  }
0x8b: {  	s16 =	sadd.s32 $0x200, s16;
	v12 =	vadd.f32 v15, v12;
	v7 =	vld [tilespmem:s13+$0x2560]  }
0x8c: {  	v13 =	vmax.f32 v13, $0.0e+00;
	v6 =	vadd.f32 v6, v11;
	v11 =	vld [tilespmem:s13+$0x2570]  }
0x8d: {  	[tilespmem:s13+$0x2500] =	vst v13;
	v12 =	vmax.f32 v12, $0.0e+00;
	v5 =	vadd.f32 v5, v10  }
0x8e: {  	[tilespmem:s13+$0x2510] =	vst v12;
	v6 =	vmax.f32 v6, $0.0e+00;
	v4 =	vadd.f32 v4, v9  }
0x8f: {  	[tilespmem:s13+$0x2520] =	vst v6;
	v5 =	vmax.f32 v5, $0.0e+00;
	v3 =	vadd.f32 v3, v8  }
0x90: {  	[tilespmem:s13+$0x2530] =	vst v5;
	v4 =	vmax.f32 v4, $0.0e+00;
	v2 =	vadd.f32 v2, v7  }
0x91: {  	[tilespmem:s13+$0x2540] =	vst v4;
	v3 =	vmax.f32 v3, $0.0e+00;
	v1 =	vadd.f32 v1, v11  }
0x92: {  	[tilespmem:s13+$0x2550] =	vst v3;
	v2 =	vmax.f32 v2, $0.0e+00  }
0x93: {  	[tilespmem:s13+$0x2560] =	vst v2;
	v1 =	vmax.f32 v1, $0.0e+00  }
0x94: {  	s5 =	simm.s32 $0x80;
	s16 =	rddreg [dreg:$0xf];
	[tilespmem:s13+$0x2570] =	vst v1;
	s13 =	sshll.u32 s15, $0x4  }
0x95: {  	[spmem:s2] =	stream.indirect.scatter.add.f32 [tilespmem:s31], [sflag:$0xC], $0x80, s5, s23, $0xb8;
	[tilespmem:$0x19D80] =	vst v63  }
0x96: {  	p0 =	seq.s32 s12, $0x26;
	s5 =	sadd.s32 s13, s16  }
0x97: {  	[tilespmem:s17], [sflag:$0xB] =	stream.linear.gather [hbm4b:s5+s4], $0x2000, $0x38;
	[tilespmem:$0x19D80] =	vst v63  }
0x98: {  	s15 =	sshrl.u32 @!p0 s15, $0x3;
	_ =	swait.ge [sflag:s9], $0x2000  }
0x99: {  	s5 =	sadd.s32 @!p0 $0x20, s15;
	[sflag:s9] =	ssyncset.done $0x0  }
0x9a: {  	s22 =	simm.s32 @!p0 $0x0;
	s16 =	sadd.s32 @!p0 s6, s5;
	[sflag:s9] =	ssyncadd.s32 $0xFFFFE000  }
0x9b: {  	[tilespmem:s22], [sflag:$0x1] =	stream.linear.gather @!p0 [hbm4b:s16+s22], $0x40, $0x38;
	[tilespmem:$0x19D80] =	vst v63  }
0x9c: {  	s5 =	sadd.s32 @!p0 s8, s5;
	s16 =	simm.s32 @!p0 $0x80  }
0x9d: {  	[tilespmem:s16], [sflag:$0x2] =	stream.linear.gather @!p0 [hbm4b:s5+s22], $0x40, $0x38;
	[tilespmem:$0x19D80] =	vst v63  }
0x9e: {  	_ =	swait.ge [sflag:s10], $0x40  }
0x9f: {  	[sflag:s10] =	ssyncset.done $0x0  }
0xa0: {  	[sflag:s10] =	ssyncadd.s32 $0xFFFFFFC0  }
0xa1: {  	_ =	swait.ge [sflag:s26], $0x40  }
0xa2: {  	[sflag:s26] =	ssyncset.done $0x0  }
0xa3: {  	s22 =	simm.s32 $0x200;
	[sflag:s26] =	ssyncadd.s32 $0xFFFFFFC0  }
0xa4: {  	[tilespmem:s31], [sflag:$0x9] =	stream.indirect.gather [hbm4b:s1+s23], $0x80, s22, s23, $0xb8;
	[tilespmem:$0x19D80] =	vst v63  }
0xa5: {  	_ =	swait.ge [sflag:s18], $0x2000  }
0xa6: {  	[sflag:s18] =	ssyncset.done $0x0  }
0xa7: {  	[sflag:s18] =	ssyncadd.s32 $0xFFFFE000  }
0xa8: {  	_ =	swait.ge [sflag:s29], $0x2000  }
0xa9: {  	[sflag:s29] =	ssyncset.done $0x0  }
0xaa: {  	s16 =	simm.s32 $0x0;
	[sflag:s29] =	ssyncadd.s32 $0xFFFFE000  }
0xab: {  	v7 =	vld [tilespmem:s16+$0x500]  }
0xac: {  	v12 =	vld [tilespmem:s16+$0x510]  }
0xad: {  	v6 =	vld [tilespmem:s16+$0x520]  }
0xae: {  	v5 =	vld [tilespmem:s16+$0x530]  }
0xaf: {  	v4 =	vld [tilespmem:s16+$0x540]  }
0xb0: {  	v3 =	vld [tilespmem:s16+$0x550]  }
0xb1: {  	v2 =	vld [tilespmem:s16+$0x560]  }
0xb2: {  	v1 =	vld [tilespmem:s16+$0x570]  }
0xb3: {  	v13 =	vld [tilespmem:s16+$0x4500]  }
0xb4: {  	v14 =	vld [tilespmem:s16+$0x4510]  }
0xb5: {  	v11 =	vld [tilespmem:s16+$0x4520]  }
0xb6: {  	v10 =	vld [tilespmem:s16+$0x4530]  }
0xb7: {  	v9 =	vld [tilespmem:s16+$0x4540]  }
0xb8: {  	v8 =	vld [tilespmem:s16+$0x4550];
	v13 =	vadd.f32 v7, v13  }
0xb9: {  	s5 =	simm.s32 $0x200;
	v12 =	vadd.f32 v12, v14;
	v7 =	vld [tilespmem:s16+$0x4560]  }
.LBB2_9:
0xba: {  	s22 =	sshra.s32 s5, $0x2;
	p1 =	sne.s32 s5, $0x7E00;
	v13 =	vmax.f32 v13, $0.0e+00;
	v6 =	vadd.f32 v6, v11;
	v11 =	vld [tilespmem:s16+$0x4570]  }
0xbb: {  	v14 =	vld [tilespmem:s22+$0x500];
	[tilespmem:s16+$0x4500] =	vst v13;
	v12 =	vmax.f32 v12, $0.0e+00;
	v5 =	vadd.f32 v5, v10  }
0xbc: {  	v15 =	vld [tilespmem:s22+$0x510];
	[tilespmem:s16+$0x4510] =	vst v12;
	v10 =	vmax.f32 v6, $0.0e+00;
	v4 =	vadd.f32 v4, v9  }
0xbd: {  	v6 =	vld [tilespmem:s22+$0x520];
	[tilespmem:s16+$0x4520] =	vst v10;
	v9 =	vmax.f32 v5, $0.0e+00;
	v3 =	vadd.f32 v3, v8  }
0xbe: {  	v5 =	vld [tilespmem:s22+$0x530];
	[tilespmem:s16+$0x4530] =	vst v9;
	v8 =	vmax.f32 v4, $0.0e+00;
	v2 =	vadd.f32 v2, v7  }
0xbf: {  	v4 =	vld [tilespmem:s22+$0x540];
	[tilespmem:s16+$0x4540] =	vst v8;
	v7 =	vmax.f32 v3, $0.0e+00;
	v1 =	vadd.f32 v1, v11  }
0xc0: {  	v3 =	vld [tilespmem:s22+$0x550];
	[tilespmem:s16+$0x4550] =	vst v7;
	v7 =	vmax.f32 v2, $0.0e+00  }
0xc1: {  	v2 =	vld [tilespmem:s22+$0x560];
	[tilespmem:s16+$0x4560] =	vst v7;
	v7 =	vmax.f32 v1, $0.0e+00  }
0xc2: {  	v1 =	vld [tilespmem:s22+$0x570];
	[tilespmem:s16+$0x4570] =	vst v7;
	s16 =	smov.u32 s22  }
0xc3: {  	v7 =	vld [tilespmem:s16+$0x4500]  }
0xc4: {  	v12 =	vld [tilespmem:s16+$0x4510]  }
.Ltmp4:
0xc5: {  	v11 =	vld [tilespmem:s16+$0x4520];
	(pc) =	sbr.rel @p1 .LBB2_9-.Ltmp4, $4  }
0xc6: {  	v10 =	vld [tilespmem:s16+$0x4530]  }
0xc7: {  	v9 =	vld [tilespmem:s16+$0x4540]  }
0xc8: {  	v13 =	vadd.f32 v14, v7;
	v8 =	vld [tilespmem:s16+$0x4550]  }
0xc9: {  	s5 =	sadd.s32 $0x200, s5;
	v12 =	vadd.f32 v15, v12;
	v7 =	vld [tilespmem:s16+$0x4560]  }
0xca: {  	v13 =	vmax.f32 v13, $0.0e+00;
	v6 =	vadd.f32 v6, v11;
	v11 =	vld [tilespmem:s16+$0x4570]  }
0xcb: {  	[tilespmem:s16+$0x4500] =	vst v13;
	v12 =	vmax.f32 v12, $0.0e+00;
	v5 =	vadd.f32 v5, v10  }
0xcc: {  	[tilespmem:s16+$0x4510] =	vst v12;
	v6 =	vmax.f32 v6, $0.0e+00;
	v4 =	vadd.f32 v4, v9  }
0xcd: {  	[tilespmem:s16+$0x4520] =	vst v6;
	v5 =	vmax.f32 v5, $0.0e+00;
	v3 =	vadd.f32 v3, v8  }
0xce: {  	[tilespmem:s16+$0x4530] =	vst v5;
	v4 =	vmax.f32 v4, $0.0e+00;
	v2 =	vadd.f32 v2, v7  }
0xcf: {  	[tilespmem:s16+$0x4540] =	vst v4;
	v3 =	vmax.f32 v3, $0.0e+00;
	v1 =	vadd.f32 v1, v11  }
0xd0: {  	[tilespmem:s16+$0x4550] =	vst v3;
	v2 =	vmax.f32 v2, $0.0e+00  }
0xd1: {  	[tilespmem:s16+$0x4560] =	vst v2;
	v1 =	vmax.f32 v1, $0.0e+00  }
0xd2: {  	s5 =	simm.s32 $0x180;
	[tilespmem:s16+$0x4570] =	vst v1;
	s16 =	rddreg [dreg:$0x10]  }
0xd3: {  	[spmem:s2] =	stream.indirect.scatter.add.f32 [tilespmem:s28], [sflag:$0xD], $0x80, s5, s23, $0xb8;
	[tilespmem:$0x19D80] =	vst v63  }
0xd4: {  	s5 =	sadd.s32 s13, s16  }
0xd5: {  	[tilespmem:s17], [sflag:$0xB] =	stream.linear.gather [hbm4b:s5+s4], $0x2000, $0x38;
	[tilespmem:$0x19D80] =	vst v63  }
0xd6: {  	_ =	swait.ge [sflag:s30], $0x2000  }
0xd7: {  	s22 =	simm.s32 @!p0 $0x0;
	s5 =	sadd.s32 @!p0 $0x28, s15;
	[sflag:s30] =	ssyncset.done $0x0  }
0xd8: {  	s7 =	simm.s32 @!p0 $0x100;
	s16 =	sadd.s32 @!p0 s6, s5;
	[sflag:s30] =	ssyncadd.s32 $0xFFFFE000  }
0xd9: {  	[tilespmem:s7], [sflag:$0x3] =	stream.linear.gather @!p0 [hbm4b:s16+s22], $0x40, $0x38;
	[tilespmem:$0x19D80] =	vst v63  }
0xda: {  	s5 =	sadd.s32 @!p0 s8, s5;
	s7 =	simm.s32 @!p0 $0x180  }
0xdb: {  	[tilespmem:s7], [sflag:$0x4] =	stream.linear.gather @!p0 [hbm4b:s5+s22], $0x40, $0x38;
	[tilespmem:$0x19D80] =	vst v63  }
0xdc: {  	_ =	swait.ge [sflag:s3], $0x40  }
0xdd: {  	[sflag:s3] =	ssyncset.done $0x0  }
0xde: {  	[sflag:s3] =	ssyncadd.s32 $0xFFFFFFC0  }
0xdf: {  	_ =	swait.ge [sflag:s11], $0x40  }
0xe0: {  	[sflag:s11] =	ssyncset.done $0x0  }
0xe1: {  	s22 =	simm.s32 $0x300;
	[sflag:s11] =	ssyncadd.s32 $0xFFFFFFC0  }
0xe2: {  	[tilespmem:s28], [sflag:$0xA] =	stream.indirect.gather [hbm4b:s1+s23], $0x80, s22, s23, $0xb8;
	[tilespmem:$0x19D80] =	vst v63  }
0xe3: {  	_ =	swait.ge [sflag:s18], $0x2000  }
0xe4: {  	[sflag:s18] =	ssyncset.done $0x0  }
0xe5: {  	[sflag:s18] =	ssyncadd.s32 $0xFFFFE000  }
0xe6: {  	_ =	swait.ge [sflag:s19], $0x2000  }
0xe7: {  	[sflag:s19] =	ssyncset.done $0x0  }
0xe8: {  	s16 =	simm.s32 $0x0;
	[sflag:s19] =	ssyncadd.s32 $0xFFFFE000  }
0xe9: {  	v7 =	vld [tilespmem:s16+$0x500]  }
0xea: {  	v12 =	vld [tilespmem:s16+$0x510]  }
0xeb: {  	v6 =	vld [tilespmem:s16+$0x520]  }
0xec: {  	v5 =	vld [tilespmem:s16+$0x530]  }
0xed: {  	v4 =	vld [tilespmem:s16+$0x540]  }
0xee: {  	v3 =	vld [tilespmem:s16+$0x550]  }
0xef: {  	v2 =	vld [tilespmem:s16+$0x560]  }
0xf0: {  	v1 =	vld [tilespmem:s16+$0x570]  }
0xf1: {  	v13 =	vld [tilespmem:s16+$0x2500]  }
0xf2: {  	v14 =	vld [tilespmem:s16+$0x2510]  }
0xf3: {  	v11 =	vld [tilespmem:s16+$0x2520]  }
0xf4: {  	v10 =	vld [tilespmem:s16+$0x2530]  }
0xf5: {  	v9 =	vld [tilespmem:s16+$0x2540]  }
0xf6: {  	v8 =	vld [tilespmem:s16+$0x2550];
	v13 =	vadd.f32 v7, v13  }
0xf7: {  	s5 =	simm.s32 $0x200;
	v12 =	vadd.f32 v12, v14;
	v7 =	vld [tilespmem:s16+$0x2560]  }
.LBB2_11:
0xf8: {  	s7 =	sshra.s32 s5, $0x2;
	p1 =	sne.s32 s5, $0x7E00;
	v13 =	vmax.f32 v13, $0.0e+00;
	v6 =	vadd.f32 v6, v11;
	v11 =	vld [tilespmem:s16+$0x2570]  }
0xf9: {  	v14 =	vld [tilespmem:s7+$0x500];
	[tilespmem:s16+$0x2500] =	vst v13;
	v12 =	vmax.f32 v12, $0.0e+00;
	v5 =	vadd.f32 v5, v10  }
0xfa: {  	v15 =	vld [tilespmem:s7+$0x510];
	[tilespmem:s16+$0x2510] =	vst v12;
	v10 =	vmax.f32 v6, $0.0e+00;
	v4 =	vadd.f32 v4, v9  }
0xfb: {  	v6 =	vld [tilespmem:s7+$0x520];
	[tilespmem:s16+$0x2520] =	vst v10;
	v9 =	vmax.f32 v5, $0.0e+00;
	v3 =	vadd.f32 v3, v8  }
0xfc: {  	v5 =	vld [tilespmem:s7+$0x530];
	[tilespmem:s16+$0x2530] =	vst v9;
	v8 =	vmax.f32 v4, $0.0e+00;
	v2 =	vadd.f32 v2, v7  }
0xfd: {  	v4 =	vld [tilespmem:s7+$0x540];
	[tilespmem:s16+$0x2540] =	vst v8;
	v7 =	vmax.f32 v3, $0.0e+00;
	v1 =	vadd.f32 v1, v11  }
0xfe: {  	v3 =	vld [tilespmem:s7+$0x550];
	[tilespmem:s16+$0x2550] =	vst v7;
	v7 =	vmax.f32 v2, $0.0e+00  }
0xff: {  	v2 =	vld [tilespmem:s7+$0x560];
	[tilespmem:s16+$0x2560] =	vst v7;
	v7 =	vmax.f32 v1, $0.0e+00  }
0x100: {  	v1 =	vld [tilespmem:s7+$0x570];
	[tilespmem:s16+$0x2570] =	vst v7;
	s16 =	smov.u32 s7  }
0x101: {  	v7 =	vld [tilespmem:s16+$0x2500]  }
0x102: {  	v12 =	vld [tilespmem:s16+$0x2510]  }
.Ltmp5:
0x103: {  	v11 =	vld [tilespmem:s16+$0x2520];
	(pc) =	sbr.rel @p1 .LBB2_11-.Ltmp5, $4  }
0x104: {  	v10 =	vld [tilespmem:s16+$0x2530]  }
0x105: {  	v9 =	vld [tilespmem:s16+$0x2540]  }
0x106: {  	v13 =	vadd.f32 v14, v7;
	v8 =	vld [tilespmem:s16+$0x2550]  }
0x107: {  	s5 =	sadd.s32 $0x200, s5;
	v12 =	vadd.f32 v15, v12;
	v7 =	vld [tilespmem:s16+$0x2560]  }
0x108: {  	v13 =	vmax.f32 v13, $0.0e+00;
	v6 =	vadd.f32 v6, v11;
	v11 =	vld [tilespmem:s16+$0x2570]  }
0x109: {  	[tilespmem:s16+$0x2500] =	vst v13;
	v12 =	vmax.f32 v12, $0.0e+00;
	v5 =	vadd.f32 v5, v10  }
0x10a: {  	[tilespmem:s16+$0x2510] =	vst v12;
	v6 =	vmax.f32 v6, $0.0e+00;
	v4 =	vadd.f32 v4, v9  }
0x10b: {  	[tilespmem:s16+$0x2520] =	vst v6;
	v5 =	vmax.f32 v5, $0.0e+00;
	v3 =	vadd.f32 v3, v8  }
0x10c: {  	[tilespmem:s16+$0x2530] =	vst v5;
	v4 =	vmax.f32 v4, $0.0e+00;
	v2 =	vadd.f32 v2, v7  }
0x10d: {  	[tilespmem:s16+$0x2540] =	vst v4;
	v3 =	vmax.f32 v3, $0.0e+00;
	v1 =	vadd.f32 v1, v11  }
0x10e: {  	[tilespmem:s16+$0x2550] =	vst v3;
	v2 =	vmax.f32 v2, $0.0e+00  }
0x10f: {  	[tilespmem:s16+$0x2560] =	vst v2;
	v1 =	vmax.f32 v1, $0.0e+00  }
0x110: {  	s5 =	simm.s32 $0x280;
	s22 =	sshll.u32 s14, $0x4;
	[tilespmem:s16+$0x2570] =	vst v1  }
0x111: {  	[spmem:s2] =	stream.indirect.scatter.add.f32 [tilespmem:s31], [sflag:$0xC], $0x80, s5, s23, $0xb8;
	[tilespmem:$0x19D80] =	vst v63  }
0x112: {  	s5 =	sadd.s32 s20, s22  }
0x113: {  	[tilespmem:s17], [sflag:$0xB] =	stream.linear.gather [hbm4b:s5+s4], $0x2000, $0x38;
	[tilespmem:$0x19D80] =	vst v63  }
0x114: {  	_ =	swait.ge [sflag:s9], $0x2000  }
0x115: {  	s14 =	simm.s32 @!p0 $0x0;
	s5 =	sadd.s32 @!p0 $0x30, s15;
	[sflag:s9] =	ssyncset.done $0x0  }
0x116: {  	s15 =	simm.s32 @!p0 $0x200;
	s7 =	sadd.s32 @!p0 s6, s5;
	[sflag:s9] =	ssyncadd.s32 $0xFFFFE000  }
0x117: {  	[tilespmem:s15], [sflag:$0x5] =	stream.linear.gather @!p0 [hbm4b:s7+s14], $0x40, $0x38;
	[tilespmem:$0x19D80] =	vst v63  }
0x118: {  	s5 =	sadd.s32 @!p0 s8, s5;
	s7 =	simm.s32 @!p0 $0x280  }
0x119: {  	[tilespmem:s7], [sflag:$0x6] =	stream.linear.gather @!p0 [hbm4b:s5+s14], $0x40, $0x38;
	[tilespmem:$0x19D80] =	vst v63  }
0x11a: {  	s5 =	simm.s32 @!p0 $0x1  }
0x11b: {  	_ =	swait.ge @!p0 [sflag:s5], $0x40  }
0x11c: {  	[sflag:s5] =	ssyncset.done @!p0 $0x0  }
0x11d: {  	[sflag:s5] =	ssyncadd.s32 @!p0 $0xFFFFFFC0;
	s5 =	simm.s32 @!p0 $0x2  }
0x11e: {  	_ =	swait.ge @!p0 [sflag:s5], $0x40  }
0x11f: {  	[sflag:s5] =	ssyncset.done @!p0 $0x0  }
0x120: {  	s7 =	simm.s32 @!p0 $0x2500;
	[sflag:s5] =	ssyncadd.s32 @!p0 $0xFFFFFFC0;
	s5 =	simm.s32 @!p0 $0x40  }
0x121: {  	[tilespmem:s7], [sflag:$0x9] =	stream.indirect.gather @!p0 [hbm4b:s1+s5], $0x80, s14, s5, $0xb8;
	[tilespmem:$0x19D80] =	vst v63  }
0x122: {  	_ =	swait.ge [sflag:s18], $0x2000  }
0x123: {  	[sflag:s18] =	ssyncset.done $0x0  }
0x124: {  	[sflag:s18] =	ssyncadd.s32 $0xFFFFE000  }
0x125: {  	_ =	swait.ge [sflag:s29], $0x2000  }
0x126: {  	[sflag:s29] =	ssyncset.done $0x0  }
0x127: {  	s14 =	simm.s32 $0x0;
	[sflag:s29] =	ssyncadd.s32 $0xFFFFE000  }
0x128: {  	v7 =	vld [tilespmem:s14+$0x500]  }
0x129: {  	v12 =	vld [tilespmem:s14+$0x510]  }
0x12a: {  	v6 =	vld [tilespmem:s14+$0x520]  }
0x12b: {  	v5 =	vld [tilespmem:s14+$0x530]  }
0x12c: {  	v4 =	vld [tilespmem:s14+$0x540]  }
0x12d: {  	v3 =	vld [tilespmem:s14+$0x550]  }
0x12e: {  	v2 =	vld [tilespmem:s14+$0x560]  }
0x12f: {  	v1 =	vld [tilespmem:s14+$0x570]  }
0x130: {  	v13 =	vld [tilespmem:s14+$0x4500]  }
0x131: {  	v14 =	vld [tilespmem:s14+$0x4510]  }
0x132: {  	v11 =	vld [tilespmem:s14+$0x4520]  }
0x133: {  	v10 =	vld [tilespmem:s14+$0x4530]  }
0x134: {  	v9 =	vld [tilespmem:s14+$0x4540]  }
0x135: {  	v8 =	vld [tilespmem:s14+$0x4550];
	v13 =	vadd.f32 v7, v13  }
0x136: {  	s5 =	simm.s32 $0x200;
	v12 =	vadd.f32 v12, v14;
	v7 =	vld [tilespmem:s14+$0x4560]  }
.LBB2_13:
0x137: {  	s7 =	sshra.s32 s5, $0x2;
	p1 =	sne.s32 s5, $0x7E00;
	v13 =	vmax.f32 v13, $0.0e+00;
	v6 =	vadd.f32 v6, v11;
	v11 =	vld [tilespmem:s14+$0x4570]  }
0x138: {  	v14 =	vld [tilespmem:s7+$0x500];
	[tilespmem:s14+$0x4500] =	vst v13;
	v12 =	vmax.f32 v12, $0.0e+00;
	v5 =	vadd.f32 v5, v10  }
0x139: {  	v15 =	vld [tilespmem:s7+$0x510];
	[tilespmem:s14+$0x4510] =	vst v12;
	v10 =	vmax.f32 v6, $0.0e+00;
	v4 =	vadd.f32 v4, v9  }
0x13a: {  	v6 =	vld [tilespmem:s7+$0x520];
	[tilespmem:s14+$0x4520] =	vst v10;
	v9 =	vmax.f32 v5, $0.0e+00;
	v3 =	vadd.f32 v3, v8  }
0x13b: {  	v5 =	vld [tilespmem:s7+$0x530];
	[tilespmem:s14+$0x4530] =	vst v9;
	v8 =	vmax.f32 v4, $0.0e+00;
	v2 =	vadd.f32 v2, v7  }
0x13c: {  	v4 =	vld [tilespmem:s7+$0x540];
	[tilespmem:s14+$0x4540] =	vst v8;
	v7 =	vmax.f32 v3, $0.0e+00;
	v1 =	vadd.f32 v1, v11  }
0x13d: {  	v3 =	vld [tilespmem:s7+$0x550];
	[tilespmem:s14+$0x4550] =	vst v7;
	v7 =	vmax.f32 v2, $0.0e+00  }
0x13e: {  	v2 =	vld [tilespmem:s7+$0x560];
	[tilespmem:s14+$0x4560] =	vst v7;
	v7 =	vmax.f32 v1, $0.0e+00  }
0x13f: {  	v1 =	vld [tilespmem:s7+$0x570];
	[tilespmem:s14+$0x4570] =	vst v7;
	s14 =	smov.u32 s7  }
0x140: {  	v7 =	vld [tilespmem:s14+$0x4500]  }
0x141: {  	v12 =	vld [tilespmem:s14+$0x4510]  }
.Ltmp6:
0x142: {  	v11 =	vld [tilespmem:s14+$0x4520];
	(pc) =	sbr.rel @p1 .LBB2_13-.Ltmp6, $4  }
0x143: {  	v10 =	vld [tilespmem:s14+$0x4530]  }
0x144: {  	v9 =	vld [tilespmem:s14+$0x4540]  }
0x145: {  	v13 =	vadd.f32 v14, v7;
	v8 =	vld [tilespmem:s14+$0x4550]  }
0x146: {  	s5 =	sadd.s32 $0x200, s5;
	v12 =	vadd.f32 v15, v12;
	v7 =	vld [tilespmem:s14+$0x4560]  }
0x147: {  	v13 =	vmax.f32 v13, $0.0e+00;
	v6 =	vadd.f32 v6, v11;
	v63 =	vld [tilespmem:s14+$0x4570]  }
0x148: {  	[tilespmem:s14+$0x4500] =	vst v13;
	v12 =	vmax.f32 v12, $0.0e+00;
	v5 =	vadd.f32 v5, v10  }
0x149: {  	[tilespmem:s14+$0x4510] =	vst v12;
	v6 =	vmax.f32 v6, $0.0e+00;
	v4 =	vadd.f32 v4, v9  }
0x14a: {  	[tilespmem:s14+$0x4520] =	vst v6;
	v5 =	vmax.f32 v5, $0.0e+00;
	v3 =	vadd.f32 v3, v8  }
0x14b: {  	[tilespmem:s14+$0x4530] =	vst v5;
	v4 =	vmax.f32 v4, $0.0e+00;
	v2 =	vadd.f32 v2, v7  }
.Ltmp7:
0x14c: {  	[tilespmem:s14+$0x4540] =	vst v4;
	v3 =	vmax.f32 v3, $0.0e+00;
	v1 =	vadd.f32 v1, v63;
	(pc) =	sbr.rel @p0 .LBB2_16-.Ltmp7, $4  }
0x14d: {  	[tilespmem:s14+$0x4550] =	vst v3;
	v2 =	vmax.f32 v2, $0.0e+00  }
0x14e: {  	[tilespmem:s14+$0x4560] =	vst v2;
	v1 =	vmax.f32 v1, $0.0e+00  }
0x14f: {  	s5 =	simm.s32 $0x380;
	[tilespmem:s14+$0x4570] =	vst v1  }
0x150: {  	[spmem:s2] =	stream.indirect.scatter.add.f32 [tilespmem:s28], [sflag:$0xD], $0x80, s5, s23, $0xb8;
	[tilespmem:$0x19D80] =	vst v63  }
.Ltmp8:
0x151: {  	(pc) =	sbr.rel .LBB2_6-.Ltmp8, $4  }
0x152: {  	_ = 	snop  }
0x153: {  	s5 =	rddreg [dreg:$0x11]  }
0x154: {  	s12 =	sadd.s32 $0x1, s12;
	s5 =	sadd.s32 s13, s5  }
0x155: {  	[tilespmem:s17], [sflag:$0xB] =	stream.linear.gather [hbm4b:s5+s4], $0x2000, $0x38;
	[tilespmem:$0x19D80] =	vst v63  }
.LBB2_16:
0x156: {  	s5 =	simm.s32 $0x0;
	s7 =	rddreg [dreg:$0x12];
	s12 =	simm.s32 $0x400  }
0x157: {  	[tilespmem:s12], [sflag:$0xE] =	stream.linear.gather [hbm4b:s7+s5], $0x10, $0x38;
	[tilespmem:$0x19D80] =	vst v63  }
0x158: {  	_ =	swait.ge [sflag:s0], $0x10  }
0x159: {  	[sflag:s0] =	ssyncset.done $0x0  }
0x15a: {  	s13 =	simm.s32 $0x480;
	s16 =	rddreg [dreg:$0x13];
	[sflag:s0] =	ssyncadd.s32 $0xFFFFFFF0  }
0x15b: {  	[tilespmem:s13], [sflag:$0xE] =	stream.linear.gather [hbm4b:s16+s5], $0x10, $0x38;
	[tilespmem:$0x19D80] =	vst v63  }
0x15c: {  	_ =	swait.ge [sflag:s0], $0x10  }
0x15d: {  	[sflag:s0] =	ssyncset.done $0x0  }
0x15e: {  	s22 =	rddreg [dreg:$0x14];
	[sflag:s0] =	ssyncadd.s32 $0xFFFFFFF0  }
0x15f: {  	[tilespmem:s17], [sflag:$0xE] =	stream.linear.gather [hbm4b:s22+s5], $0x800, $0x38;
	[tilespmem:$0x19D80] =	vst v63  }
0x160: {  	_ =	swait.ge [sflag:s0], $0x800  }
0x161: {  	[sflag:s0] =	ssyncset.done $0x0  }
0x162: {  	s14 =	simm.s32 $0x10;
	[sflag:s0] =	ssyncadd.s32 $0xFFFFF800  }
0x163: {  	[tilespmem:s31], [sflag:$0x9] =	stream.indirect.gather [hbm4b:s1+s14], $0x80, s12, s14, $0xb8;
	[tilespmem:$0x19D80] =	vst v63  }
0x164: {  	_ =	swait.ge [sflag:s19], $0x800  }
0x165: {  	[sflag:s19] =	ssyncset.done $0x0  }
0x166: {  	s12 =	simm.s32 $0x0;
	[sflag:s19] =	ssyncadd.s32 $0xFFFFF800  }
0x167: {  	v7 =	vld [tilespmem:s12+$0x500]  }
0x168: {  	v12 =	vld [tilespmem:s12+$0x510]  }
0x169: {  	v6 =	vld [tilespmem:s12+$0x520]  }
0x16a: {  	v5 =	vld [tilespmem:s12+$0x530]  }
0x16b: {  	v4 =	vld [tilespmem:s12+$0x540]  }
0x16c: {  	v3 =	vld [tilespmem:s12+$0x550]  }
0x16d: {  	v2 =	vld [tilespmem:s12+$0x560]  }
0x16e: {  	v1 =	vld [tilespmem:s12+$0x570]  }
0x16f: {  	v13 =	vld [tilespmem:s12+$0x2500]  }
0x170: {  	v14 =	vld [tilespmem:s12+$0x2510]  }
0x171: {  	v11 =	vld [tilespmem:s12+$0x2520]  }
0x172: {  	v10 =	vld [tilespmem:s12+$0x2530]  }
0x173: {  	v9 =	vld [tilespmem:s12+$0x2540]  }
0x174: {  	v8 =	vld [tilespmem:s12+$0x2550];
	v13 =	vadd.f32 v7, v13  }
0x175: {  	s5 =	simm.s32 $0x200;
	v12 =	vadd.f32 v12, v14;
	v7 =	vld [tilespmem:s12+$0x2560]  }
.LBB2_17:
0x176: {  	s7 =	sshra.s32 s5, $0x2;
	p0 =	sne.s32 s5, $0x1E00;
	v13 =	vmax.f32 v13, $0.0e+00;
	v6 =	vadd.f32 v6, v11;
	v11 =	vld [tilespmem:s12+$0x2570]  }
0x177: {  	v14 =	vld [tilespmem:s7+$0x500];
	[tilespmem:s12+$0x2500] =	vst v13;
	v12 =	vmax.f32 v12, $0.0e+00;
	v5 =	vadd.f32 v5, v10  }
0x178: {  	v15 =	vld [tilespmem:s7+$0x510];
	[tilespmem:s12+$0x2510] =	vst v12;
	v10 =	vmax.f32 v6, $0.0e+00;
	v4 =	vadd.f32 v4, v9  }
0x179: {  	v6 =	vld [tilespmem:s7+$0x520];
	[tilespmem:s12+$0x2520] =	vst v10;
	v9 =	vmax.f32 v5, $0.0e+00;
	v3 =	vadd.f32 v3, v8  }
0x17a: {  	v5 =	vld [tilespmem:s7+$0x530];
	[tilespmem:s12+$0x2530] =	vst v9;
	v8 =	vmax.f32 v4, $0.0e+00;
	v2 =	vadd.f32 v2, v7  }
0x17b: {  	v4 =	vld [tilespmem:s7+$0x540];
	[tilespmem:s12+$0x2540] =	vst v8;
	v7 =	vmax.f32 v3, $0.0e+00;
	v1 =	vadd.f32 v1, v11  }
0x17c: {  	v3 =	vld [tilespmem:s7+$0x550];
	[tilespmem:s12+$0x2550] =	vst v7;
	v7 =	vmax.f32 v2, $0.0e+00  }
0x17d: {  	v2 =	vld [tilespmem:s7+$0x560];
	[tilespmem:s12+$0x2560] =	vst v7;
	v7 =	vmax.f32 v1, $0.0e+00  }
0x17e: {  	v1 =	vld [tilespmem:s7+$0x570];
	[tilespmem:s12+$0x2570] =	vst v7;
	s12 =	smov.u32 s7  }
0x17f: {  	v7 =	vld [tilespmem:s12+$0x2500]  }
0x180: {  	v12 =	vld [tilespmem:s12+$0x2510]  }
.Ltmp9:
0x181: {  	v11 =	vld [tilespmem:s12+$0x2520];
	(pc) =	sbr.rel @p0 .LBB2_17-.Ltmp9, $4  }
0x182: {  	v10 =	vld [tilespmem:s12+$0x2530]  }
0x183: {  	v9 =	vld [tilespmem:s12+$0x2540]  }
0x184: {  	v13 =	vadd.f32 v14, v7;
	v8 =	vld [tilespmem:s12+$0x2550]  }
0x185: {  	s5 =	sadd.s32 $0x200, s5;
	v12 =	vadd.f32 v15, v12;
	v7 =	vld [tilespmem:s12+$0x2560]  }
0x186: {  	v13 =	vmax.f32 v13, $0.0e+00;
	v6 =	vadd.f32 v6, v11;
	v63 =	vld [tilespmem:s12+$0x2570]  }
0x187: {  	[tilespmem:s12+$0x2500] =	vst v13;
	v12 =	vmax.f32 v12, $0.0e+00;
	v5 =	vadd.f32 v5, v10  }
0x188: {  	[tilespmem:s12+$0x2510] =	vst v12;
	v6 =	vmax.f32 v6, $0.0e+00;
	v4 =	vadd.f32 v4, v9  }
0x189: {  	[tilespmem:s12+$0x2520] =	vst v6;
	v5 =	vmax.f32 v5, $0.0e+00;
	v3 =	vadd.f32 v3, v8  }
0x18a: {  	[tilespmem:s12+$0x2530] =	vst v5;
	v4 =	vmax.f32 v4, $0.0e+00;
	v2 =	vadd.f32 v2, v7  }
0x18b: {  	[tilespmem:s12+$0x2540] =	vst v4;
	v3 =	vmax.f32 v3, $0.0e+00;
	v1 =	vadd.f32 v1, v63  }
0x18c: {  	[tilespmem:s12+$0x2550] =	vst v3;
	v2 =	vmax.f32 v2, $0.0e+00  }
0x18d: {  	[tilespmem:s12+$0x2560] =	vst v2;
	v1 =	vmax.f32 v1, $0.0e+00  }
0x18e: {  	[tilespmem:s12+$0x2570] =	vst v1  }
0x18f: {  	[spmem:s2] =	stream.indirect.scatter.add.f32 [tilespmem:s31], [sflag:$0xC], $0x80, s13, s14, $0xb8;
	[tilespmem:$0x19D80] =	vst v63  }
0x190: {  	_ =	swait.ge [sflag:s30], $0x2000  }
0x191: {  	[sflag:s30] =	ssyncset.done $0x0  }
0x192: {  	[sflag:s30] =	ssyncadd.s32 $0xFFFFE000  }
0x193: {  	_ =	swait.ge [sflag:s9], $0x800  }
0x194: {  	[sflag:s9] =	ssyncset.done $0x0  }
0x195: {  	[sflag:s9] =	ssyncadd.s32 $0xFFFFF800  }
0x196: {  	[bflag:$0x0] =	sbarrier.arrive $0xFFFF  }
0x197: {  	s12 =	rddreg [dreg:$0x17]  }
0x198: {  	[tilespmem:s31], [sflag:$0xE] =	stream.linear.gather [spmem:s12], $0x2800, $0x38;
	[tilespmem:$0x19D80] =	vst v63  }
0x199: {  	_ =	swait.ge [sflag:s0], $0x2800  }
0x19a: {  	s5 =	rddreg [dreg:$0x15]  }
0x19b: {  	p0 =	sne.s32 s5, $0x1  }
.Ltmp10:
0x19c: {  	[sflag:s0] =	ssyncset.done $0x0;
	(pc) =	sbr.rel @!p0 .LBB2_20-.Ltmp10, $4  }
0x19d: {  	s13 =	rddreg [dreg:$0x18];
	[sflag:s0] =	ssyncadd.s32 $0xFFFFD800  }
0x19e: {  	[hbm4b:s13+s4] =	stream.linear.scatter [tilespmem:s31], [sflag:$0xE], $0x2800, $0x38;
	[tilespmem:$0x19D80] =	vst v63  }
0x19f: {  	_ =	swait.ge [sflag:s0], $0x2800  }
0x1a0: {  	s5 =	sadd.s32 $0xFFFFFFFF, s5;
	[sflag:s0] =	ssyncset.done $0x0  }
.LBB2_19:
0x1a1: {  	[sflag:s0] =	ssyncadd.s32 $0xFFFFD800;
	s12 =	sadd.s32 $0x28000, s12;
	s13 =	sadd.s32 $0x5000, s13  }
0x1a2: {  	[tilespmem:s31], [sflag:$0xE] =	stream.linear.gather [spmem:s12], $0x2800, $0x38;
	[tilespmem:$0x19D80] =	vst v63  }
0x1a3: {  	p0 =	sne.s32 s5, $0x1;
	s5 =	sadd.s32 $0xFFFFFFFF, s5;
	_ =	swait.ge [sflag:s0], $0x2800  }
.Ltmp11:
0x1a4: {  	[sflag:s0] =	ssyncset.done $0x0;
	(pc) =	sbr.rel @p0 .LBB2_19-.Ltmp11, $4  }
0x1a5: {  	[sflag:s0] =	ssyncadd.s32 $0xFFFFD800  }
0x1a6: {  	[hbm4b:s13+s4] =	stream.linear.scatter [tilespmem:s31], [sflag:$0xE], $0x2800, $0x38;
	[tilespmem:$0x19D80] =	vst v63  }
0x1a7: {  	_ =	swait.ge [sflag:s0], $0x2800  }
0x1a8: {  	[sflag:s0] =	ssyncset.done $0x0  }
.LBB2_20:
0x1a9: {  	s7 =	rddreg [dreg:$0x19]  }
0x1aa: {  	s5 =	rddreg [dreg:$0x16];
	s7 =	sadd.s32 $0x1, s7  }
0x1ab: {  	p0 =	sne.s32 s7, s5  }
.Ltmp12:
0x1ac: {  	_ = 	snop;
	(pc) =	sbr.rel @p0 .LBB2_1-.Ltmp12, $2  }
0x1ad: {  	_ =	sdelay $0x2  }
0x1ae: {  	[sflag:s0] =	ssyncadd.s32 $0xFFFFD800  }
0x1af: {  	_ =	sfence.sel $0x180000  }
0x1b0: {  	[bflag:$0x0] =	sbarrier.arrive $0xFFFF  }
0x1b1: {  	_ =	strace $0x9000004A  }
0x1b2: {  	s0 =	stileid.u32;
	[bflag:$0x2] =	sbarrier.arrive $0xFFFF  }
0x1b3: {  	p0 =	sne.s32 s0, $0x0;
	s0 =	rddreg [dreg:$0x3]  }
0x1b4: {  	s0 =	sadd.s32 @!p0 $0x100000, s0  }
0x1b5: {  	[sflag:s0] =	ssyncadd.tile.s32 @!p0 $0x1;
	_ =	shalt  }
.Lfunc_end2:
_tile_overlayer_lowered:
.L_overlay_start_2:
0x1b6: {  	(tag) =	ssettag $0x2  }
0x1b7: {  	s0 =	rddreg [dreg:$0x0];
	s2 =	stileid.u32  }
0x1b8: {  	s1 =	rddreg [dreg:$0x1];
	p0 =	sne.s32 s2, $0x0  }
0x1b9: {  	s3 =	rddreg [dreg:$0x2];
	[bflag:$0x3] =	sbarrier.arrive $0xFFFF;
	s2 =	simm.s32 @!p0 $0x1C0E  }
0x1ba: {  	[timem:s3], [sflag:s2] =	dma.local @!p0 [hbm:s0], s1  }
0x1bb: {  	s0 =	simm.s32 @!p0 $0xE  }
0x1bc: {  	_ =	swait.ge @!p0 [sflag:s0], s1  }
0x1bd: {  	s1 =	ssub.s32 @!p0 $0x0, s1;
	[sflag:s0] =	ssyncset.done @!p0 $0x0  }
0x1be: {  	[sflag:s0] =	ssyncadd.s32 @!p0 s1  }
0x1bf: {  	[bflag:$0x3] =	sbarrier.arrive $0xFFFF  }
0x1c0: {  	_ =	shalt  }

// kernel: kernel.7.cloned.1.call-start
scs
__scs_entry_jumppad:
0x0: {  	(pc) =	sbr.rel $0x88, $3  }
0x1: {  	(tag) =	ssettag $0x0;
	lr =	simm.s32 $0x1  }
0x2: {  	[smem:$0x3F96] =	sst lr;
	_ =	strace $0xD0000000  }
0x3: {  	_ = 	snop  }
0x4: {  	_ = 	snop  }
0x5: {  	_ = 	snop  }
0x6: {  	_ = 	snop  }
0x7: {  	_ = 	snop  }
__scs_overlays_trampoline_lowered:
0x8: {  	[smem:$0x3FA5] =	sst s0  }
0x9: {  	[smem:$0x3FA6] =	sst s1  }
0xa: {  	[smem:$0x3FA7] =	sst s2  }
0xb: {  	[smem:$0x3FA8] =	sst s3  }
0xc: {  	[smem:$0x3FA9] =	sst s4  }
0xd: {  	[smem:$0x3FAA] =	sst s5  }
0xe: {  	[smem:$0x3FAB] =	sst s6  }
0xf: {  	[smem:$0x3FAC] =	sst s7  }
0x10: {  	[smem:$0x3FAD] =	sst s8  }
0x11: {  	[smem:$0x3FAE] =	sst s9;
	s0 =	simm.s32 @!p0 $0x0  }
0x12: {  	s1 =	sld [smem:$0x3F94];
	s0 =	simm.s32 @p0 $0x1  }
0x13: {  	[smem:$0x3FAF] =	sst s0;
	s0 =	simm.s32 @!p1 $0x0  }
0x14: {  	s2 =	sld [smem:$0x3F93];
	s0 =	simm.s32 @p1 $0x1  }
0x15: {  	[smem:$0x3FB0] =	sst s0;
	s0 =	simm.s32 @!p2 $0x0  }
0x16: {  	s3 =	sld [smem:$0x3FDB];
	s0 =	simm.s32 @p2 $0x1  }
0x17: {  	s4 =	simm.s32 $0x1BF5;
	[smem:$0x3FB2] =	sst s0  }
0x18: {  	s0 =	sld [smem:$0x3F95];
	_ =	swait.ge [sflag:s4], $0x0  }
0x19: {  	s7 =	sld [smem:$0x3F96]  }
0x1a: {  	s8 =	sadd.s32 $0xFFFFE003, lr  }
0x1b: {  	s9 =	sadd.s32 $0xFFFFFEF7, lr;
	s5 =	simm.s32 $0xFFFFFFFF;
	p2 =	slt.u32 s8, $0xFFFFF086  }
0x1c: {  	p1 =	slt.u32 s9, $0xF7A;
	s5 =	simm.s32 @!p2 $0x0  }
0x1d: {  	s5 =	simm.s32 @p1 $0x1;
	p0 =	seq.s32 s7, s2  }
0x1e: {  	s7 =	smul.u32 @!p0 $0xF7A, s2;
	p2 =	seq.s32 @!p0 s5, $0x0  }
0x1f: {  	s9 =	smul.u32 $0xF7A, s1;
	s8 =	simm.s32 @!p0 $0x1BF5;
	p2 =	por !p2, p0  }
0x20: {  	[sflag:s8] =	ssyncset.s32 @!p0 $0xFFFFF086;
	s6 =	sadd.s32 @!p0 s3, s7;
	s7 =	simm.s32 @!p0 $0x108  }
0x21: {  	s3 =	sadd.s32 s3, s9;
	s6 =	sadd.s32 @!p0 $0x88, s6;
	s7 =	simm.s32 @p2 $0x1082  }
0x22: {  	[simem:s7], [sflag:s8] =	dma.local @!p0 [hbm:s6], $0xF7A  }
0x23: {  	s9 =	sor.u32 $0xD0000000, s2;
	s6 =	simm.s32 $0x108;
	_ =	swait.ge @!p0 [sflag:s8], $0x0  }
0x24: {  	s3 =	sadd.s32 $0x88, s3;
	s6 =	simm.s32 @!p1 $0x1082;
	[sflag:s4] =	ssyncset.s32 $0xFFFFF086  }
0x25: {  	[simem:s6], [sflag:s4] =	dma.local [hbm:s3], $0xF7A  }
0x26: {  	[smem:$0x3F96] =	sst s1;
	(tag) =	ssettag s2;
	_ =	strace s9  }
0x27: {  	s1 =	sld [smem:$0x3FA6]  }
0x28: {  	s2 =	sld [smem:$0x3FA7]  }
0x29: {  	s4 =	sld [smem:$0x3FA9]  }
0x2a: {  	p0 =	seq.s32 s5, $0x0;
	s5 =	sld [smem:$0x3FAA]  }
0x2b: {  	s6 =	sld [smem:$0x3FAB]  }
0x2c: {  	s7 =	sld [smem:$0x3FAC]  }
0x2d: {  	s3 =	simm.s32 $0x108;
	s8 =	sld [smem:$0x3FAD]  }
0x2e: {  	s3 =	simm.s32 @!p0 $0x1082;
	s9 =	sld [smem:$0x3FAE]  }
0x2f: {  	lr =	sadd.s32 s0, s3;
	s0 =	sld [smem:$0x3FA5]  }
0x30: {  	s3 =	sld [smem:$0x3FA8]  }
0x31: {  	[smem:$0x3FB1] =	sst s10  }
0x32: {  	s10 =	sld [smem:$0x3FAF];
	_ =	sdelay $0x3  }
0x33: {  	p0 =	seq.s32 s10, $0x1;
	s10 =	sld [smem:$0x3FB1];
	_ =	sdelay $0x3  }
0x34: {  	[smem:$0x3FB1] =	sst s10  }
0x35: {  	s10 =	sld [smem:$0x3FB0];
	_ =	sdelay $0x3  }
0x36: {  	p1 =	seq.s32 s10, $0x1;
	s10 =	sld [smem:$0x3FB1];
	_ =	sdelay $0x3  }
0x37: {  	[smem:$0x3FB1] =	sst s10  }
0x38: {  	s10 =	sld [smem:$0x3FB2]  }
0x39: {  	_ = 	snop;
	(pc) =	sbr.ind lr, $3  }
0x3a: {  	_ = 	snop  }
0x3b: {  	_ = 	snop  }
0x3c: {  	p2 =	seq.s32 s10, $0x1;
	s10 =	sld [smem:$0x3FB1]  }
0x3d: {  	_ =	shalt  }
0x3e: {  	_ =	shalt  }
0x3f: {  	_ =	shalt  }
0x40: {  	_ =	shalt  }
0x41: {  	_ =	shalt  }
0x42: {  	_ =	shalt  }
0x43: {  	_ =	shalt  }
0x44: {  	_ =	shalt  }
0x45: {  	_ =	shalt  }
0x46: {  	_ =	shalt  }
0x47: {  	_ =	shalt  }
0x48: {  	_ =	shalt  }
0x49: {  	_ =	shalt  }
0x4a: {  	_ =	shalt  }
0x4b: {  	_ =	shalt  }
0x4c: {  	_ =	shalt  }
0x4d: {  	_ =	shalt  }
0x4e: {  	_ =	shalt  }
0x4f: {  	_ =	shalt  }
0x50: {  	_ =	shalt  }
0x51: {  	_ =	shalt  }
0x52: {  	_ =	shalt  }
0x53: {  	_ =	shalt  }
0x54: {  	_ =	shalt  }
0x55: {  	_ =	shalt  }
0x56: {  	_ =	shalt  }
0x57: {  	_ =	shalt  }
0x58: {  	_ =	shalt  }
0x59: {  	_ =	shalt  }
0x5a: {  	_ =	shalt  }
0x5b: {  	_ =	shalt  }
0x5c: {  	_ =	shalt  }
0x5d: {  	_ =	shalt  }
0x5e: {  	_ =	shalt  }
0x5f: {  	_ =	shalt  }
0x60: {  	_ =	shalt  }
0x61: {  	_ =	shalt  }
0x62: {  	_ =	shalt  }
0x63: {  	_ =	shalt  }
0x64: {  	_ =	shalt  }
0x65: {  	_ =	shalt  }
0x66: {  	_ =	shalt  }
0x67: {  	_ =	shalt  }
0x68: {  	_ =	shalt  }
0x69: {  	_ =	shalt  }
0x6a: {  	_ =	shalt  }
0x6b: {  	_ =	shalt  }
0x6c: {  	_ =	shalt  }
0x6d: {  	_ =	shalt  }
0x6e: {  	_ =	shalt  }
0x6f: {  	_ =	shalt  }
0x70: {  	_ =	shalt  }
0x71: {  	_ =	shalt  }
0x72: {  	_ =	shalt  }
0x73: {  	_ =	shalt  }
0x74: {  	_ =	shalt  }
0x75: {  	_ =	shalt  }
0x76: {  	_ =	shalt  }
0x77: {  	_ =	shalt  }
0x78: {  	_ =	shalt  }
0x79: {  	_ =	shalt  }
0x7a: {  	_ =	shalt  }
0x7b: {  	_ =	shalt  }
0x7c: {  	_ =	shalt  }
0x7d: {  	_ =	shalt  }
0x7e: {  	_ =	shalt  }
0x7f: {  	_ =	shalt  }
0x80: {  	_ =	shalt  }
0x81: {  	_ =	shalt  }
0x82: {  	_ =	shalt  }
0x83: {  	_ =	shalt  }
0x84: {  	_ =	shalt  }
0x85: {  	_ =	shalt  }
0x86: {  	_ =	shalt  }
0x87: {  	_ =	shalt  }
.Lfunc_end0:
.L_simem_size_0:
called_computation_lowered:
.L_overlay_start_0:
0x88: {  	s2 =	sld [smem:$0x3FD9]  }
0x89: {  	s3 =	sld [smem:$0x3FFE];
	_ =	sdelay $0x1  }
0x8a: {  	s1 =	srdreg.scid  }
0x8b: {  	s0 =	sand.u32 $0x1, s1  }
0x8c: {  	s16 =	sshll.u32 s0, $0xA;
	s2 =	sadd.s32 s3, s2  }
0x8d: {  	s2 =	sadd.s32 s2, s16  }
0x8e: {  	[smem:$0x3FBD] =	sst s2  }
0x8f: {  	_ = 	snop  }
0x90: {  	(tm) =	ssettm $0x1  }
0x91: {  	s17 =	sld [smem:$0x3FFB];
	_ =	sdelay $0x3  }
0x92: {  	_ =	strace s17  }
0x93: {  	s2 =	sld [smem:$0x3FFC];
	_ =	sdelay $0x3  }
0x94: {  	_ =	strace s2  }
0x95: {  	s2 =	sld [smem:$0x3FFD];
	_ =	sdelay $0x3  }
0x96: {  	_ =	strace s2  }
0x97: {  	_ =	strace $0x8FFFFFFF  }
0x98: {  	s18 =	sld [smem:$0x3FDB];
	_ =	sdelay $0x1  }
0x99: {  	s19 =	simm.s32 $_scs_section_size  }
0x9a: {  	s4 =	simm.s32 $_size__tile_overlayer_lowered;
	s5 =	simm.s32 $_tile_overlayer_lowered  }
0x9b: {  	s22 =	simm.s32 $0x1BFF;
	s21 =	sshll.u32 s5, $0x1;
	s2 =	sadd.s32 s19, s18  }
0x9c: {  	s6 =	simm.s32 $0x0;
	s20 =	sshll.u32 s4, $0x1;
	s4 =	sadd.s32 s21, s2  }
0x9d: {  	[timem:s6], [sflag:s22] =	dma.local [hbm:s4], s20  }
0x9e: {  	_ =	swait.ge [sflag:s22], s20  }
0x9f: {  	s3 =	ssub.s32 $0x0, s20;
	[sflag:s22] =	ssyncset.done $0x0  }
0xa0: {  	[sflag:s22] =	ssyncadd.s32 s3;
	_ =	sdelay $0x1  }
0xa1: {  	s23 =	simm.s32 $0x1B8B  }
0xa2: {  	_ =	swait.ge [sflag:s23], $0x1  }
0xa3: {  	[sflag:s23] =	ssyncset.done $0x0  }
0xa4: {  	s25 =	simm.s32 $0x1B8E;
	s24 =	sld [smem:$0x3FFE];
	[sflag:s23] =	ssyncadd.s32 $0xFFFFFFFF  }
0xa5: {  	s26 =	simm.s32 $execute0_lowered;
	[smem:$0x3FD2] =	sst s25  }
0xa6: {  	s4 =	sshll.u32 s26, $0x1;
	_ =	strace $0x80000046;
	[dreg:$0x1] =	wrdreg $0xFFFFFFFF  }
0xa7: {  	s28 =	simm.s32 $_size_execute0_lowered;
	s2 =	sadd.s32 s2, s4;
	[dreg:$0x0] =	wrdreg $0x0  }
0xa8: {  	s4 =	sshll.u32 s28, $0x1;
	[dreg:$0x2] =	wrdreg s2  }
0xa9: {  	[dreg:$0x3] =	wrdreg s4  }
0xaa: {  	[dreg:$0x4] =	wrdreg $0xC0  }
0xab: {  	_ =	task [dreg:s6], $0x5FFFF  }
0xac: {  	[dreg:$0x1] =	wrdreg $0xFFFFFFFF  }
0xad: {  	[dreg:$0x0] =	wrdreg $0x60  }
0xae: {  	[dreg:$0x2] =	wrdreg s24  }
0xaf: {  	[dreg:$0x3] =	wrdreg $0x9  }
0xb0: {  	_ =	task.clear_ibuf [dreg:s6], $0x4FFFF;
	_ =	strace $0x90000046  }
0xb1: {  	s29 =	simm.s32 $0x9;
	_ =	strace $0x80000048  }
0xb2: {  	_ =	swait.ge [sflag:s29], $0x1  }
0xb3: {  	[sflag:s29] =	ssyncadd.s32 $0xFFFFFFFF  }
0xb4: {  	_ =	strace $0x90000048  }
0xb5: {  	_ =	sfence  }
0xb6: {  	s30 =	sld [smem:$0x0];
	_ =	sdelay $0x2  }
0xb7: {  	s31 =	sshll.u32 s1, $0xD;
	s1 =	sshrl.u32 s1, $0x2  }
0xb8: {  	s3 =	sand.u32 $0x4000, s31;
	s1 =	sadd.s32 s1, s30  }
0xb9: {  	s0 =	sor.u32 s3, s0;
	s1 =	sshll.u32 s1, $0x11  }
0xba: {  	s0 =	sor.u32 s1, s0  }
0xbb: {  	s0 =	sadd.s32 $0x8F2B, s0  }
0xbc: {  	[sflag:s0] =	ssyncadd.remote.s32 $0x1  }
0xbd: {  	_ =	sfence.sel $0xFFFF  }
0xbe: {  	[dreg:$0x0] =	wrdreg $0xFFFFFFFF;
	(pc) =	sbr.abs _section_cstart, $3  }
0xbf: {  	[dreg:$0x1] =	wrdreg $0xFFFFFFFF  }
0xc0: {  	_ =	task.clear_ibuf [dreg:s6], $0x2FFFF;
	_ =	strace $0x9FFFFFFF  }
0xc1: {  	(tm) =	ssettm $0x7FFFFFFF  }
tec
execute0_lowered:
.L_overlay_start_1:
0x0: {  	(tag) =	ssettag $0x1  }
0x1: {  	s0 =	srdreg.scid;
	s4 =	rddreg [dreg:$0x0]  }
0x2: {  	s9 =	simm.s32 $0x0;
	s3 =	sand.u32 $0x1, s0;
	s0 =	stileid.u32  }
0x3: {  	s1 =	sshll.u32 s3, $0x4;
	s5 =	smul.u32 $0x27100, s3;
	s7 =	sshll.u32 s0, $0x7  }
0x4: {  	s8 =	smul.u32 $0x2710, s0;
	s3 =	ssub.s32 $0x2, s3;
	s2 =	sor.u32 s0, s1  }
0x5: {  	s1 =	rddreg [dreg:$0x1];
	s7 =	sand.u32 $0x380, s7;
	s6 =	sshrl.u32 s2, $0x3  }
0x6: {  	s30 =	sshrl.u32 s3, $0x1;
	s2 =	simm.s32 $0x0;
	s6 =	smul.u32 $0x13C00, s6  }
0x7: {  	s5 =	sadd.s32 s8, s5;
	s31 =	ssub.s32 s3, s30;
	s8 =	simm.s32 $0x400  }
0x8: {  	[smem:$0x7FF] =	sst s2;
	s5 =	sshrl.u32 s5, $0x3;
	s6 =	sor.u32 s7, s6  }
0x9: {  	_ =	strace $0x80000047;
	s5 =	sadd.s32 s5, s4;
	s6 =	sshrl.u32 s6, $0x3  }
0xa: {  	s5 =	sadd.s32 $0x1E00, s5;
	s7 =	simm.s32 $0x80;
	s6 =	sadd.s32 s6, s4  }
0xb: {  	v0 =	vimm.f32 $0.0e+00;
	v1 =	vimm.f32 $1.000000000e+00;
	s4 =	smax.u32 s31, $0x1;
	s3 =	sadd.s32 $0x15A00, s6;
	s6 =	simm.s32 $0x1  }
.LBB2_1:
0xc: {  	s10 =	simm.s32 $0x0  }
.LBB2_2:
0xd: {  	p0 =	sne.s32 s10, $0x9C00  }
.Ltmp0:
0xe: {  	_ = 	snop;
	(pc) =	sbr.rel @p0 .LBB2_2-.Ltmp0, $3  }
0xf: {  	_ =	sdelay $0x1  }
0x10: {  	s11 =	sshra.s32 s10, $0x2  }
0x11: {  	s10 =	sadd.s32 $0x40, s10;
	[tilespmem:s11+$0x80] =	vst v0  }
0x12: {  	s10 =	simm.s32 $0x0  }
.LBB2_4:
0x13: {  	s11 =	sadd.s32 s10, s5  }
0x14: {  	[tilespmem:s2], [sflag:$0x1] =	stream.linear.gather [hbm4b:s11+s2], $0x50, $0x38;
	[tilespmem:$0x2800] =	vst v63  }
0x15: {  	_ =	swait.ge [sflag:s6], $0x50  }
0x16: {  	[sflag:s6] =	ssyncset.done $0x0  }
0x17: {  	[sflag:s6] =	ssyncadd.s32 $0xFFFFFFB0  }
0x18: {  	v2 =	vld [tilespmem:$0x0];
	_ =	sdelay $0x7  }
0x19: {  	[tilespmem:v2+s7+$0x0] =	vst.idx.add.f32.msk $0xffff, v1  }
0x1a: {  	v2 =	vld [tilespmem:$0x10];
	_ =	sdelay $0x7  }
0x1b: {  	[tilespmem:v2+s7+$0x0] =	vst.idx.add.f32.msk $0xffff, v1  }
0x1c: {  	v2 =	vld [tilespmem:$0x20];
	_ =	sdelay $0x7  }
0x1d: {  	[tilespmem:v2+s7+$0x0] =	vst.idx.add.f32.msk $0xffff, v1  }
0x1e: {  	v2 =	vld [tilespmem:$0x30];
	_ =	sdelay $0x7  }
0x1f: {  	[tilespmem:v2+s7+$0x0] =	vst.idx.add.f32.msk $0xffff, v1  }
0x20: {  	v2 =	vld [tilespmem:$0x40];
	_ =	sdelay $0x2  }
0x21: {  	p0 =	sne.s32 s10, $0x4D8  }
.Ltmp1:
0x22: {  	_ = 	snop;
	(pc) =	sbr.rel @p0 .LBB2_4-.Ltmp1, $2  }
0x23: {  	_ =	sdelay $0x2  }
0x24: {  	s10 =	sadd.s32 $0xA, s10;
	[tilespmem:v2+s7+$0x0] =	vst.idx.add.f32.msk $0xffff, v1  }
0x25: {  	s9 =	sadd.s32 $0x1, s9  }
0x26: {  	p0 =	sne.s32 s9, s4  }
.Ltmp2:
0x27: {  	_ = 	snop;
	(pc) =	sbr.rel @p0 .LBB2_1-.Ltmp2, $4  }
0x28: {  	[hbm4b:s3+s7] =	stream.strided.scatter [tilespmem:s7], [sflag:$0x1], $0x2780, s8, s7, $0x38;
	[tilespmem:$0x2800] =	vst v63  }
0x29: {  	_ =	swait.ge [sflag:s6], $0x2780  }
0x2a: {  	[sflag:s6] =	ssyncset.done $0x0  }
0x2b: {  	[sflag:s6] =	ssyncadd.s32 $0xFFFFD880  }
0x2c: {  	_ =	sfence.sel $0x180000  }
0x2d: {  	[bflag:$0x0] =	sbarrier.arrive $0xFFFF  }
0x2e: {  	p0 =	sne.s32 s0, $0x0;
	_ =	strace $0x90000047  }
0x2f: {  	s0 =	sadd.s32 @!p0 $0x100000, s1;
	[bflag:$0x2] =	sbarrier.arrive $0xFFFF  }
0x30: {  	[sflag:s0] =	ssyncadd.tile.s32 @!p0 $0x1;
	_ =	shalt  }
.Lfunc_end2:
_tile_overlayer_lowered:
.L_overlay_start_2:
0x31: {  	(tag) =	ssettag $0x2  }
0x32: {  	s0 =	rddreg [dreg:$0x0];
	s2 =	stileid.u32  }
0x33: {  	s1 =	rddreg [dreg:$0x1];
	p0 =	sne.s32 s2, $0x0  }
0x34: {  	s3 =	rddreg [dreg:$0x2];
	[bflag:$0x3] =	sbarrier.arrive $0xFFFF;
	s2 =	simm.s32 @!p0 $0x1C01  }
0x35: {  	[timem:s3], [sflag:s2] =	dma.local @!p0 [hbm:s0], s1  }
0x36: {  	s0 =	simm.s32 @!p0 $0x1  }
0x37: {  	_ =	swait.ge @!p0 [sflag:s0], s1  }
0x38: {  	s1 =	ssub.s32 @!p0 $0x0, s1;
	[sflag:s0] =	ssyncset.done @!p0 $0x0  }
0x39: {  	[sflag:s0] =	ssyncadd.s32 @!p0 s1  }
0x3a: {  	[bflag:$0x3] =	sbarrier.arrive $0xFFFF  }
0x3b: {  	_ =	shalt  }

</sc_bundles>
